<compile_context>
chip_gen: v7x
topology: tpu7x:2x2x1
jax: 0.10.2.dev20260603
libtpu: 0.0.44.dev20260713+nightly
codegen_flags: <defaults>
</compile_context>

<pallas_src>
import functools

import jax
import jax.numpy as jnp
from jax import lax
from jax.experimental import pallas as pl
from jax.experimental.pallas import tpu as pltpu
from jax.experimental.pallas import tpu_sc as plsc

_N = 10000
_E = 320000
_F = 128
_G = 256
_P = 480

_NC = 2
_NS = 16
_NW = _NC * _NS
_CH = 128
_BLK = 8
_NB = 10
_EC = _NB * _BLK
_EPW = _EC * _CH
_EP = _EPW * _NW
_ISL = 3 * _BLK
_NP = 10240
_RPT = _NP // _NS
_NPS = 12288
_RPW = _NPS // _NW
_SC = _RPW // _CH



@functools.lru_cache(maxsize=None)
def _edge_agg_kernel():
    mesh = plsc.VectorSubcoreMesh(core_axis_name="c", subcore_axis_name="s")

    @functools.partial(
        pl.kernel,
        out_type=jax.ShapeDtypeStruct((_NC, _NP, _F), jnp.float32),
        mesh=mesh,
        scratch_types=[
            pltpu.VMEM((_ISL, _CH), jnp.int32),
            pltpu.VMEM((_ISL, _CH), jnp.int32),
            pltpu.VMEM((2, _CH, _F), jnp.float32),
            pltpu.VMEM_SHARED((_NP, _F), jnp.float32),
            pltpu.SemaphoreType.DMA,
            pltpu.SemaphoreType.DMA,
        ],
    )
    def k(x_hbm, src_hbm, dst_hbm, zeros_hbm, out_hbm, si_v, di_v, r_v, acc_sh,
          g0, g1):
        c = lax.axis_index("c")
        s = lax.axis_index("s")
        wid = c * _NS + s
        sems = (g0, g1)
        pltpu.sync_copy(src_hbm.at[wid, pl.ds(0, 2 * _BLK)],
                        si_v.at[pl.ds(0, 2 * _BLK)])
        pltpu.sync_copy(dst_hbm.at[wid, pl.ds(0, 2 * _BLK)],
                        di_v.at[pl.ds(0, 2 * _BLK)])
        pltpu.async_copy(x_hbm.at[si_v.at[0]], r_v.at[0], g0)
        pltpu.async_copy(x_hbm.at[si_v.at[1]], r_v.at[1], g1)
        pltpu.sync_copy(zeros_hbm.at[pl.ds(s * _RPT, _RPT)],
                        acc_sh.at[pl.ds(s * _RPT, _RPT)])
        plsc.subcore_barrier()

        def body(i, carry):
            t0 = 2 * i

            @pl.when(jnp.logical_and(lax.rem(t0, _BLK) == 0, t0 + _BLK < _EC))
            def _():
                hb = pl.multiple_of(t0 + _BLK, _BLK)
                sl = pl.multiple_of(lax.rem(t0 + _BLK, _ISL), _BLK)
                pltpu.sync_copy(src_hbm.at[wid, pl.ds(hb, _BLK)],
                                si_v.at[pl.ds(sl, _BLK)])
                pltpu.sync_copy(dst_hbm.at[wid, pl.ds(hb, _BLK)],
                                di_v.at[pl.ds(sl, _BLK)])

            for q in range(2):
                t = t0 + q
                pltpu.make_async_copy(x_hbm.at[si_v.at[lax.rem(t, _ISL)]],
                                      r_v.at[q], sems[q]).wait()
                pltpu.sync_copy(r_v.at[q], acc_sh.at[di_v.at[lax.rem(t, _ISL)]],
                                add=True)

                @pl.when(t + 2 < _EC)
                def _():
                    pltpu.async_copy(x_hbm.at[si_v.at[lax.rem(t + 2, _ISL)]],
                                     r_v.at[q], sems[q])

            return carry

        lax.fori_loop(0, _EC // 2, body, 0)
        plsc.subcore_barrier()
        pltpu.sync_copy(acc_sh.at[pl.ds(s * _RPT, _RPT)],
                        out_hbm.at[c, pl.ds(s * _RPT, _RPT)])

    return k


@functools.lru_cache(maxsize=None)
def _segsum_kernel():
    mesh = plsc.VectorSubcoreMesh(core_axis_name="c", subcore_axis_name="s")

    @functools.partial(
        pl.kernel,
        out_type=jax.ShapeDtypeStruct((_NC, _G, _F), jnp.float32),
        mesh=mesh,
        scratch_types=[
            pltpu.VMEM((_SC, _CH), jnp.int32),
            pltpu.VMEM((_CH, _F), jnp.float32),
            pltpu.VMEM_SHARED((_G, _F), jnp.float32),
        ],
    )
    def k(h_hbm, bat_hbm, zeros_hbm, out_hbm, bat_v, rows_v, acc_sh):
        c = lax.axis_index("c")
        s = lax.axis_index("s")
        wid = c * _NS + s
        gpt = _G // _NS
        pltpu.sync_copy(zeros_hbm.at[pl.ds(s * gpt, gpt)],
                        acc_sh.at[pl.ds(s * gpt, gpt)])
        pltpu.sync_copy(bat_hbm.at[wid], bat_v)
        plsc.subcore_barrier()

        def body(j, carry):
            pltpu.sync_copy(h_hbm.at[pl.ds(wid * _RPW + j * _CH, _CH)], rows_v)
            pltpu.sync_copy(rows_v, acc_sh.at[bat_v.at[j]], add=True)
            return carry

        lax.fori_loop(0, _SC, body, 0)
        plsc.subcore_barrier()
        pltpu.sync_copy(acc_sh.at[pl.ds(s * gpt, gpt)],
                        out_hbm.at[c, pl.ds(s * gpt, gpt)])

    return k



def _gin_dense_body(x_ref, agg_ref, w1_ref, b1_ref, g_ref, bb_ref, w2_ref,
                    b2_ref, o_ref):
    mask = (lax.broadcasted_iota(jnp.int32, (_NP, 1), 0) < _N).astype(jnp.float32)
    h = x_ref[...] + (agg_ref[0] + agg_ref[1])
    y = jnp.dot(h, w1_ref[...], preferred_element_type=jnp.float32) + b1_ref[...]
    m = jnp.sum(y * mask, axis=0, keepdims=True) * (1.0 / _N)
    dlt = (y - m) * mask
    v = jnp.sum(dlt * dlt, axis=0, keepdims=True) * (1.0 / _N)
    z = jnp.maximum((y - m) / jnp.sqrt(v + 1e-5) * g_ref[...] + bb_ref[...], 0.0)
    out = jnp.maximum(jnp.dot(z, w2_ref[...], preferred_element_type=jnp.float32)
                      + b2_ref[...], 0.0)
    o_ref[...] = out * mask


def _gin_dense(x_pad, agg, w1, b1, g, bb, w2, b2):
    return pl.pallas_call(
        _gin_dense_body,
        out_shape=jax.ShapeDtypeStruct((_NP, _F), jnp.float32),
    )(x_pad, agg, w1, b1.reshape(1, -1), g.reshape(1, -1), bb.reshape(1, -1),
      w2, b2.reshape(1, -1))


def _head_body(xg_ref, prot_ref, pw_ref, pb_ref, pg_ref, pbb_ref,
               w1_ref, b1_ref, g_ref, bb_ref, w2_ref, b2_ref, w3_ref, b3_ref,
               o_ref):
    xg = xg_ref[0] + xg_ref[1]
    t = jnp.dot(prot_ref[...], pw_ref[...],
                preferred_element_type=jnp.float32) + pb_ref[...]
    mu = jnp.mean(t, axis=1, keepdims=True)
    dt = t - mu
    var = jnp.mean(dt * dt, axis=1, keepdims=True)
    tn = (t - mu) / jnp.sqrt(var + 1e-5) * pg_ref[...] + pbb_ref[...]
    xp = 0.5 * tn * (1.0 + lax.erf(tn / 1.4142135623730951))
    xc = jnp.concatenate([xg, xp], axis=1)
    y = jnp.dot(xc, w1_ref[...], preferred_element_type=jnp.float32) + b1_ref[...]
    m = jnp.mean(y, axis=0, keepdims=True)
    dy = y - m
    v = jnp.mean(dy * dy, axis=0, keepdims=True)
    z = jnp.maximum((y - m) / jnp.sqrt(v + 1e-5) * g_ref[...] + bb_ref[...], 0.0)
    z = jnp.maximum(jnp.dot(z, w2_ref[...], preferred_element_type=jnp.float32)
                    + b2_ref[...], 0.0)
    o_ref[...] = jnp.dot(z, w3_ref[...], preferred_element_type=jnp.float32) \
        + b3_ref[...]


def _head(xg, prot, pw, pb, pg, pbb, w1, b1, g, bb, w2, b2, w3, b3):
    return pl.pallas_call(
        _head_body,
        out_shape=jax.ShapeDtypeStruct((_G, 1), jnp.float32),
    )(xg, prot, pw, pb.reshape(1, -1), pg.reshape(1, -1), pbb.reshape(1, -1),
      w1, b1.reshape(1, -1), g.reshape(1, -1), bb.reshape(1, -1),
      w2, b2.reshape(1, -1), w3, b3.reshape(1, -1))



def kernel(x, edge_index, batch, protein_emb,
           c1_w1, c1_b1, c1_g, c1_bb, c1_w2, c1_b2,
           c2_w1, c2_b1, c2_g, c2_bb, c2_w2, c2_b2,
           c3_w1, c3_b1, c3_g, c3_bb, c3_w2, c3_b2,
           prot_w, prot_b, prot_g, prot_bb,
           pred_w1, pred_b1, pred_g, pred_bb, pred_w2, pred_b2, pred_w3, pred_b3):
    f32 = jnp.float32
    x_pad = jnp.zeros((_NP, _F), f32).at[:_N].set(x)
    pad_rows = _N + jnp.arange(_EP - _E, dtype=jnp.int32) % (_NP - _N)
    src = jnp.concatenate([edge_index[0], pad_rows]).reshape(_NW, _EC, _CH)
    dst = jnp.concatenate([edge_index[1], pad_rows]).reshape(_NW, _EC, _CH)
    bat = jnp.concatenate(
        [batch, jnp.arange(_NPS - _N, dtype=jnp.int32) % _G]
    ).reshape(_NW, _SC, _CH)
    zeros_n = jnp.zeros((_NP, _F), f32)
    zeros_g = jnp.zeros((_G, _F), f32)

    edge_agg = _edge_agg_kernel()
    h = x_pad
    for (w1, b1, g, bb, w2, b2) in (
            (c1_w1, c1_b1, c1_g, c1_bb, c1_w2, c1_b2),
            (c2_w1, c2_b1, c2_g, c2_bb, c2_w2, c2_b2),
            (c3_w1, c3_b1, c3_g, c3_bb, c3_w2, c3_b2)):
        agg = edge_agg(h, src, dst, zeros_n)
        h = _gin_dense(h, agg, w1, b1, g, bb, w2, b2)

    h_seg = jnp.zeros((_NPS, _F), f32).at[:_NP].set(h)
    xg = _segsum_kernel()(h_seg, bat, zeros_g)
    prot = protein_emb.reshape(_G, _P)
    z = _head(xg, prot, prot_w, prot_b, prot_g, prot_bb,
              pred_w1, pred_b1, pred_g, pred_bb,
              pred_w2, pred_b2, pred_w3, pred_b3)
    return z.reshape(-1)

# --- scband reference (transcript-rebuilt; emitter-appended) ---
"""Pipeline reference for scband-gilgamesh-predictor-v2-43413529428577 (READ-ONLY COPY).

The authoritative reference and input builder live on the scoring server;
editing this copy changes nothing except your own understanding.
"""

import jax, jax.numpy as jnp
import numpy as np

N = 10000; E = 320000; F = 128; H = 128; G = 256; P = 480

def _bn(x, g, b):
    m = jnp.mean(x, axis=0)
    v = jnp.var(x, axis=0)
    return (x - m) / jnp.sqrt(v + 1e-5) * g + b

def _ln(x, g, b):
    m = jnp.mean(x, axis=-1, keepdims=True)
    v = jnp.var(x, axis=-1, keepdims=True)
    return (x - m) / jnp.sqrt(v + 1e-5) * g + b

def setup_inputs(seed: int = 0):
    key = jax.random.key(seed)
    ks = jax.random.split(key, 40)
    d = {}
    d['x'] = jax.random.normal(ks[0], (N, F), jnp.float32)
    d['edge_index'] = jax.random.randint(ks[1], (2, E), 0, N, dtype=jnp.int32)
    d['batch'] = jnp.sort(jax.random.randint(ks[2], (N,), 0, G, dtype=jnp.int32))
    d['protein_emb'] = jax.random.normal(ks[3], (G, 1, P), jnp.float32)
    i = 4
    for c, fin in [('c1', F), ('c2', H), ('c3', H)]:
        d[c + '_w1'] = jax.random.normal(ks[i], (fin, H), jnp.float32) / np.sqrt(fin); i += 1
        d[c + '_b1'] = jnp.zeros((H,), jnp.float32)
        d[c + '_g'] = jnp.ones((H,), jnp.float32)
        d[c + '_bb'] = jnp.zeros((H,), jnp.float32)
        d[c + '_w2'] = jax.random.normal(ks[i], (H, H), jnp.float32) / np.sqrt(H); i += 1
        d[c + '_b2'] = jnp.zeros((H,), jnp.float32)
    d['prot_w'] = jax.random.normal(ks[i], (P, H), jnp.float32) / np.sqrt(P); i += 1
    d['prot_b'] = jnp.zeros((H,), jnp.float32)
    d['prot_g'] = jnp.ones((H,), jnp.float32)
    d['prot_bb'] = jnp.zeros((H,), jnp.float32)
    d['pred_w1'] = jax.random.normal(ks[i], (2 * H, 128), jnp.float32) / np.sqrt(2.0 * H); i += 1
    d['pred_b1'] = jnp.zeros((128,), jnp.float32)
    d['pred_g'] = jnp.ones((128,), jnp.float32)
    d['pred_bb'] = jnp.zeros((128,), jnp.float32)
    d['pred_w2'] = jax.random.normal(ks[i], (128, 64), jnp.float32) / np.sqrt(128.0); i += 1
    d['pred_b2'] = jnp.zeros((64,), jnp.float32)
    d['pred_w3'] = jax.random.normal(ks[i], (64, 1), jnp.float32) / np.sqrt(64.0); i += 1
    d['pred_b3'] = jnp.zeros((1,), jnp.float32)
    return d

def _gin(x, ei, w1, b1, g, bb, w2, b2):
    src = ei[0]; dst = ei[1]
    agg = jnp.zeros_like(x).at[dst].add(x[src])
    h = x + agg
    h = jax.nn.relu(_bn(h @ w1 + b1, g, bb))
    return jax.nn.relu(h @ w2 + b2)

def reference(x, edge_index, batch, protein_emb,
              c1_w1, c1_b1, c1_g, c1_bb, c1_w2, c1_b2,
              c2_w1, c2_b1, c2_g, c2_bb, c2_w2, c2_b2,
              c3_w1, c3_b1, c3_g, c3_bb, c3_w2, c3_b2,
              prot_w, prot_b, prot_g, prot_bb,
              pred_w1, pred_b1, pred_g, pred_bb, pred_w2, pred_b2, pred_w3, pred_b3):
    h = _gin(x, edge_index, c1_w1, c1_b1, c1_g, c1_bb, c1_w2, c1_b2)
    h = _gin(h, edge_index, c2_w1, c2_b1, c2_g, c2_bb, c2_w2, c2_b2)
    h = _gin(h, edge_index, c3_w1, c3_b1, c3_g, c3_bb, c3_w2, c3_b2)
    x_graph = jax.ops.segment_sum(h, batch, num_segments=G)
    p = protein_emb[:, 0, :]
    x_prot = jax.nn.gelu(_ln(p @ prot_w + prot_b, prot_g, prot_bb), approximate=False)
    xc = jnp.concatenate([x_graph, x_prot], axis=1)
    z = jax.nn.relu(_bn(xc @ pred_w1 + pred_b1, pred_g, pred_bb))
    z = jax.nn.relu(z @ pred_w2 + pred_b2)
    z = z @ pred_w3 + pred_b3
    return z.reshape(-1)

if __name__ == "__main__":
    import jax
    _d = setup_inputs()
    print(jax.jit(kernel)(*tuple(_d.values())))

</pallas_src>

<mosaic_0001>
#map = affine_map<(d0, d1) -> (0, 0)>
#map1 = affine_map<(d0, d1) -> (0, 0, 0)>
module attributes {stable_mosaic.version = 14 : i64} {
  func.func @k(%arg0: i32, %arg1: i32, %arg2: memref<10240x128xf32, #tpu.memory_space<hbm>>, %arg3: memref<32x80x128xi32, #tpu.memory_space<hbm>>, %arg4: memref<32x80x128xi32, #tpu.memory_space<hbm>>, %arg5: memref<10240x128xf32, #tpu.memory_space<hbm>>, %arg6: memref<2x10240x128xf32, #tpu.memory_space<hbm>>, %arg7: memref<24x128xi32, #tpu.memory_space<vmem>>, %arg8: memref<24x128xi32, #tpu.memory_space<vmem>>, %arg9: memref<2x128x128xf32, #tpu.memory_space<vmem>>, %arg10: memref<10240x128xf32, #tpu.memory_space<vmem_shared>>, %arg11: memref<!tpu.dma_semaphore, #tpu.memory_space<semaphore_mem>>, %arg12: memref<!tpu.dma_semaphore, #tpu.memory_space<semaphore_mem>>) attributes {dimension_semantics = [#tpu.dimension_semantics<core_parallel>, #tpu.dimension_semantics<subcore_parallel>], iteration_bounds = array<i64: 2, 16>, scalar_prefetch = 0 : i64, scratch_operands = 6 : i64, tpu.core_type = #tpu.core_type<sc_vector_subcore>, window_params = [{transform_indices = #map}, {transform_indices = #map1}, {transform_indices = #map1}, {transform_indices = #map}, {transform_indices = #map1}]} {
    %mul3A = arith.constant 16 : i32
    %mul3A_0 = arith.muli %arg0, %mul3A : i32
    %add3A = arith.addi %mul3A_0, %arg1 : i32
    "tpu.region"() ({
      %run_scoped3A = tpu.sem_alloc : memref<!tpu.dma_semaphore, #tpu.memory_space<semaphore_mem>>
      %dma_start3A_38 = arith.constant 0 : i32
      %dma_start3A_39 = arith.constant 0 : i32
      %dma_start3A_40 = tpu.memref_slice %arg7[%dma_start3A_38, %dma_start3A_39] : memref<24x128xi32, #tpu.memory_space<vmem>> -> memref<16x128xi32, #tpu.memory_space<vmem>>
      %dma_start3A_41 = arith.constant 0 : i32
      %dma_start3A_42 = arith.constant 0 : i32
      %dma_start3A_43 = tpu.memref_slice %arg3[%add3A, %dma_start3A_41, %dma_start3A_42] : memref<32x80x128xi32, #tpu.memory_space<hbm>> -> memref<1x16x128xi32, #tpu.memory_space<hbm>>
      %dma_start3A_44 = tpu.memref_squeeze %dma_start3A_43 : memref<1x16x128xi32, #tpu.memory_space<hbm>> -> memref<16x128xi32, #tpu.memory_space<hbm>>
      %dma_start3A_45 = arith.constant 0 : i32
      %dma_start3A_46 = arith.constant 0 : i32
      %dma_start3A_47 = tpu.memref_slice %arg7[%dma_start3A_45, %dma_start3A_46] : memref<24x128xi32, #tpu.memory_space<vmem>> -> memref<16x128xi32, #tpu.memory_space<vmem>>
      %dma_start3A_48 = arith.constant 0 : i32
      %dma_start3A_49 = arith.constant 0 : i32
      %dma_start3A_50 = tpu.memref_slice %arg3[%add3A, %dma_start3A_48, %dma_start3A_49] : memref<32x80x128xi32, #tpu.memory_space<hbm>> -> memref<1x16x128xi32, #tpu.memory_space<hbm>>
      %dma_start3A_51 = tpu.memref_squeeze %dma_start3A_50 : memref<1x16x128xi32, #tpu.memory_space<hbm>> -> memref<16x128xi32, #tpu.memory_space<hbm>>
      tpu.enqueue_dma source(%dma_start3A_51 : memref<16x128xi32, #tpu.memory_space<hbm>>) target(%dma_start3A_47 : memref<16x128xi32, #tpu.memory_space<vmem>>) target_semaphore(%run_scoped3A : memref<!tpu.dma_semaphore, #tpu.memory_space<semaphore_mem>>)
      %dma_wait3A = arith.constant 0 : i32
      %dma_wait3A_52 = arith.constant 0 : i32
      %dma_wait3A_53 = tpu.memref_slice %arg7[%dma_wait3A, %dma_wait3A_52] : memref<24x128xi32, #tpu.memory_space<vmem>> -> memref<16x128xi32, #tpu.memory_space<vmem>>
      %dma_wait3A_54 = arith.constant 0 : i32
      %dma_wait3A_55 = arith.constant 0 : i32
      %dma_wait3A_56 = tpu.memref_slice %arg3[%add3A, %dma_wait3A_54, %dma_wait3A_55] : memref<32x80x128xi32, #tpu.memory_space<hbm>> -> memref<1x16x128xi32, #tpu.memory_space<hbm>>
      %dma_wait3A_57 = tpu.memref_squeeze %dma_wait3A_56 : memref<1x16x128xi32, #tpu.memory_space<hbm>> -> memref<16x128xi32, #tpu.memory_space<hbm>>
      %dma_wait3A_58 = arith.constant 0 : i32
      %dma_wait3A_59 = arith.constant 0 : i32
      %dma_wait3A_60 = tpu.memref_slice %arg7[%dma_wait3A_58, %dma_wait3A_59] : memref<24x128xi32, #tpu.memory_space<vmem>> -> memref<16x128xi32, #tpu.memory_space<vmem>>
      %dma_wait3A_61 = arith.constant 0 : i32
      %dma_wait3A_62 = arith.constant 0 : i32
      %dma_wait3A_63 = tpu.memref_slice %arg3[%add3A, %dma_wait3A_61, %dma_wait3A_62] : memref<32x80x128xi32, #tpu.memory_space<hbm>> -> memref<1x16x128xi32, #tpu.memory_space<hbm>>
      %dma_wait3A_64 = tpu.memref_squeeze %dma_wait3A_63 : memref<1x16x128xi32, #tpu.memory_space<hbm>> -> memref<16x128xi32, #tpu.memory_space<hbm>>
      tpu.wait_dma2 semaphore(%run_scoped3A : memref<!tpu.dma_semaphore, #tpu.memory_space<semaphore_mem>>) src(%dma_wait3A_64 : memref<16x128xi32, #tpu.memory_space<hbm>>) dst(%dma_wait3A_60 : memref<16x128xi32, #tpu.memory_space<vmem>>)
      tpu.yield
    }) : () -> ()
    "tpu.region"() ({
      %run_scoped3A = tpu.sem_alloc : memref<!tpu.dma_semaphore, #tpu.memory_space<semaphore_mem>>
      %dma_start3A_38 = arith.constant 0 : i32
      %dma_start3A_39 = arith.constant 0 : i32
      %dma_start3A_40 = tpu.memref_slice %arg8[%dma_start3A_38, %dma_start3A_39] : memref<24x128xi32, #tpu.memory_space<vmem>> -> memref<16x128xi32, #tpu.memory_space<vmem>>
      %dma_start3A_41 = arith.constant 0 : i32
      %dma_start3A_42 = arith.constant 0 : i32
      %dma_start3A_43 = tpu.memref_slice %arg4[%add3A, %dma_start3A_41, %dma_start3A_42] : memref<32x80x128xi32, #tpu.memory_space<hbm>> -> memref<1x16x128xi32, #tpu.memory_space<hbm>>
      %dma_start3A_44 = tpu.memref_squeeze %dma_start3A_43 : memref<1x16x128xi32, #tpu.memory_space<hbm>> -> memref<16x128xi32, #tpu.memory_space<hbm>>
      %dma_start3A_45 = arith.constant 0 : i32
      %dma_start3A_46 = arith.constant 0 : i32
      %dma_start3A_47 = tpu.memref_slice %arg8[%dma_start3A_45, %dma_start3A_46] : memref<24x128xi32, #tpu.memory_space<vmem>> -> memref<16x128xi32, #tpu.memory_space<vmem>>
      %dma_start3A_48 = arith.constant 0 : i32
      %dma_start3A_49 = arith.constant 0 : i32
      %dma_start3A_50 = tpu.memref_slice %arg4[%add3A, %dma_start3A_48, %dma_start3A_49] : memref<32x80x128xi32, #tpu.memory_space<hbm>> -> memref<1x16x128xi32, #tpu.memory_space<hbm>>
      %dma_start3A_51 = tpu.memref_squeeze %dma_start3A_50 : memref<1x16x128xi32, #tpu.memory_space<hbm>> -> memref<16x128xi32, #tpu.memory_space<hbm>>
      tpu.enqueue_dma source(%dma_start3A_51 : memref<16x128xi32, #tpu.memory_space<hbm>>) target(%dma_start3A_47 : memref<16x128xi32, #tpu.memory_space<vmem>>) target_semaphore(%run_scoped3A : memref<!tpu.dma_semaphore, #tpu.memory_space<semaphore_mem>>)
      %dma_wait3A = arith.constant 0 : i32
      %dma_wait3A_52 = arith.constant 0 : i32
      %dma_wait3A_53 = tpu.memref_slice %arg8[%dma_wait3A, %dma_wait3A_52] : memref<24x128xi32, #tpu.memory_space<vmem>> -> memref<16x128xi32, #tpu.memory_space<vmem>>
      %dma_wait3A_54 = arith.constant 0 : i32
      %dma_wait3A_55 = arith.constant 0 : i32
      %dma_wait3A_56 = tpu.memref_slice %arg4[%add3A, %dma_wait3A_54, %dma_wait3A_55] : memref<32x80x128xi32, #tpu.memory_space<hbm>> -> memref<1x16x128xi32, #tpu.memory_space<hbm>>
      %dma_wait3A_57 = tpu.memref_squeeze %dma_wait3A_56 : memref<1x16x128xi32, #tpu.memory_space<hbm>> -> memref<16x128xi32, #tpu.memory_space<hbm>>
      %dma_wait3A_58 = arith.constant 0 : i32
      %dma_wait3A_59 = arith.constant 0 : i32
      %dma_wait3A_60 = tpu.memref_slice %arg8[%dma_wait3A_58, %dma_wait3A_59] : memref<24x128xi32, #tpu.memory_space<vmem>> -> memref<16x128xi32, #tpu.memory_space<vmem>>
      %dma_wait3A_61 = arith.constant 0 : i32
      %dma_wait3A_62 = arith.constant 0 : i32
      %dma_wait3A_63 = tpu.memref_slice %arg4[%add3A, %dma_wait3A_61, %dma_wait3A_62] : memref<32x80x128xi32, #tpu.memory_space<hbm>> -> memref<1x16x128xi32, #tpu.memory_space<hbm>>
      %dma_wait3A_64 = tpu.memref_squeeze %dma_wait3A_63 : memref<1x16x128xi32, #tpu.memory_space<hbm>> -> memref<16x128xi32, #tpu.memory_space<hbm>>
      tpu.wait_dma2 semaphore(%run_scoped3A : memref<!tpu.dma_semaphore, #tpu.memory_space<semaphore_mem>>) src(%dma_wait3A_64 : memref<16x128xi32, #tpu.memory_space<hbm>>) dst(%dma_wait3A_60 : memref<16x128xi32, #tpu.memory_space<vmem>>)
      tpu.yield
    }) : () -> ()
    %dma_start3A = arith.constant 0 : i32
    %dma_start3A_1 = arith.constant 0 : i32
    %dma_start3A_2 = arith.constant 0 : i32
    %dma_start3A_3 = arith.constant 0 : i32
    %dma_start3A_4 = tpu.memref_slice %arg9[%dma_start3A_1, %dma_start3A_2, %dma_start3A_3] : memref<2x128x128xf32, #tpu.memory_space<vmem>> -> memref<1x128x128xf32, #tpu.memory_space<vmem>>
    %dma_start3A_5 = tpu.memref_squeeze %dma_start3A_4 : memref<1x128x128xf32, #tpu.memory_space<vmem>> -> memref<128x128xf32, #tpu.memory_space<vmem>>
    %dma_start3A_6 = arith.constant 0 : i32
    %dma_start3A_7 = tpu.memref_slice %arg7[%dma_start3A, %dma_start3A_6] : memref<24x128xi32, #tpu.memory_space<vmem>> -> memref<1x128xi32, #tpu.memory_space<vmem>>
    %dma_start3A_8 = tpu.memref_squeeze %dma_start3A_7 : memref<1x128xi32, #tpu.memory_space<vmem>> -> memref<128xi32, #tpu.memory_space<vmem>>
    %dma_start3A_9 = arith.constant 0 : i32
    %dma_start3A_10 = arith.constant 0 : i32
    %dma_start3A_11 = tpu.memref_slice %arg2[%dma_start3A_9, %dma_start3A_10] : memref<10240x128xf32, #tpu.memory_space<hbm>> -> memref<10240x128xf32, #tpu.memory_space<hbm>>
    tpu.enqueue_indirect_dma source(%dma_start3A_11 : memref<10240x128xf32, #tpu.memory_space<hbm>>) target(%dma_start3A_5 : memref<128x128xf32, #tpu.memory_space<vmem>>) offsets(%dma_start3A_8 : memref<128xi32, #tpu.memory_space<vmem>>) semaphore(%arg11 : memref<!tpu.dma_semaphore, #tpu.memory_space<semaphore_mem>>)
    %dma_start3A_12 = arith.constant 1 : i32
    %dma_start3A_13 = arith.constant 1 : i32
    %dma_start3A_14 = arith.constant 0 : i32
    %dma_start3A_15 = arith.constant 0 : i32
    %dma_start3A_16 = tpu.memref_slice %arg9[%dma_start3A_13, %dma_start3A_14, %dma_start3A_15] : memref<2x128x128xf32, #tpu.memory_space<vmem>> -> memref<1x128x128xf32, #tpu.memory_space<vmem>>
    %dma_start3A_17 = tpu.memref_squeeze %dma_start3A_16 : memref<1x128x128xf32, #tpu.memory_space<vmem>> -> memref<128x128xf32, #tpu.memory_space<vmem>>
    %dma_start3A_18 = arith.constant 0 : i32
    %dma_start3A_19 = tpu.memref_slice %arg7[%dma_start3A_12, %dma_start3A_18] : memref<24x128xi32, #tpu.memory_space<vmem>> -> memref<1x128xi32, #tpu.memory_space<vmem>>
    %dma_start3A_20 = tpu.memref_squeeze %dma_start3A_19 : memref<1x128xi32, #tpu.memory_space<vmem>> -> memref<128xi32, #tpu.memory_space<vmem>>
    %dma_start3A_21 = arith.constant 0 : i32
    %dma_start3A_22 = arith.constant 0 : i32
    %dma_start3A_23 = tpu.memref_slice %arg2[%dma_start3A_21, %dma_start3A_22] : memref<10240x128xf32, #tpu.memory_space<hbm>> -> memref<10240x128xf32, #tpu.memory_space<hbm>>
    tpu.enqueue_indirect_dma source(%dma_start3A_23 : memref<10240x128xf32, #tpu.memory_space<hbm>>) target(%dma_start3A_17 : memref<128x128xf32, #tpu.memory_space<vmem>>) offsets(%dma_start3A_20 : memref<128xi32, #tpu.memory_space<vmem>>) semaphore(%arg12 : memref<!tpu.dma_semaphore, #tpu.memory_space<semaphore_mem>>)
    %mul3A_24 = arith.constant 640 : i32
    %mul3A_25 = arith.muli %arg1, %mul3A_24 : i32
    %mul3A_26 = arith.constant 640 : i32
    %mul3A_27 = arith.muli %arg1, %mul3A_26 : i32
    "tpu.region"() ({
      %run_scoped3A = tpu.sem_alloc : memref<!tpu.dma_semaphore, #tpu.memory_space<semaphore_mem>>
      %dma_start3A_38 = arith.constant 0 : i32
      %dma_start3A_39 = tpu.memref_slice %arg10[%mul3A_27, %dma_start3A_38] : memref<10240x128xf32, #tpu.memory_space<vmem_shared>> -> memref<640x128xf32, #tpu.memory_space<vmem_shared>>
      %dma_start3A_40 = arith.constant 0 : i32
      %dma_start3A_41 = tpu.memref_slice %arg5[%mul3A_25, %dma_start3A_40] : memref<10240x128xf32, #tpu.memory_space<hbm>> -> memref<640x128xf32, #tpu.memory_space<hbm>>
      tpu.enqueue_dma source(%dma_start3A_41 : memref<640x128xf32, #tpu.memory_space<hbm>>) target(%dma_start3A_39 : memref<640x128xf32, #tpu.memory_space<vmem_shared>>) target_semaphore(%run_scoped3A : memref<!tpu.dma_semaphore, #tpu.memory_space<semaphore_mem>>)
      %dma_wait3A = arith.constant 0 : i32
      %dma_wait3A_42 = tpu.memref_slice %arg10[%mul3A_27, %dma_wait3A] : memref<10240x128xf32, #tpu.memory_space<vmem_shared>> -> memref<640x128xf32, #tpu.memory_space<vmem_shared>>
      %dma_wait3A_43 = arith.constant 0 : i32
      %dma_wait3A_44 = tpu.memref_slice %arg5[%mul3A_25, %dma_wait3A_43] : memref<10240x128xf32, #tpu.memory_space<hbm>> -> memref<640x128xf32, #tpu.memory_space<hbm>>
      tpu.wait_dma2 semaphore(%run_scoped3A : memref<!tpu.dma_semaphore, #tpu.memory_space<semaphore_mem>>) src(%dma_wait3A_44 : memref<640x128xf32, #tpu.memory_space<hbm>>) dst(%dma_wait3A_42 : memref<640x128xf32, #tpu.memory_space<vmem_shared>>)
      tpu.yield
    }) : () -> ()
    %barrier3A = arith.constant 0 : index
    tpu.barrier barrier_id(%barrier3A)
    %scan3A = arith.constant 0 : i32
    %scan3A_28 = arith.constant 0 : i32
    %scan3A_29 = arith.constant 40 : i32
    %scan3A_30 = arith.addi %scan3A_28, %scan3A_29 : i32
    %scan3A_31 = arith.constant 1 : i32
    scf.for %scan3A_38 = %scan3A_28 to %scan3A_30 step %scan3A_31  : i32 {
      %mul3A_39 = arith.constant 2 : i32
      %mul3A_40 = arith.muli %mul3A_39, %scan3A_38 : i32
      %rem3A = arith.constant 8 : i32
      %rem3A_41 = arith.remsi %mul3A_40, %rem3A : i32
      %eq3A = arith.constant 0 : i32
      %eq3A_42 = arith.cmpi eq, %rem3A_41, %eq3A : i32
      %add3A_43 = arith.constant 8 : i32
      %add3A_44 = arith.addi %mul3A_40, %add3A_43 : i32
      %lt3A = arith.constant 80 : i32
      %lt3A_45 = arith.cmpi slt, %add3A_44, %lt3A : i32
      %and3A = arith.andi %eq3A_42, %lt3A_45 : i1
      %convert_element_type3A = arith.extui %and3A : i1 to i32
      %cond3A = arith.constant 0 : i32
      %cond3A_46 = arith.cmpi ne, %convert_element_type3A, %cond3A : i32
      scf.if %cond3A_46 {
        %add3A_95 = arith.constant 8 : i32
        %add3A_96 = arith.addi %mul3A_40, %add3A_95 : i32
        %multiple_of3A = tpu.assume_multiple %add3A_96, 8 : i32
        %add3A_97 = arith.constant 8 : i32
        %add3A_98 = arith.addi %mul3A_40, %add3A_97 : i32
        %rem3A_99 = arith.constant 24 : i32
        %rem3A_100 = arith.remsi %add3A_98, %rem3A_99 : i32
        %multiple_of3A_101 = tpu.assume_multiple %rem3A_100, 8 : i32
        "tpu.region"() ({
          %run_scoped3A_102 = tpu.sem_alloc : memref<!tpu.dma_semaphore, #tpu.memory_space<semaphore_mem>>
          %dma_start3A_103 = arith.constant 0 : i32
          %dma_start3A_104 = tpu.memref_slice %arg7[%multiple_of3A_101, %dma_start3A_103] : memref<24x128xi32, #tpu.memory_space<vmem>> -> memref<8x128xi32, #tpu.memory_space<vmem>>
          %dma_start3A_105 = arith.constant 0 : i32
          %dma_start3A_106 = tpu.memref_slice %arg3[%add3A, %multiple_of3A, %dma_start3A_105] : memref<32x80x128xi32, #tpu.memory_space<hbm>> -> memref<1x8x128xi32, #tpu.memory_space<hbm>>
          %dma_start3A_107 = tpu.memref_squeeze %dma_start3A_106 : memref<1x8x128xi32, #tpu.memory_space<hbm>> -> memref<8x128xi32, #tpu.memory_space<hbm>>
          %dma_start3A_108 = arith.constant 0 : i32
          %dma_start3A_109 = tpu.memref_slice %arg7[%multiple_of3A_101, %dma_start3A_108] : memref<24x128xi32, #tpu.memory_space<vmem>> -> memref<8x128xi32, #tpu.memory_space<vmem>>
          %dma_start3A_110 = arith.constant 0 : i32
          %dma_start3A_111 = tpu.memref_slice %arg3[%add3A, %multiple_of3A, %dma_start3A_110] : memref<32x80x128xi32, #tpu.memory_space<hbm>> -> memref<1x8x128xi32, #tpu.memory_space<hbm>>
          %dma_start3A_112 = tpu.memref_squeeze %dma_start3A_111 : memref<1x8x128xi32, #tpu.memory_space<hbm>> -> memref<8x128xi32, #tpu.memory_space<hbm>>
          tpu.enqueue_dma source(%dma_start3A_112 : memref<8x128xi32, #tpu.memory_space<hbm>>) target(%dma_start3A_109 : memref<8x128xi32, #tpu.memory_space<vmem>>) target_semaphore(%run_scoped3A_102 : memref<!tpu.dma_semaphore, #tpu.memory_space<semaphore_mem>>)
          %dma_wait3A_113 = arith.constant 0 : i32
          %dma_wait3A_114 = tpu.memref_slice %arg7[%multiple_of3A_101, %dma_wait3A_113] : memref<24x128xi32, #tpu.memory_space<vmem>> -> memref<8x128xi32, #tpu.memory_space<vmem>>
          %dma_wait3A_115 = arith.constant 0 : i32
          %dma_wait3A_116 = tpu.memref_slice %arg3[%add3A, %multiple_of3A, %dma_wait3A_115] : memref<32x80x128xi32, #tpu.memory_space<hbm>> -> memref<1x8x128xi32, #tpu.memory_space<hbm>>
          %dma_wait3A_117 = tpu.memref_squeeze %dma_wait3A_116 : memref<1x8x128xi32, #tpu.memory_space<hbm>> -> memref<8x128xi32, #tpu.memory_space<hbm>>
          %dma_wait3A_118 = arith.constant 0 : i32
          %dma_wait3A_119 = tpu.memref_slice %arg7[%multiple_of3A_101, %dma_wait3A_118] : memref<24x128xi32, #tpu.memory_space<vmem>> -> memref<8x128xi32, #tpu.memory_space<vmem>>
          %dma_wait3A_120 = arith.constant 0 : i32
          %dma_wait3A_121 = tpu.memref_slice %arg3[%add3A, %multiple_of3A, %dma_wait3A_120] : memref<32x80x128xi32, #tpu.memory_space<hbm>> -> memref<1x8x128xi32, #tpu.memory_space<hbm>>
          %dma_wait3A_122 = tpu.memref_squeeze %dma_wait3A_121 : memref<1x8x128xi32, #tpu.memory_space<hbm>> -> memref<8x128xi32, #tpu.memory_space<hbm>>
          tpu.wait_dma2 semaphore(%run_scoped3A_102 : memref<!tpu.dma_semaphore, #tpu.memory_space<semaphore_mem>>) src(%dma_wait3A_122 : memref<8x128xi32, #tpu.memory_space<hbm>>) dst(%dma_wait3A_119 : memref<8x128xi32, #tpu.memory_space<vmem>>)
          tpu.yield
        }) : () -> ()
        "tpu.region"() ({
          %run_scoped3A_102 = tpu.sem_alloc : memref<!tpu.dma_semaphore, #tpu.memory_space<semaphore_mem>>
          %dma_start3A_103 = arith.constant 0 : i32
          %dma_start3A_104 = tpu.memref_slice %arg8[%multiple_of3A_101, %dma_start3A_103] : memref<24x128xi32, #tpu.memory_space<vmem>> -> memref<8x128xi32, #tpu.memory_space<vmem>>
          %dma_start3A_105 = arith.constant 0 : i32
          %dma_start3A_106 = tpu.memref_slice %arg4[%add3A, %multiple_of3A, %dma_start3A_105] : memref<32x80x128xi32, #tpu.memory_space<hbm>> -> memref<1x8x128xi32, #tpu.memory_space<hbm>>
          %dma_start3A_107 = tpu.memref_squeeze %dma_start3A_106 : memref<1x8x128xi32, #tpu.memory_space<hbm>> -> memref<8x128xi32, #tpu.memory_space<hbm>>
          %dma_start3A_108 = arith.constant 0 : i32
          %dma_start3A_109 = tpu.memref_slice %arg8[%multiple_of3A_101, %dma_start3A_108] : memref<24x128xi32, #tpu.memory_space<vmem>> -> memref<8x128xi32, #tpu.memory_space<vmem>>
          %dma_start3A_110 = arith.constant 0 : i32
          %dma_start3A_111 = tpu.memref_slice %arg4[%add3A, %multiple_of3A, %dma_start3A_110] : memref<32x80x128xi32, #tpu.memory_space<hbm>> -> memref<1x8x128xi32, #tpu.memory_space<hbm>>
          %dma_start3A_112 = tpu.memref_squeeze %dma_start3A_111 : memref<1x8x128xi32, #tpu.memory_space<hbm>> -> memref<8x128xi32, #tpu.memory_space<hbm>>
          tpu.enqueue_dma source(%dma_start3A_112 : memref<8x128xi32, #tpu.memory_space<hbm>>) target(%dma_start3A_109 : memref<8x128xi32, #tpu.memory_space<vmem>>) target_semaphore(%run_scoped3A_102 : memref<!tpu.dma_semaphore, #tpu.memory_space<semaphore_mem>>)
          %dma_wait3A_113 = arith.constant 0 : i32
          %dma_wait3A_114 = tpu.memref_slice %arg8[%multiple_of3A_101, %dma_wait3A_113] : memref<24x128xi32, #tpu.memory_space<vmem>> -> memref<8x128xi32, #tpu.memory_space<vmem>>
          %dma_wait3A_115 = arith.constant 0 : i32
          %dma_wait3A_116 = tpu.memref_slice %arg4[%add3A, %multiple_of3A, %dma_wait3A_115] : memref<32x80x128xi32, #tpu.memory_space<hbm>> -> memref<1x8x128xi32, #tpu.memory_space<hbm>>
          %dma_wait3A_117 = tpu.memref_squeeze %dma_wait3A_116 : memref<1x8x128xi32, #tpu.memory_space<hbm>> -> memref<8x128xi32, #tpu.memory_space<hbm>>
          %dma_wait3A_118 = arith.constant 0 : i32
          %dma_wait3A_119 = tpu.memref_slice %arg8[%multiple_of3A_101, %dma_wait3A_118] : memref<24x128xi32, #tpu.memory_space<vmem>> -> memref<8x128xi32, #tpu.memory_space<vmem>>
          %dma_wait3A_120 = arith.constant 0 : i32
          %dma_wait3A_121 = tpu.memref_slice %arg4[%add3A, %multiple_of3A, %dma_wait3A_120] : memref<32x80x128xi32, #tpu.memory_space<hbm>> -> memref<1x8x128xi32, #tpu.memory_space<hbm>>
          %dma_wait3A_122 = tpu.memref_squeeze %dma_wait3A_121 : memref<1x8x128xi32, #tpu.memory_space<hbm>> -> memref<8x128xi32, #tpu.memory_space<hbm>>
          tpu.wait_dma2 semaphore(%run_scoped3A_102 : memref<!tpu.dma_semaphore, #tpu.memory_space<semaphore_mem>>) src(%dma_wait3A_122 : memref<8x128xi32, #tpu.memory_space<hbm>>) dst(%dma_wait3A_119 : memref<8x128xi32, #tpu.memory_space<vmem>>)
          tpu.yield
        }) : () -> ()
      } else {
      }
      %add3A_47 = arith.constant 0 : i32
      %add3A_48 = arith.addi %mul3A_40, %add3A_47 : i32
      %rem3A_49 = arith.constant 24 : i32
      %rem3A_50 = arith.remsi %add3A_48, %rem3A_49 : i32
      %dma_wait3A = arith.constant 0 : i32
      %dma_wait3A_51 = arith.constant 0 : i32
      %dma_wait3A_52 = arith.constant 0 : i32
      %dma_wait3A_53 = tpu.memref_slice %arg9[%dma_wait3A, %dma_wait3A_51, %dma_wait3A_52] : memref<2x128x128xf32, #tpu.memory_space<vmem>> -> memref<1x128x128xf32, #tpu.memory_space<vmem>>
      %dma_wait3A_54 = tpu.memref_squeeze %dma_wait3A_53 : memref<1x128x128xf32, #tpu.memory_space<vmem>> -> memref<128x128xf32, #tpu.memory_space<vmem>>
      %dma_wait3A_55 = arith.constant 0 : i32
      %dma_wait3A_56 = tpu.memref_slice %arg7[%rem3A_50, %dma_wait3A_55] : memref<24x128xi32, #tpu.memory_space<vmem>> -> memref<1x128xi32, #tpu.memory_space<vmem>>
      %dma_wait3A_57 = tpu.memref_squeeze %dma_wait3A_56 : memref<1x128xi32, #tpu.memory_space<vmem>> -> memref<128xi32, #tpu.memory_space<vmem>>
      %dma_wait3A_58 = arith.constant 0 : i32
      %dma_wait3A_59 = arith.constant 0 : i32
      %dma_wait3A_60 = tpu.memref_slice %arg2[%dma_wait3A_58, %dma_wait3A_59] : memref<10240x128xf32, #tpu.memory_space<hbm>> -> memref<10240x128xf32, #tpu.memory_space<hbm>>
      tpu.wait_indirect_dma semaphore(%arg11 : memref<!tpu.dma_semaphore, #tpu.memory_space<semaphore_mem>>) src(%dma_wait3A_60 : memref<10240x128xf32, #tpu.memory_space<hbm>>) dst(%dma_wait3A_54 : memref<128x128xf32, #tpu.memory_space<vmem>>)
      %rem3A_61 = arith.constant 24 : i32
      %rem3A_62 = arith.remsi %add3A_48, %rem3A_61 : i32
      %run_scoped3A = arith.constant 0 : i32
      "tpu.region"() ({
        %run_scoped3A_95 = tpu.sem_alloc : memref<!tpu.dma_semaphore, #tpu.memory_space<semaphore_mem>>
        %dma_start3A_96 = arith.constant 0 : i32
        %dma_start3A_97 = arith.constant 0 : i32
        %dma_start3A_98 = tpu.memref_slice %arg9[%run_scoped3A, %dma_start3A_96, %dma_start3A_97] : memref<2x128x128xf32, #tpu.memory_space<vmem>> -> memref<1x128x128xf32, #tpu.memory_space<vmem>>
        %dma_start3A_99 = tpu.memref_squeeze %dma_start3A_98 : memref<1x128x128xf32, #tpu.memory_space<vmem>> -> memref<128x128xf32, #tpu.memory_space<vmem>>
        %dma_start3A_100 = arith.constant 0 : i32
        %dma_start3A_101 = tpu.memref_slice %arg8[%rem3A_62, %dma_start3A_100] : memref<24x128xi32, #tpu.memory_space<vmem>> -> memref<1x128xi32, #tpu.memory_space<vmem>>
        %dma_start3A_102 = tpu.memref_squeeze %dma_start3A_101 : memref<1x128xi32, #tpu.memory_space<vmem>> -> memref<128xi32, #tpu.memory_space<vmem>>
        %dma_start3A_103 = arith.constant 0 : i32
        %dma_start3A_104 = arith.constant 0 : i32
        %dma_start3A_105 = tpu.memref_slice %arg10[%dma_start3A_103, %dma_start3A_104] : memref<10240x128xf32, #tpu.memory_space<vmem_shared>> -> memref<10240x128xf32, #tpu.memory_space<vmem_shared>>
        tpu.enqueue_indirect_dma source(%dma_start3A_99 : memref<128x128xf32, #tpu.memory_space<vmem>>) target(%dma_start3A_105 : memref<10240x128xf32, #tpu.memory_space<vmem_shared>>) offsets(%dma_start3A_102 : memref<128xi32, #tpu.memory_space<vmem>>) semaphore(%run_scoped3A_95 : memref<!tpu.dma_semaphore, #tpu.memory_space<semaphore_mem>>) {add = true}
        %dma_wait3A_106 = arith.constant 0 : i32
        %dma_wait3A_107 = arith.constant 0 : i32
        %dma_wait3A_108 = tpu.memref_slice %arg9[%run_scoped3A, %dma_wait3A_106, %dma_wait3A_107] : memref<2x128x128xf32, #tpu.memory_space<vmem>> -> memref<1x128x128xf32, #tpu.memory_space<vmem>>
        %dma_wait3A_109 = tpu.memref_squeeze %dma_wait3A_108 : memref<1x128x128xf32, #tpu.memory_space<vmem>> -> memref<128x128xf32, #tpu.memory_space<vmem>>
        %dma_wait3A_110 = arith.constant 0 : i32
        %dma_wait3A_111 = tpu.memref_slice %arg8[%rem3A_62, %dma_wait3A_110] : memref<24x128xi32, #tpu.memory_space<vmem>> -> memref<1x128xi32, #tpu.memory_space<vmem>>
        %dma_wait3A_112 = tpu.memref_squeeze %dma_wait3A_111 : memref<1x128xi32, #tpu.memory_space<vmem>> -> memref<128xi32, #tpu.memory_space<vmem>>
        %dma_wait3A_113 = arith.constant 0 : i32
        %dma_wait3A_114 = arith.constant 0 : i32
        %dma_wait3A_115 = tpu.memref_slice %arg10[%dma_wait3A_113, %dma_wait3A_114] : memref<10240x128xf32, #tpu.memory_space<vmem_shared>> -> memref<10240x128xf32, #tpu.memory_space<vmem_shared>>
        tpu.wait_indirect_dma semaphore(%run_scoped3A_95 : memref<!tpu.dma_semaphore, #tpu.memory_space<semaphore_mem>>) src(%dma_wait3A_109 : memref<128x128xf32, #tpu.memory_space<vmem>>) dst(%dma_wait3A_115 : memref<10240x128xf32, #tpu.memory_space<vmem_shared>>)
        tpu.yield
      }) : () -> ()
      %add3A_63 = arith.constant 2 : i32
      %add3A_64 = arith.addi %add3A_48, %add3A_63 : i32
      %lt3A_65 = arith.constant 80 : i32
      %lt3A_66 = arith.cmpi slt, %add3A_64, %lt3A_65 : i32
      %convert_element_type3A_67 = arith.extui %lt3A_66 : i1 to i32
      %cond3A_68 = arith.constant 0 : i32
      %cond3A_69 = arith.cmpi ne, %convert_element_type3A_67, %cond3A_68 : i32
      scf.if %cond3A_69 {
        %add3A_95 = arith.constant 2 : i32
        %add3A_96 = arith.addi %add3A_48, %add3A_95 : i32
        %rem3A_97 = arith.constant 24 : i32
        %rem3A_98 = arith.remsi %add3A_96, %rem3A_97 : i32
        %dma_start3A_99 = arith.constant 0 : i32
        %dma_start3A_100 = arith.constant 0 : i32
        %dma_start3A_101 = arith.constant 0 : i32
        %dma_start3A_102 = tpu.memref_slice %arg9[%dma_start3A_99, %dma_start3A_100, %dma_start3A_101] : memref<2x128x128xf32, #tpu.memory_space<vmem>> -> memref<1x128x128xf32, #tpu.memory_space<vmem>>
        %dma_start3A_103 = tpu.memref_squeeze %dma_start3A_102 : memref<1x128x128xf32, #tpu.memory_space<vmem>> -> memref<128x128xf32, #tpu.memory_space<vmem>>
        %dma_start3A_104 = arith.constant 0 : i32
        %dma_start3A_105 = tpu.memref_slice %arg7[%rem3A_98, %dma_start3A_104] : memref<24x128xi32, #tpu.memory_space<vmem>> -> memref<1x128xi32, #tpu.memory_space<vmem>>
        %dma_start3A_106 = tpu.memref_squeeze %dma_start3A_105 : memref<1x128xi32, #tpu.memory_space<vmem>> -> memref<128xi32, #tpu.memory_space<vmem>>
        %dma_start3A_107 = arith.constant 0 : i32
        %dma_start3A_108 = arith.constant 0 : i32
        %dma_start3A_109 = tpu.memref_slice %arg2[%dma_start3A_107, %dma_start3A_108] : memref<10240x128xf32, #tpu.memory_space<hbm>> -> memref<10240x128xf32, #tpu.memory_space<hbm>>
        tpu.enqueue_indirect_dma source(%dma_start3A_109 : memref<10240x128xf32, #tpu.memory_space<hbm>>) target(%dma_start3A_103 : memref<128x128xf32, #tpu.memory_space<vmem>>) offsets(%dma_start3A_106 : memref<128xi32, #tpu.memory_space<vmem>>) semaphore(%arg11 : memref<!tpu.dma_semaphore, #tpu.memory_space<semaphore_mem>>)
      } else {
      }
      %add3A_70 = arith.constant 1 : i32
      %add3A_71 = arith.addi %mul3A_40, %add3A_70 : i32
      %rem3A_72 = arith.constant 24 : i32
      %rem3A_73 = arith.remsi %add3A_71, %rem3A_72 : i32
      %dma_wait3A_74 = arith.constant 1 : i32
      %dma_wait3A_75 = arith.constant 0 : i32
      %dma_wait3A_76 = arith.constant 0 : i32
      %dma_wait3A_77 = tpu.memref_slice %arg9[%dma_wait3A_74, %dma_wait3A_75, %dma_wait3A_76] : memref<2x128x128xf32, #tpu.memory_space<vmem>> -> memref<1x128x128xf32, #tpu.memory_space<vmem>>
      %dma_wait3A_78 = tpu.memref_squeeze %dma_wait3A_77 : memref<1x128x128xf32, #tpu.memory_space<vmem>> -> memref<128x128xf32, #tpu.memory_space<vmem>>
      %dma_wait3A_79 = arith.constant 0 : i32
      %dma_wait3A_80 = tpu.memref_slice %arg7[%rem3A_73, %dma_wait3A_79] : memref<24x128xi32, #tpu.memory_space<vmem>> -> memref<1x128xi32, #tpu.memory_space<vmem>>
      %dma_wait3A_81 = tpu.memref_squeeze %dma_wait3A_80 : memref<1x128xi32, #tpu.memory_space<vmem>> -> memref<128xi32, #tpu.memory_space<vmem>>
      %dma_wait3A_82 = arith.constant 0 : i32
      %dma_wait3A_83 = arith.constant 0 : i32
      %dma_wait3A_84 = tpu.memref_slice %arg2[%dma_wait3A_82, %dma_wait3A_83] : memref<10240x128xf32, #tpu.memory_space<hbm>> -> memref<10240x128xf32, #tpu.memory_space<hbm>>
      tpu.wait_indirect_dma semaphore(%arg12 : memref<!tpu.dma_semaphore, #tpu.memory_space<semaphore_mem>>) src(%dma_wait3A_84 : memref<10240x128xf32, #tpu.memory_space<hbm>>) dst(%dma_wait3A_78 : memref<128x128xf32, #tpu.memory_space<vmem>>)
      %rem3A_85 = arith.constant 24 : i32
      %rem3A_86 = arith.remsi %add3A_71, %rem3A_85 : i32
      %run_scoped3A_87 = arith.constant 1 : i32
      "tpu.region"() ({
        %run_scoped3A_95 = tpu.sem_alloc : memref<!tpu.dma_semaphore, #tpu.memory_space<semaphore_mem>>
        %dma_start3A_96 = arith.constant 0 : i32
        %dma_start3A_97 = arith.constant 0 : i32
        %dma_start3A_98 = tpu.memref_slice %arg9[%run_scoped3A_87, %dma_start3A_96, %dma_start3A_97] : memref<2x128x128xf32, #tpu.memory_space<vmem>> -> memref<1x128x128xf32, #tpu.memory_space<vmem>>
        %dma_start3A_99 = tpu.memref_squeeze %dma_start3A_98 : memref<1x128x128xf32, #tpu.memory_space<vmem>> -> memref<128x128xf32, #tpu.memory_space<vmem>>
        %dma_start3A_100 = arith.constant 0 : i32
        %dma_start3A_101 = tpu.memref_slice %arg8[%rem3A_86, %dma_start3A_100] : memref<24x128xi32, #tpu.memory_space<vmem>> -> memref<1x128xi32, #tpu.memory_space<vmem>>
        %dma_start3A_102 = tpu.memref_squeeze %dma_start3A_101 : memref<1x128xi32, #tpu.memory_space<vmem>> -> memref<128xi32, #tpu.memory_space<vmem>>
        %dma_start3A_103 = arith.constant 0 : i32
        %dma_start3A_104 = arith.constant 0 : i32
        %dma_start3A_105 = tpu.memref_slice %arg10[%dma_start3A_103, %dma_start3A_104] : memref<10240x128xf32, #tpu.memory_space<vmem_shared>> -> memref<10240x128xf32, #tpu.memory_space<vmem_shared>>
        tpu.enqueue_indirect_dma source(%dma_start3A_99 : memref<128x128xf32, #tpu.memory_space<vmem>>) target(%dma_start3A_105 : memref<10240x128xf32, #tpu.memory_space<vmem_shared>>) offsets(%dma_start3A_102 : memref<128xi32, #tpu.memory_space<vmem>>) semaphore(%run_scoped3A_95 : memref<!tpu.dma_semaphore, #tpu.memory_space<semaphore_mem>>) {add = true}
        %dma_wait3A_106 = arith.constant 0 : i32
        %dma_wait3A_107 = arith.constant 0 : i32
        %dma_wait3A_108 = tpu.memref_slice %arg9[%run_scoped3A_87, %dma_wait3A_106, %dma_wait3A_107] : memref<2x128x128xf32, #tpu.memory_space<vmem>> -> memref<1x128x128xf32, #tpu.memory_space<vmem>>
        %dma_wait3A_109 = tpu.memref_squeeze %dma_wait3A_108 : memref<1x128x128xf32, #tpu.memory_space<vmem>> -> memref<128x128xf32, #tpu.memory_space<vmem>>
        %dma_wait3A_110 = arith.constant 0 : i32
        %dma_wait3A_111 = tpu.memref_slice %arg8[%rem3A_86, %dma_wait3A_110] : memref<24x128xi32, #tpu.memory_space<vmem>> -> memref<1x128xi32, #tpu.memory_space<vmem>>
        %dma_wait3A_112 = tpu.memref_squeeze %dma_wait3A_111 : memref<1x128xi32, #tpu.memory_space<vmem>> -> memref<128xi32, #tpu.memory_space<vmem>>
        %dma_wait3A_113 = arith.constant 0 : i32
        %dma_wait3A_114 = arith.constant 0 : i32
        %dma_wait3A_115 = tpu.memref_slice %arg10[%dma_wait3A_113, %dma_wait3A_114] : memref<10240x128xf32, #tpu.memory_space<vmem_shared>> -> memref<10240x128xf32, #tpu.memory_space<vmem_shared>>
        tpu.wait_indirect_dma semaphore(%run_scoped3A_95 : memref<!tpu.dma_semaphore, #tpu.memory_space<semaphore_mem>>) src(%dma_wait3A_109 : memref<128x128xf32, #tpu.memory_space<vmem>>) dst(%dma_wait3A_115 : memref<10240x128xf32, #tpu.memory_space<vmem_shared>>)
        tpu.yield
      }) : () -> ()
      %add3A_88 = arith.constant 2 : i32
      %add3A_89 = arith.addi %add3A_71, %add3A_88 : i32
      %lt3A_90 = arith.constant 80 : i32
      %lt3A_91 = arith.cmpi slt, %add3A_89, %lt3A_90 : i32
      %convert_element_type3A_92 = arith.extui %lt3A_91 : i1 to i32
      %cond3A_93 = arith.constant 0 : i32
      %cond3A_94 = arith.cmpi ne, %convert_element_type3A_92, %cond3A_93 : i32
      scf.if %cond3A_94 {
        %add3A_95 = arith.constant 2 : i32
        %add3A_96 = arith.addi %add3A_71, %add3A_95 : i32
        %rem3A_97 = arith.constant 24 : i32
        %rem3A_98 = arith.remsi %add3A_96, %rem3A_97 : i32
        %dma_start3A_99 = arith.constant 1 : i32
        %dma_start3A_100 = arith.constant 0 : i32
        %dma_start3A_101 = arith.constant 0 : i32
        %dma_start3A_102 = tpu.memref_slice %arg9[%dma_start3A_99, %dma_start3A_100, %dma_start3A_101] : memref<2x128x128xf32, #tpu.memory_space<vmem>> -> memref<1x128x128xf32, #tpu.memory_space<vmem>>
        %dma_start3A_103 = tpu.memref_squeeze %dma_start3A_102 : memref<1x128x128xf32, #tpu.memory_space<vmem>> -> memref<128x128xf32, #tpu.memory_space<vmem>>
        %dma_start3A_104 = arith.constant 0 : i32
        %dma_start3A_105 = tpu.memref_slice %arg7[%rem3A_98, %dma_start3A_104] : memref<24x128xi32, #tpu.memory_space<vmem>> -> memref<1x128xi32, #tpu.memory_space<vmem>>
        %dma_start3A_106 = tpu.memref_squeeze %dma_start3A_105 : memref<1x128xi32, #tpu.memory_space<vmem>> -> memref<128xi32, #tpu.memory_space<vmem>>
        %dma_start3A_107 = arith.constant 0 : i32
        %dma_start3A_108 = arith.constant 0 : i32
        %dma_start3A_109 = tpu.memref_slice %arg2[%dma_start3A_107, %dma_start3A_108] : memref<10240x128xf32, #tpu.memory_space<hbm>> -> memref<10240x128xf32, #tpu.memory_space<hbm>>
        tpu.enqueue_indirect_dma source(%dma_start3A_109 : memref<10240x128xf32, #tpu.memory_space<hbm>>) target(%dma_start3A_103 : memref<128x128xf32, #tpu.memory_space<vmem>>) offsets(%dma_start3A_106 : memref<128xi32, #tpu.memory_space<vmem>>) semaphore(%arg12 : memref<!tpu.dma_semaphore, #tpu.memory_space<semaphore_mem>>)
      } else {
      }
    }
    %scan3A_32 = arith.constant 40 : i32
    %barrier3A_33 = arith.constant 0 : index
    tpu.barrier barrier_id(%barrier3A_33)
    %mul3A_34 = arith.constant 640 : i32
    %mul3A_35 = arith.muli %arg1, %mul3A_34 : i32
    %mul3A_36 = arith.constant 640 : i32
    %mul3A_37 = arith.muli %arg1, %mul3A_36 : i32
    "tpu.region"() ({
      %run_scoped3A = tpu.sem_alloc : memref<!tpu.dma_semaphore, #tpu.memory_space<semaphore_mem>>
      %dma_start3A_38 = arith.constant 0 : i32
      %dma_start3A_39 = tpu.memref_slice %arg6[%arg0, %mul3A_37, %dma_start3A_38] : memref<2x10240x128xf32, #tpu.memory_space<hbm>> -> memref<1x640x128xf32, #tpu.memory_space<hbm>>
      %dma_start3A_40 = tpu.memref_squeeze %dma_start3A_39 : memref<1x640x128xf32, #tpu.memory_space<hbm>> -> memref<640x128xf32, #tpu.memory_space<hbm>>
      %dma_start3A_41 = arith.constant 0 : i32
      %dma_start3A_42 = tpu.memref_slice %arg10[%mul3A_35, %dma_start3A_41] : memref<10240x128xf32, #tpu.memory_space<vmem_shared>> -> memref<640x128xf32, #tpu.memory_space<vmem_shared>>
      tpu.enqueue_dma source(%dma_start3A_42 : memref<640x128xf32, #tpu.memory_space<vmem_shared>>) target(%dma_start3A_40 : memref<640x128xf32, #tpu.memory_space<hbm>>) target_semaphore(%run_scoped3A : memref<!tpu.dma_semaphore, #tpu.memory_space<semaphore_mem>>)
      %dma_wait3A = arith.constant 0 : i32
      %dma_wait3A_43 = tpu.memref_slice %arg6[%arg0, %mul3A_37, %dma_wait3A] : memref<2x10240x128xf32, #tpu.memory_space<hbm>> -> memref<1x640x128xf32, #tpu.memory_space<hbm>>
      %dma_wait3A_44 = tpu.memref_squeeze %dma_wait3A_43 : memref<1x640x128xf32, #tpu.memory_space<hbm>> -> memref<640x128xf32, #tpu.memory_space<hbm>>
      %dma_wait3A_45 = arith.constant 0 : i32
      %dma_wait3A_46 = tpu.memref_slice %arg10[%mul3A_35, %dma_wait3A_45] : memref<10240x128xf32, #tpu.memory_space<vmem_shared>> -> memref<640x128xf32, #tpu.memory_space<vmem_shared>>
      tpu.wait_dma2 semaphore(%run_scoped3A : memref<!tpu.dma_semaphore, #tpu.memory_space<semaphore_mem>>) src(%dma_wait3A_46 : memref<640x128xf32, #tpu.memory_space<vmem_shared>>) dst(%dma_wait3A_44 : memref<640x128xf32, #tpu.memory_space<hbm>>)
      tpu.yield
    }) : () -> ()
    return
  }
}

#map = affine_map<(d0, d1) -> (0, 0)>
#map1 = affine_map<(d0, d1) -> (0, 0, 0)>
module attributes {stable_mosaic.version = 14 : i64} {
  func.func @k(%arg0: i32, %arg1: i32, %arg2: memref<10240x128xf32, #tpu.memory_space<hbm>>, %arg3: memref<32x80x128xi32, #tpu.memory_space<hbm>>, %arg4: memref<32x80x128xi32, #tpu.memory_space<hbm>>, %arg5: memref<10240x128xf32, #tpu.memory_space<hbm>>, %arg6: memref<2x10240x128xf32, #tpu.memory_space<hbm>>, %arg7: memref<24x128xi32, #tpu.memory_space<vmem>>, %arg8: memref<24x128xi32, #tpu.memory_space<vmem>>, %arg9: memref<2x128x128xf32, #tpu.memory_space<vmem>>, %arg10: memref<10240x128xf32, #tpu.memory_space<vmem_shared>>, %arg11: memref<!tpu.dma_semaphore, #tpu.memory_space<semaphore_mem>>, %arg12: memref<!tpu.dma_semaphore, #tpu.memory_space<semaphore_mem>>) attributes {dimension_semantics = [#tpu.dimension_semantics<core_parallel>, #tpu.dimension_semantics<subcore_parallel>], iteration_bounds = array<i64: 2, 16>, scalar_prefetch = 0 : i64, scratch_operands = 6 : i64, tpu.core_type = #tpu.core_type<sc_vector_subcore>, window_params = [{transform_indices = #map}, {transform_indices = #map1}, {transform_indices = #map1}, {transform_indices = #map}, {transform_indices = #map1}]} {
    %mul3A = arith.constant 16 : i32
    %mul3A_0 = arith.muli %arg0, %mul3A : i32
    %add3A = arith.addi %mul3A_0, %arg1 : i32
    "tpu.region"() ({
      %run_scoped3A = tpu.sem_alloc : memref<!tpu.dma_semaphore, #tpu.memory_space<semaphore_mem>>
      %dma_start3A_38 = arith.constant 0 : i32
      %dma_start3A_39 = arith.constant 0 : i32
      %dma_start3A_40 = tpu.memref_slice %arg7[%dma_start3A_38, %dma_start3A_39] : memref<24x128xi32, #tpu.memory_space<vmem>> -> memref<16x128xi32, #tpu.memory_space<vmem>>
      %dma_start3A_41 = arith.constant 0 : i32
      %dma_start3A_42 = arith.constant 0 : i32
      %dma_start3A_43 = tpu.memref_slice %arg3[%add3A, %dma_start3A_41, %dma_start3A_42] : memref<32x80x128xi32, #tpu.memory_space<hbm>> -> memref<1x16x128xi32, #tpu.memory_space<hbm>>
      %dma_start3A_44 = tpu.memref_squeeze %dma_start3A_43 : memref<1x16x128xi32, #tpu.memory_space<hbm>> -> memref<16x128xi32, #tpu.memory_space<hbm>>
      %dma_start3A_45 = arith.constant 0 : i32
      %dma_start3A_46 = arith.constant 0 : i32
      %dma_start3A_47 = tpu.memref_slice %arg7[%dma_start3A_45, %dma_start3A_46] : memref<24x128xi32, #tpu.memory_space<vmem>> -> memref<16x128xi32, #tpu.memory_space<vmem>>
      %dma_start3A_48 = arith.constant 0 : i32
      %dma_start3A_49 = arith.constant 0 : i32
      %dma_start3A_50 = tpu.memref_slice %arg3[%add3A, %dma_start3A_48, %dma_start3A_49] : memref<32x80x128xi32, #tpu.memory_space<hbm>> -> memref<1x16x128xi32, #tpu.memory_space<hbm>>
      %dma_start3A_51 = tpu.memref_squeeze %dma_start3A_50 : memref<1x16x128xi32, #tpu.memory_space<hbm>> -> memref<16x128xi32, #tpu.memory_space<hbm>>
      tpu.enqueue_dma source(%dma_start3A_51 : memref<16x128xi32, #tpu.memory_space<hbm>>) target(%dma_start3A_47 : memref<16x128xi32, #tpu.memory_space<vmem>>) target_semaphore(%run_scoped3A : memref<!tpu.dma_semaphore, #tpu.memory_space<semaphore_mem>>)
      %dma_wait3A = arith.constant 0 : i32
      %dma_wait3A_52 = arith.constant 0 : i32
      %dma_wait3A_53 = tpu.memref_slice %arg7[%dma_wait3A, %dma_wait3A_52] : memref<24x128xi32, #tpu.memory_space<vmem>> -> memref<16x128xi32, #tpu.memory_space<vmem>>
      %dma_wait3A_54 = arith.constant 0 : i32
      %dma_wait3A_55 = arith.constant 0 : i32
      %dma_wait3A_56 = tpu.memref_slice %arg3[%add3A, %dma_wait3A_54, %dma_wait3A_55] : memref<32x80x128xi32, #tpu.memory_space<hbm>> -> memref<1x16x128xi32, #tpu.memory_space<hbm>>
      %dma_wait3A_57 = tpu.memref_squeeze %dma_wait3A_56 : memref<1x16x128xi32, #tpu.memory_space<hbm>> -> memref<16x128xi32, #tpu.memory_space<hbm>>
      %dma_wait3A_58 = arith.constant 0 : i32
      %dma_wait3A_59 = arith.constant 0 : i32
      %dma_wait3A_60 = tpu.memref_slice %arg7[%dma_wait3A_58, %dma_wait3A_59] : memref<24x128xi32, #tpu.memory_space<vmem>> -> memref<16x128xi32, #tpu.memory_space<vmem>>
      %dma_wait3A_61 = arith.constant 0 : i32
      %dma_wait3A_62 = arith.constant 0 : i32
      %dma_wait3A_63 = tpu.memref_slice %arg3[%add3A, %dma_wait3A_61, %dma_wait3A_62] : memref<32x80x128xi32, #tpu.memory_space<hbm>> -> memref<1x16x128xi32, #tpu.memory_space<hbm>>
      %dma_wait3A_64 = tpu.memref_squeeze %dma_wait3A_63 : memref<1x16x128xi32, #tpu.memory_space<hbm>> -> memref<16x128xi32, #tpu.memory_space<hbm>>
      tpu.wait_dma2 semaphore(%run_scoped3A : memref<!tpu.dma_semaphore, #tpu.memory_space<semaphore_mem>>) src(%dma_wait3A_64 : memref<16x128xi32, #tpu.memory_space<hbm>>) dst(%dma_wait3A_60 : memref<16x128xi32, #tpu.memory_space<vmem>>)
      tpu.yield
    }) : () -> ()
    "tpu.region"() ({
      %run_scoped3A = tpu.sem_alloc : memref<!tpu.dma_semaphore, #tpu.memory_space<semaphore_mem>>
      %dma_start3A_38 = arith.constant 0 : i32
      %dma_start3A_39 = arith.constant 0 : i32
      %dma_start3A_40 = tpu.memref_slice %arg8[%dma_start3A_38, %dma_start3A_39] : memref<24x128xi32, #tpu.memory_space<vmem>> -> memref<16x128xi32, #tpu.memory_space<vmem>>
      %dma_start3A_41 = arith.constant 0 : i32
      %dma_start3A_42 = arith.constant 0 : i32
      %dma_start3A_43 = tpu.memref_slice %arg4[%add3A, %dma_start3A_41, %dma_start3A_42] : memref<32x80x128xi32, #tpu.memory_space<hbm>> -> memref<1x16x128xi32, #tpu.memory_space<hbm>>
      %dma_start3A_44 = tpu.memref_squeeze %dma_start3A_43 : memref<1x16x128xi32, #tpu.memory_space<hbm>> -> memref<16x128xi32, #tpu.memory_space<hbm>>
      %dma_start3A_45 = arith.constant 0 : i32
      %dma_start3A_46 = arith.constant 0 : i32
      %dma_start3A_47 = tpu.memref_slice %arg8[%dma_start3A_45, %dma_start3A_46] : memref<24x128xi32, #tpu.memory_space<vmem>> -> memref<16x128xi32, #tpu.memory_space<vmem>>
      %dma_start3A_48 = arith.constant 0 : i32
      %dma_start3A_49 = arith.constant 0 : i32
      %dma_start3A_50 = tpu.memref_slice %arg4[%add3A, %dma_start3A_48, %dma_start3A_49] : memref<32x80x128xi32, #tpu.memory_space<hbm>> -> memref<1x16x128xi32, #tpu.memory_space<hbm>>
      %dma_start3A_51 = tpu.memref_squeeze %dma_start3A_50 : memref<1x16x128xi32, #tpu.memory_space<hbm>> -> memref<16x128xi32, #tpu.memory_space<hbm>>
      tpu.enqueue_dma source(%dma_start3A_51 : memref<16x128xi32, #tpu.memory_space<hbm>>) target(%dma_start3A_47 : memref<16x128xi32, #tpu.memory_space<vmem>>) target_semaphore(%run_scoped3A : memref<!tpu.dma_semaphore, #tpu.memory_space<semaphore_mem>>)
      %dma_wait3A = arith.constant 0 : i32
      %dma_wait3A_52 = arith.constant 0 : i32
      %dma_wait3A_53 = tpu.memref_slice %arg8[%dma_wait3A, %dma_wait3A_52] : memref<24x128xi32, #tpu.memory_space<vmem>> -> memref<16x128xi32, #tpu.memory_space<vmem>>
      %dma_wait3A_54 = arith.constant 0 : i32
      %dma_wait3A_55 = arith.constant 0 : i32
      %dma_wait3A_56 = tpu.memref_slice %arg4[%add3A, %dma_wait3A_54, %dma_wait3A_55] : memref<32x80x128xi32, #tpu.memory_space<hbm>> -> memref<1x16x128xi32, #tpu.memory_space<hbm>>
      %dma_wait3A_57 = tpu.memref_squeeze %dma_wait3A_56 : memref<1x16x128xi32, #tpu.memory_space<hbm>> -> memref<16x128xi32, #tpu.memory_space<hbm>>
      %dma_wait3A_58 = arith.constant 0 : i32
      %dma_wait3A_59 = arith.constant 0 : i32
      %dma_wait3A_60 = tpu.memref_slice %arg8[%dma_wait3A_58, %dma_wait3A_59] : memref<24x128xi32, #tpu.memory_space<vmem>> -> memref<16x128xi32, #tpu.memory_space<vmem>>
      %dma_wait3A_61 = arith.constant 0 : i32
      %dma_wait3A_62 = arith.constant 0 : i32
      %dma_wait3A_63 = tpu.memref_slice %arg4[%add3A, %dma_wait3A_61, %dma_wait3A_62] : memref<32x80x128xi32, #tpu.memory_space<hbm>> -> memref<1x16x128xi32, #tpu.memory_space<hbm>>
      %dma_wait3A_64 = tpu.memref_squeeze %dma_wait3A_63 : memref<1x16x128xi32, #tpu.memory_space<hbm>> -> memref<16x128xi32, #tpu.memory_space<hbm>>
      tpu.wait_dma2 semaphore(%run_scoped3A : memref<!tpu.dma_semaphore, #tpu.memory_space<semaphore_mem>>) src(%dma_wait3A_64 : memref<16x128xi32, #tpu.memory_space<hbm>>) dst(%dma_wait3A_60 : memref<16x128xi32, #tpu.memory_space<vmem>>)
      tpu.yield
    }) : () -> ()
    %dma_start3A = arith.constant 0 : i32
    %dma_start3A_1 = arith.constant 0 : i32
    %dma_start3A_2 = arith.constant 0 : i32
    %dma_start3A_3 = arith.constant 0 : i32
    %dma_start3A_4 = tpu.memref_slice %arg9[%dma_start3A_1, %dma_start3A_2, %dma_start3A_3] : memref<2x128x128xf32, #tpu.memory_space<vmem>> -> memref<1x128x128xf32, #tpu.memory_space<vmem>>
    %dma_start3A_5 = tpu.memref_squeeze %dma_start3A_4 : memref<1x128x128xf32, #tpu.memory_space<vmem>> -> memref<128x128xf32, #tpu.memory_space<vmem>>
    %dma_start3A_6 = arith.constant 0 : i32
    %dma_start3A_7 = tpu.memref_slice %arg7[%dma_start3A, %dma_start3A_6] : memref<24x128xi32, #tpu.memory_space<vmem>> -> memref<1x128xi32, #tpu.memory_space<vmem>>
    %dma_start3A_8 = tpu.memref_squeeze %dma_start3A_7 : memref<1x128xi32, #tpu.memory_space<vmem>> -> memref<128xi32, #tpu.memory_space<vmem>>
    %dma_start3A_9 = arith.constant 0 : i32
    %dma_start3A_10 = arith.constant 0 : i32
    %dma_start3A_11 = tpu.memref_slice %arg2[%dma_start3A_9, %dma_start3A_10] : memref<10240x128xf32, #tpu.memory_space<hbm>> -> memref<10240x128xf32, #tpu.memory_space<hbm>>
    tpu.enqueue_indirect_dma source(%dma_start3A_11 : memref<10240x128xf32, #tpu.memory_space<hbm>>) target(%dma_start3A_5 : memref<128x128xf32, #tpu.memory_space<vmem>>) offsets(%dma_start3A_8 : memref<128xi32, #tpu.memory_space<vmem>>) semaphore(%arg11 : memref<!tpu.dma_semaphore, #tpu.memory_space<semaphore_mem>>)
    %dma_start3A_12 = arith.constant 1 : i32
    %dma_start3A_13 = arith.constant 1 : i32
    %dma_start3A_14 = arith.constant 0 : i32
    %dma_start3A_15 = arith.constant 0 : i32
    %dma_start3A_16 = tpu.memref_slice %arg9[%dma_start3A_13, %dma_start3A_14, %dma_start3A_15] : memref<2x128x128xf32, #tpu.memory_space<vmem>> -> memref<1x128x128xf32, #tpu.memory_space<vmem>>
    %dma_start3A_17 = tpu.memref_squeeze %dma_start3A_16 : memref<1x128x128xf32, #tpu.memory_space<vmem>> -> memref<128x128xf32, #tpu.memory_space<vmem>>
    %dma_start3A_18 = arith.constant 0 : i32
    %dma_start3A_19 = tpu.memref_slice %arg7[%dma_start3A_12, %dma_start3A_18] : memref<24x128xi32, #tpu.memory_space<vmem>> -> memref<1x128xi32, #tpu.memory_space<vmem>>
    %dma_start3A_20 = tpu.memref_squeeze %dma_start3A_19 : memref<1x128xi32, #tpu.memory_space<vmem>> -> memref<128xi32, #tpu.memory_space<vmem>>
    %dma_start3A_21 = arith.constant 0 : i32
    %dma_start3A_22 = arith.constant 0 : i32
    %dma_start3A_23 = tpu.memref_slice %arg2[%dma_start3A_21, %dma_start3A_22] : memref<10240x128xf32, #tpu.memory_space<hbm>> -> memref<10240x128xf32, #tpu.memory_space<hbm>>
    tpu.enqueue_indirect_dma source(%dma_start3A_23 : memref<10240x128xf32, #tpu.memory_space<hbm>>) target(%dma_start3A_17 : memref<128x128xf32, #tpu.memory_space<vmem>>) offsets(%dma_start3A_20 : memref<128xi32, #tpu.memory_space<vmem>>) semaphore(%arg12 : memref<!tpu.dma_semaphore, #tpu.memory_space<semaphore_mem>>)
    %mul3A_24 = arith.constant 640 : i32
    %mul3A_25 = arith.muli %arg1, %mul3A_24 : i32
    %mul3A_26 = arith.constant 640 : i32
    %mul3A_27 = arith.muli %arg1, %mul3A_26 : i32
    "tpu.region"() ({
      %run_scoped3A = tpu.sem_alloc : memref<!tpu.dma_semaphore, #tpu.memory_space<semaphore_mem>>
      %dma_start3A_38 = arith.constant 0 : i32
      %dma_start3A_39 = tpu.memref_slice %arg10[%mul3A_27, %dma_start3A_38] : memref<10240x128xf32, #tpu.memory_space<vmem_shared>> -> memref<640x128xf32, #tpu.memory_space<vmem_shared>>
      %dma_start3A_40 = arith.constant 0 : i32
      %dma_start3A_41 = tpu.memref_slice %arg5[%mul3A_25, %dma_start3A_40] : memref<10240x128xf32, #tpu.memory_space<hbm>> -> memref<640x128xf32, #tpu.memory_space<hbm>>
      tpu.enqueue_dma source(%dma_start3A_41 : memref<640x128xf32, #tpu.memory_space<hbm>>) target(%dma_start3A_39 : memref<640x128xf32, #tpu.memory_space<vmem_shared>>) target_semaphore(%run_scoped3A : memref<!tpu.dma_semaphore, #tpu.memory_space<semaphore_mem>>)
      %dma_wait3A = arith.constant 0 : i32
      %dma_wait3A_42 = tpu.memref_slice %arg10[%mul3A_27, %dma_wait3A] : memref<10240x128xf32, #tpu.memory_space<vmem_shared>> -> memref<640x128xf32, #tpu.memory_space<vmem_shared>>
      %dma_wait3A_43 = arith.constant 0 : i32
      %dma_wait3A_44 = tpu.memref_slice %arg5[%mul3A_25, %dma_wait3A_43] : memref<10240x128xf32, #tpu.memory_space<hbm>> -> memref<640x128xf32, #tpu.memory_space<hbm>>
      tpu.wait_dma2 semaphore(%run_scoped3A : memref<!tpu.dma_semaphore, #tpu.memory_space<semaphore_mem>>) src(%dma_wait3A_44 : memref<640x128xf32, #tpu.memory_space<hbm>>) dst(%dma_wait3A_42 : memref<640x128xf32, #tpu.memory_space<vmem_shared>>)
      tpu.yield
    }) : () -> ()
    %barrier3A = arith.constant 0 : index
    tpu.barrier barrier_id(%barrier3A)
    %scan3A = arith.constant 0 : i32
    %scan3A_28 = arith.constant 0 : i32
    %scan3A_29 = arith.constant 40 : i32
    %scan3A_30 = arith.addi %scan3A_28, %scan3A_29 : i32
    %scan3A_31 = arith.constant 1 : i32
    scf.for %scan3A_38 = %scan3A_28 to %scan3A_30 step %scan3A_31  : i32 {
      %mul3A_39 = arith.constant 2 : i32
      %mul3A_40 = arith.muli %mul3A_39, %scan3A_38 : i32
      %rem3A = arith.constant 8 : i32
      %rem3A_41 = arith.remsi %mul3A_40, %rem3A : i32
      %eq3A = arith.constant 0 : i32
      %eq3A_42 = arith.cmpi eq, %rem3A_41, %eq3A : i32
      %add3A_43 = arith.constant 8 : i32
      %add3A_44 = arith.addi %mul3A_40, %add3A_43 : i32
      %lt3A = arith.constant 80 : i32
      %lt3A_45 = arith.cmpi slt, %add3A_44, %lt3A : i32
      %and3A = arith.andi %eq3A_42, %lt3A_45 : i1
      %convert_element_type3A = arith.extui %and3A : i1 to i32
      %cond3A = arith.constant 0 : i32
      %cond3A_46 = arith.cmpi ne, %convert_element_type3A, %cond3A : i32
      scf.if %cond3A_46 {
        %add3A_95 = arith.constant 8 : i32
        %add3A_96 = arith.addi %mul3A_40, %add3A_95 : i32
        %multiple_of3A = tpu.assume_multiple %add3A_96, 8 : i32
        %add3A_97 = arith.constant 8 : i32
        %add3A_98 = arith.addi %mul3A_40, %add3A_97 : i32
        %rem3A_99 = arith.constant 24 : i32
        %rem3A_100 = arith.remsi %add3A_98, %rem3A_99 : i32
        %multiple_of3A_101 = tpu.assume_multiple %rem3A_100, 8 : i32
        "tpu.region"() ({
          %run_scoped3A_102 = tpu.sem_alloc : memref<!tpu.dma_semaphore, #tpu.memory_space<semaphore_mem>>
          %dma_start3A_103 = arith.constant 0 : i32
          %dma_start3A_104 = tpu.memref_slice %arg7[%multiple_of3A_101, %dma_start3A_103] : memref<24x128xi32, #tpu.memory_space<vmem>> -> memref<8x128xi32, #tpu.memory_space<vmem>>
          %dma_start3A_105 = arith.constant 0 : i32
          %dma_start3A_106 = tpu.memref_slice %arg3[%add3A, %multiple_of3A, %dma_start3A_105] : memref<32x80x128xi32, #tpu.memory_space<hbm>> -> memref<1x8x128xi32, #tpu.memory_space<hbm>>
          %dma_start3A_107 = tpu.memref_squeeze %dma_start3A_106 : memref<1x8x128xi32, #tpu.memory_space<hbm>> -> memref<8x128xi32, #tpu.memory_space<hbm>>
          %dma_start3A_108 = arith.constant 0 : i32
          %dma_start3A_109 = tpu.memref_slice %arg7[%multiple_of3A_101, %dma_start3A_108] : memref<24x128xi32, #tpu.memory_space<vmem>> -> memref<8x128xi32, #tpu.memory_space<vmem>>
          %dma_start3A_110 = arith.constant 0 : i32
          %dma_start3A_111 = tpu.memref_slice %arg3[%add3A, %multiple_of3A, %dma_start3A_110] : memref<32x80x128xi32, #tpu.memory_space<hbm>> -> memref<1x8x128xi32, #tpu.memory_space<hbm>>
          %dma_start3A_112 = tpu.memref_squeeze %dma_start3A_111 : memref<1x8x128xi32, #tpu.memory_space<hbm>> -> memref<8x128xi32, #tpu.memory_space<hbm>>
          tpu.enqueue_dma source(%dma_start3A_112 : memref<8x128xi32, #tpu.memory_space<hbm>>) target(%dma_start3A_109 : memref<8x128xi32, #tpu.memory_space<vmem>>) target_semaphore(%run_scoped3A_102 : memref<!tpu.dma_semaphore, #tpu.memory_space<semaphore_mem>>)
          %dma_wait3A_113 = arith.constant 0 : i32
          %dma_wait3A_114 = tpu.memref_slice %arg7[%multiple_of3A_101, %dma_wait3A_113] : memref<24x128xi32, #tpu.memory_space<vmem>> -> memref<8x128xi32, #tpu.memory_space<vmem>>
          %dma_wait3A_115 = arith.constant 0 : i32
          %dma_wait3A_116 = tpu.memref_slice %arg3[%add3A, %multiple_of3A, %dma_wait3A_115] : memref<32x80x128xi32, #tpu.memory_space<hbm>> -> memref<1x8x128xi32, #tpu.memory_space<hbm>>
          %dma_wait3A_117 = tpu.memref_squeeze %dma_wait3A_116 : memref<1x8x128xi32, #tpu.memory_space<hbm>> -> memref<8x128xi32, #tpu.memory_space<hbm>>
          %dma_wait3A_118 = arith.constant 0 : i32
          %dma_wait3A_119 = tpu.memref_slice %arg7[%multiple_of3A_101, %dma_wait3A_118] : memref<24x128xi32, #tpu.memory_space<vmem>> -> memref<8x128xi32, #tpu.memory_space<vmem>>
          %dma_wait3A_120 = arith.constant 0 : i32
          %dma_wait3A_121 = tpu.memref_slice %arg3[%add3A, %multiple_of3A, %dma_wait3A_120] : memref<32x80x128xi32, #tpu.memory_space<hbm>> -> memref<1x8x128xi32, #tpu.memory_space<hbm>>
          %dma_wait3A_122 = tpu.memref_squeeze %dma_wait3A_121 : memref<1x8x128xi32, #tpu.memory_space<hbm>> -> memref<8x128xi32, #tpu.memory_space<hbm>>
          tpu.wait_dma2 semaphore(%run_scoped3A_102 : memref<!tpu.dma_semaphore, #tpu.memory_space<semaphore_mem>>) src(%dma_wait3A_122 : memref<8x128xi32, #tpu.memory_space<hbm>>) dst(%dma_wait3A_119 : memref<8x128xi32, #tpu.memory_space<vmem>>)
          tpu.yield
        }) : () -> ()
        "tpu.region"() ({
          %run_scoped3A_102 = tpu.sem_alloc : memref<!tpu.dma_semaphore, #tpu.memory_space<semaphore_mem>>
          %dma_start3A_103 = arith.constant 0 : i32
          %dma_start3A_104 = tpu.memref_slice %arg8[%multiple_of3A_101, %dma_start3A_103] : memref<24x128xi32, #tpu.memory_space<vmem>> -> memref<8x128xi32, #tpu.memory_space<vmem>>
          %dma_start3A_105 = arith.constant 0 : i32
          %dma_start3A_106 = tpu.memref_slice %arg4[%add3A, %multiple_of3A, %dma_start3A_105] : memref<32x80x128xi32, #tpu.memory_space<hbm>> -> memref<1x8x128xi32, #tpu.memory_space<hbm>>
          %dma_start3A_107 = tpu.memref_squeeze %dma_start3A_106 : memref<1x8x128xi32, #tpu.memory_space<hbm>> -> memref<8x128xi32, #tpu.memory_space<hbm>>
          %dma_start3A_108 = arith.constant 0 : i32
          %dma_start3A_109 = tpu.memref_slice %arg8[%multiple_of3A_101, %dma_start3A_108] : memref<24x128xi32, #tpu.memory_space<vmem>> -> memref<8x128xi32, #tpu.memory_space<vmem>>
          %dma_start3A_110 = arith.constant 0 : i32
          %dma_start3A_111 = tpu.memref_slice %arg4[%add3A, %multiple_of3A, %dma_start3A_110] : memref<32x80x128xi32, #tpu.memory_space<hbm>> -> memref<1x8x128xi32, #tpu.memory_space<hbm>>
          %dma_start3A_112 = tpu.memref_squeeze %dma_start3A_111 : memref<1x8x128xi32, #tpu.memory_space<hbm>> -> memref<8x128xi32, #tpu.memory_space<hbm>>
          tpu.enqueue_dma source(%dma_start3A_112 : memref<8x128xi32, #tpu.memory_space<hbm>>) target(%dma_start3A_109 : memref<8x128xi32, #tpu.memory_space<vmem>>) target_semaphore(%run_scoped3A_102 : memref<!tpu.dma_semaphore, #tpu.memory_space<semaphore_mem>>)
          %dma_wait3A_113 = arith.constant 0 : i32
          %dma_wait3A_114 = tpu.memref_slice %arg8[%multiple_of3A_101, %dma_wait3A_113] : memref<24x128xi32, #tpu.memory_space<vmem>> -> memref<8x128xi32, #tpu.memory_space<vmem>>
          %dma_wait3A_115 = arith.constant 0 : i32
          %dma_wait3A_116 = tpu.memref_slice %arg4[%add3A, %multiple_of3A, %dma_wait3A_115] : memref<32x80x128xi32, #tpu.memory_space<hbm>> -> memref<1x8x128xi32, #tpu.memory_space<hbm>>
          %dma_wait3A_117 = tpu.memref_squeeze %dma_wait3A_116 : memref<1x8x128xi32, #tpu.memory_space<hbm>> -> memref<8x128xi32, #tpu.memory_space<hbm>>
          %dma_wait3A_118 = arith.constant 0 : i32
          %dma_wait3A_119 = tpu.memref_slice %arg8[%multiple_of3A_101, %dma_wait3A_118] : memref<24x128xi32, #tpu.memory_space<vmem>> -> memref<8x128xi32, #tpu.memory_space<vmem>>
          %dma_wait3A_120 = arith.constant 0 : i32
          %dma_wait3A_121 = tpu.memref_slice %arg4[%add3A, %multiple_of3A, %dma_wait3A_120] : memref<32x80x128xi32, #tpu.memory_space<hbm>> -> memref<1x8x128xi32, #tpu.memory_space<hbm>>
          %dma_wait3A_122 = tpu.memref_squeeze %dma_wait3A_121 : memref<1x8x128xi32, #tpu.memory_space<hbm>> -> memref<8x128xi32, #tpu.memory_space<hbm>>
          tpu.wait_dma2 semaphore(%run_scoped3A_102 : memref<!tpu.dma_semaphore, #tpu.memory_space<semaphore_mem>>) src(%dma_wait3A_122 : memref<8x128xi32, #tpu.memory_space<hbm>>) dst(%dma_wait3A_119 : memref<8x128xi32, #tpu.memory_space<vmem>>)
          tpu.yield
        }) : () -> ()
      } else {
      }
      %add3A_47 = arith.constant 0 : i32
      %add3A_48 = arith.addi %mul3A_40, %add3A_47 : i32
      %rem3A_49 = arith.constant 24 : i32
      %rem3A_50 = arith.remsi %add3A_48, %rem3A_49 : i32
      %dma_wait3A = arith.constant 0 : i32
      %dma_wait3A_51 = arith.constant 0 : i32
      %dma_wait3A_52 = arith.constant 0 : i32
      %dma_wait3A_53 = tpu.memref_slice %arg9[%dma_wait3A, %dma_wait3A_51, %dma_wait3A_52] : memref<2x128x128xf32, #tpu.memory_space<vmem>> -> memref<1x128x128xf32, #tpu.memory_space<vmem>>
      %dma_wait3A_54 = tpu.memref_squeeze %dma_wait3A_53 : memref<1x128x128xf32, #tpu.memory_space<vmem>> -> memref<128x128xf32, #tpu.memory_space<vmem>>
      %dma_wait3A_55 = arith.constant 0 : i32
      %dma_wait3A_56 = tpu.memref_slice %arg7[%rem3A_50, %dma_wait3A_55] : memref<24x128xi32, #tpu.memory_space<vmem>> -> memref<1x128xi32, #tpu.memory_space<vmem>>
      %dma_wait3A_57 = tpu.memref_squeeze %dma_wait3A_56 : memref<1x128xi32, #tpu.memory_space<vmem>> -> memref<128xi32, #tpu.memory_space<vmem>>
      %dma_wait3A_58 = arith.constant 0 : i32
      %dma_wait3A_59 = arith.constant 0 : i32
      %dma_wait3A_60 = tpu.memref_slice %arg2[%dma_wait3A_58, %dma_wait3A_59] : memref<10240x128xf32, #tpu.memory_space<hbm>> -> memref<10240x128xf32, #tpu.memory_space<hbm>>
      tpu.wait_indirect_dma semaphore(%arg11 : memref<!tpu.dma_semaphore, #tpu.memory_space<semaphore_mem>>) src(%dma_wait3A_60 : memref<10240x128xf32, #tpu.memory_space<hbm>>) dst(%dma_wait3A_54 : memref<128x128xf32, #tpu.memory_space<vmem>>)
      %rem3A_61 = arith.constant 24 : i32
      %rem3A_62 = arith.remsi %add3A_48, %rem3A_61 : i32
      %run_scoped3A = arith.constant 0 : i32
      "tpu.region"() ({
        %run_scoped3A_95 = tpu.sem_alloc : memref<!tpu.dma_semaphore, #tpu.memory_space<semaphore_mem>>
        %dma_start3A_96 = arith.constant 0 : i32
        %dma_start3A_97 = arith.constant 0 : i32
        %dma_start3A_98 = tpu.memref_slice %arg9[%run_scoped3A, %dma_start3A_96, %dma_start3A_97] : memref<2x128x128xf32, #tpu.memory_space<vmem>> -> memref<1x128x128xf32, #tpu.memory_space<vmem>>
        %dma_start3A_99 = tpu.memref_squeeze %dma_start3A_98 : memref<1x128x128xf32, #tpu.memory_space<vmem>> -> memref<128x128xf32, #tpu.memory_space<vmem>>
        %dma_start3A_100 = arith.constant 0 : i32
        %dma_start3A_101 = tpu.memref_slice %arg8[%rem3A_62, %dma_start3A_100] : memref<24x128xi32, #tpu.memory_space<vmem>> -> memref<1x128xi32, #tpu.memory_space<vmem>>
        %dma_start3A_102 = tpu.memref_squeeze %dma_start3A_101 : memref<1x128xi32, #tpu.memory_space<vmem>> -> memref<128xi32, #tpu.memory_space<vmem>>
        %dma_start3A_103 = arith.constant 0 : i32
        %dma_start3A_104 = arith.constant 0 : i32
        %dma_start3A_105 = tpu.memref_slice %arg10[%dma_start3A_103, %dma_start3A_104] : memref<10240x128xf32, #tpu.memory_space<vmem_shared>> -> memref<10240x128xf32, #tpu.memory_space<vmem_shared>>
        tpu.enqueue_indirect_dma source(%dma_start3A_99 : memref<128x128xf32, #tpu.memory_space<vmem>>) target(%dma_start3A_105 : memref<10240x128xf32, #tpu.memory_space<vmem_shared>>) offsets(%dma_start3A_102 : memref<128xi32, #tpu.memory_space<vmem>>) semaphore(%run_scoped3A_95 : memref<!tpu.dma_semaphore, #tpu.memory_space<semaphore_mem>>) {add = true}
        %dma_wait3A_106 = arith.constant 0 : i32
        %dma_wait3A_107 = arith.constant 0 : i32
        %dma_wait3A_108 = tpu.memref_slice %arg9[%run_scoped3A, %dma_wait3A_106, %dma_wait3A_107] : memref<2x128x128xf32, #tpu.memory_space<vmem>> -> memref<1x128x128xf32, #tpu.memory_space<vmem>>
        %dma_wait3A_109 = tpu.memref_squeeze %dma_wait3A_108 : memref<1x128x128xf32, #tpu.memory_space<vmem>> -> memref<128x128xf32, #tpu.memory_space<vmem>>
        %dma_wait3A_110 = arith.constant 0 : i32
        %dma_wait3A_111 = tpu.memref_slice %arg8[%rem3A_62, %dma_wait3A_110] : memref<24x128xi32, #tpu.memory_space<vmem>> -> memref<1x128xi32, #tpu.memory_space<vmem>>
        %dma_wait3A_112 = tpu.memref_squeeze %dma_wait3A_111 : memref<1x128xi32, #tpu.memory_space<vmem>> -> memref<128xi32, #tpu.memory_space<vmem>>
        %dma_wait3A_113 = arith.constant 0 : i32
        %dma_wait3A_114 = arith.constant 0 : i32
        %dma_wait3A_115 = tpu.memref_slice %arg10[%dma_wait3A_113, %dma_wait3A_114] : memref<10240x128xf32, #tpu.memory_space<vmem_shared>> -> memref<10240x128xf32, #tpu.memory_space<vmem_shared>>
        tpu.wait_indirect_dma semaphore(%run_scoped3A_95 : memref<!tpu.dma_semaphore, #tpu.memory_space<semaphore_mem>>) src(%dma_wait3A_109 : memref<128x128xf32, #tpu.memory_space<vmem>>) dst(%dma_wait3A_115 : memref<10240x128xf32, #tpu.memory_space<vmem_shared>>)
        tpu.yield
      }) : () -> ()
      %add3A_63 = arith.constant 2 : i32
      %add3A_64 = arith.addi %add3A_48, %add3A_63 : i32
      %lt3A_65 = arith.constant 80 : i32
      %lt3A_66 = arith.cmpi slt, %add3A_64, %lt3A_65 : i32
      %convert_element_type3A_67 = arith.extui %lt3A_66 : i1 to i32
      %cond3A_68 = arith.constant 0 : i32
      %cond3A_69 = arith.cmpi ne, %convert_element_type3A_67, %cond3A_68 : i32
      scf.if %cond3A_69 {
        %add3A_95 = arith.constant 2 : i32
        %add3A_96 = arith.addi %add3A_48, %add3A_95 : i32
        %rem3A_97 = arith.constant 24 : i32
        %rem3A_98 = arith.remsi %add3A_96, %rem3A_97 : i32
        %dma_start3A_99 = arith.constant 0 : i32
        %dma_start3A_100 = arith.constant 0 : i32
        %dma_start3A_101 = arith.constant 0 : i32
        %dma_start3A_102 = tpu.memref_slice %arg9[%dma_start3A_99, %dma_start3A_100, %dma_start3A_101] : memref<2x128x128xf32, #tpu.memory_space<vmem>> -> memref<1x128x128xf32, #tpu.memory_space<vmem>>
        %dma_start3A_103 = tpu.memref_squeeze %dma_start3A_102 : memref<1x128x128xf32, #tpu.memory_space<vmem>> -> memref<128x128xf32, #tpu.memory_space<vmem>>
        %dma_start3A_104 = arith.constant 0 : i32
        %dma_start3A_105 = tpu.memref_slice %arg7[%rem3A_98, %dma_start3A_104] : memref<24x128xi32, #tpu.memory_space<vmem>> -> memref<1x128xi32, #tpu.memory_space<vmem>>
        %dma_start3A_106 = tpu.memref_squeeze %dma_start3A_105 : memref<1x128xi32, #tpu.memory_space<vmem>> -> memref<128xi32, #tpu.memory_space<vmem>>
        %dma_start3A_107 = arith.constant 0 : i32
        %dma_start3A_108 = arith.constant 0 : i32
        %dma_start3A_109 = tpu.memref_slice %arg2[%dma_start3A_107, %dma_start3A_108] : memref<10240x128xf32, #tpu.memory_space<hbm>> -> memref<10240x128xf32, #tpu.memory_space<hbm>>
        tpu.enqueue_indirect_dma source(%dma_start3A_109 : memref<10240x128xf32, #tpu.memory_space<hbm>>) target(%dma_start3A_103 : memref<128x128xf32, #tpu.memory_space<vmem>>) offsets(%dma_start3A_106 : memref<128xi32, #tpu.memory_space<vmem>>) semaphore(%arg11 : memref<!tpu.dma_semaphore, #tpu.memory_space<semaphore_mem>>)
      } else {
      }
      %add3A_70 = arith.constant 1 : i32
      %add3A_71 = arith.addi %mul3A_40, %add3A_70 : i32
      %rem3A_72 = arith.constant 24 : i32
      %rem3A_73 = arith.remsi %add3A_71, %rem3A_72 : i32
      %dma_wait3A_74 = arith.constant 1 : i32
      %dma_wait3A_75 = arith.constant 0 : i32
      %dma_wait3A_76 = arith.constant 0 : i32
      %dma_wait3A_77 = tpu.memref_slice %arg9[%dma_wait3A_74, %dma_wait3A_75, %dma_wait3A_76] : memref<2x128x128xf32, #tpu.memory_space<vmem>> -> memref<1x128x128xf32, #tpu.memory_space<vmem>>
      %dma_wait3A_78 = tpu.memref_squeeze %dma_wait3A_77 : memref<1x128x128xf32, #tpu.memory_space<vmem>> -> memref<128x128xf32, #tpu.memory_space<vmem>>
      %dma_wait3A_79 = arith.constant 0 : i32
      %dma_wait3A_80 = tpu.memref_slice %arg7[%rem3A_73, %dma_wait3A_79] : memref<24x128xi32, #tpu.memory_space<vmem>> -> memref<1x128xi32, #tpu.memory_space<vmem>>
      %dma_wait3A_81 = tpu.memref_squeeze %dma_wait3A_80 : memref<1x128xi32, #tpu.memory_space<vmem>> -> memref<128xi32, #tpu.memory_space<vmem>>
      %dma_wait3A_82 = arith.constant 0 : i32
      %dma_wait3A_83 = arith.constant 0 : i32
      %dma_wait3A_84 = tpu.memref_slice %arg2[%dma_wait3A_82, %dma_wait3A_83] : memref<10240x128xf32, #tpu.memory_space<hbm>> -> memref<10240x128xf32, #tpu.memory_space<hbm>>
      tpu.wait_indirect_dma semaphore(%arg12 : memref<!tpu.dma_semaphore, #tpu.memory_space<semaphore_mem>>) src(%dma_wait3A_84 : memref<10240x128xf32, #tpu.memory_space<hbm>>) dst(%dma_wait3A_78 : memref<128x128xf32, #tpu.memory_space<vmem>>)
      %rem3A_85 = arith.constant 24 : i32
      %rem3A_86 = arith.remsi %add3A_71, %rem3A_85 : i32
      %run_scoped3A_87 = arith.constant 1 : i32
      "tpu.region"() ({
        %run_scoped3A_95 = tpu.sem_alloc : memref<!tpu.dma_semaphore, #tpu.memory_space<semaphore_mem>>
        %dma_start3A_96 = arith.constant 0 : i32
        %dma_start3A_97 = arith.constant 0 : i32
        %dma_start3A_98 = tpu.memref_slice %arg9[%run_scoped3A_87, %dma_start3A_96, %dma_start3A_97] : memref<2x128x128xf32, #tpu.memory_space<vmem>> -> memref<1x128x128xf32, #tpu.memory_space<vmem>>
        %dma_start3A_99 = tpu.memref_squeeze %dma_start3A_98 : memref<1x128x128xf32, #tpu.memory_space<vmem>> -> memref<128x128xf32, #tpu.memory_space<vmem>>
        %dma_start3A_100 = arith.constant 0 : i32
        %dma_start3A_101 = tpu.memref_slice %arg8[%rem3A_86, %dma_start3A_100] : memref<24x128xi32, #tpu.memory_space<vmem>> -> memref<1x128xi32, #tpu.memory_space<vmem>>
        %dma_start3A_102 = tpu.memref_squeeze %dma_start3A_101 : memref<1x128xi32, #tpu.memory_space<vmem>> -> memref<128xi32, #tpu.memory_space<vmem>>
        %dma_start3A_103 = arith.constant 0 : i32
        %dma_start3A_104 = arith.constant 0 : i32
        %dma_start3A_105 = tpu.memref_slice %arg10[%dma_start3A_103, %dma_start3A_104] : memref<10240x128xf32, #tpu.memory_space<vmem_shared>> -> memref<10240x128xf32, #tpu.memory_space<vmem_shared>>
        tpu.enqueue_indirect_dma source(%dma_start3A_99 : memref<128x128xf32, #tpu.memory_space<vmem>>) target(%dma_start3A_105 : memref<10240x128xf32, #tpu.memory_space<vmem_shared>>) offsets(%dma_start3A_102 : memref<128xi32, #tpu.memory_space<vmem>>) semaphore(%run_scoped3A_95 : memref<!tpu.dma_semaphore, #tpu.memory_space<semaphore_mem>>) {add = true}
        %dma_wait3A_106 = arith.constant 0 : i32
        %dma_wait3A_107 = arith.constant 0 : i32
        %dma_wait3A_108 = tpu.memref_slice %arg9[%run_scoped3A_87, %dma_wait3A_106, %dma_wait3A_107] : memref<2x128x128xf32, #tpu.memory_space<vmem>> -> memref<1x128x128xf32, #tpu.memory_space<vmem>>
        %dma_wait3A_109 = tpu.memref_squeeze %dma_wait3A_108 : memref<1x128x128xf32, #tpu.memory_space<vmem>> -> memref<128x128xf32, #tpu.memory_space<vmem>>
        %dma_wait3A_110 = arith.constant 0 : i32
        %dma_wait3A_111 = tpu.memref_slice %arg8[%rem3A_86, %dma_wait3A_110] : memref<24x128xi32, #tpu.memory_space<vmem>> -> memref<1x128xi32, #tpu.memory_space<vmem>>
        %dma_wait3A_112 = tpu.memref_squeeze %dma_wait3A_111 : memref<1x128xi32, #tpu.memory_space<vmem>> -> memref<128xi32, #tpu.memory_space<vmem>>
        %dma_wait3A_113 = arith.constant 0 : i32
        %dma_wait3A_114 = arith.constant 0 : i32
        %dma_wait3A_115 = tpu.memref_slice %arg10[%dma_wait3A_113, %dma_wait3A_114] : memref<10240x128xf32, #tpu.memory_space<vmem_shared>> -> memref<10240x128xf32, #tpu.memory_space<vmem_shared>>
        tpu.wait_indirect_dma semaphore(%run_scoped3A_95 : memref<!tpu.dma_semaphore, #tpu.memory_space<semaphore_mem>>) src(%dma_wait3A_109 : memref<128x128xf32, #tpu.memory_space<vmem>>) dst(%dma_wait3A_115 : memref<10240x128xf32, #tpu.memory_space<vmem_shared>>)
        tpu.yield
      }) : () -> ()
      %add3A_88 = arith.constant 2 : i32
      %add3A_89 = arith.addi %add3A_71, %add3A_88 : i32
      %lt3A_90 = arith.constant 80 : i32
      %lt3A_91 = arith.cmpi slt, %add3A_89, %lt3A_90 : i32
      %convert_element_type3A_92 = arith.extui %lt3A_91 : i1 to i32
      %cond3A_93 = arith.constant 0 : i32
      %cond3A_94 = arith.cmpi ne, %convert_element_type3A_92, %cond3A_93 : i32
      scf.if %cond3A_94 {
        %add3A_95 = arith.constant 2 : i32
        %add3A_96 = arith.addi %add3A_71, %add3A_95 : i32
        %rem3A_97 = arith.constant 24 : i32
        %rem3A_98 = arith.remsi %add3A_96, %rem3A_97 : i32
        %dma_start3A_99 = arith.constant 1 : i32
        %dma_start3A_100 = arith.constant 0 : i32
        %dma_start3A_101 = arith.constant 0 : i32
        %dma_start3A_102 = tpu.memref_slice %arg9[%dma_start3A_99, %dma_start3A_100, %dma_start3A_101] : memref<2x128x128xf32, #tpu.memory_space<vmem>> -> memref<1x128x128xf32, #tpu.memory_space<vmem>>
        %dma_start3A_103 = tpu.memref_squeeze %dma_start3A_102 : memref<1x128x128xf32, #tpu.memory_space<vmem>> -> memref<128x128xf32, #tpu.memory_space<vmem>>
        %dma_start3A_104 = arith.constant 0 : i32
        %dma_start3A_105 = tpu.memref_slice %arg7[%rem3A_98, %dma_start3A_104] : memref<24x128xi32, #tpu.memory_space<vmem>> -> memref<1x128xi32, #tpu.memory_space<vmem>>
        %dma_start3A_106 = tpu.memref_squeeze %dma_start3A_105 : memref<1x128xi32, #tpu.memory_space<vmem>> -> memref<128xi32, #tpu.memory_space<vmem>>
        %dma_start3A_107 = arith.constant 0 : i32
        %dma_start3A_108 = arith.constant 0 : i32
        %dma_start3A_109 = tpu.memref_slice %arg2[%dma_start3A_107, %dma_start3A_108] : memref<10240x128xf32, #tpu.memory_space<hbm>> -> memref<10240x128xf32, #tpu.memory_space<hbm>>
        tpu.enqueue_indirect_dma source(%dma_start3A_109 : memref<10240x128xf32, #tpu.memory_space<hbm>>) target(%dma_start3A_103 : memref<128x128xf32, #tpu.memory_space<vmem>>) offsets(%dma_start3A_106 : memref<128xi32, #tpu.memory_space<vmem>>) semaphore(%arg12 : memref<!tpu.dma_semaphore, #tpu.memory_space<semaphore_mem>>)
      } else {
      }
    }
    %scan3A_32 = arith.constant 40 : i32
    %barrier3A_33 = arith.constant 0 : index
    tpu.barrier barrier_id(%barrier3A_33)
    %mul3A_34 = arith.constant 640 : i32
    %mul3A_35 = arith.muli %arg1, %mul3A_34 : i32
    %mul3A_36 = arith.constant 640 : i32
    %mul3A_37 = arith.muli %arg1, %mul3A_36 : i32
    "tpu.region"() ({
      %run_scoped3A = tpu.sem_alloc : memref<!tpu.dma_semaphore, #tpu.memory_space<semaphore_mem>>
      %dma_start3A_38 = arith.constant 0 : i32
      %dma_start3A_39 = tpu.memref_slice %arg6[%arg0, %mul3A_37, %dma_start3A_38] : memref<2x10240x128xf32, #tpu.memory_space<hbm>> -> memref<1x640x128xf32, #tpu.memory_space<hbm>>
      %dma_start3A_40 = tpu.memref_squeeze %dma_start3A_39 : memref<1x640x128xf32, #tpu.memory_space<hbm>> -> memref<640x128xf32, #tpu.memory_space<hbm>>
      %dma_start3A_41 = arith.constant 0 : i32
      %dma_start3A_42 = tpu.memref_slice %arg10[%mul3A_35, %dma_start3A_41] : memref<10240x128xf32, #tpu.memory_space<vmem_shared>> -> memref<640x128xf32, #tpu.memory_space<vmem_shared>>
      tpu.enqueue_dma source(%dma_start3A_42 : memref<640x128xf32, #tpu.memory_space<vmem_shared>>) target(%dma_start3A_40 : memref<640x128xf32, #tpu.memory_space<hbm>>) target_semaphore(%run_scoped3A : memref<!tpu.dma_semaphore, #tpu.memory_space<semaphore_mem>>)
      %dma_wait3A = arith.constant 0 : i32
      %dma_wait3A_43 = tpu.memref_slice %arg6[%arg0, %mul3A_37, %dma_wait3A] : memref<2x10240x128xf32, #tpu.memory_space<hbm>> -> memref<1x640x128xf32, #tpu.memory_space<hbm>>
      %dma_wait3A_44 = tpu.memref_squeeze %dma_wait3A_43 : memref<1x640x128xf32, #tpu.memory_space<hbm>> -> memref<640x128xf32, #tpu.memory_space<hbm>>
      %dma_wait3A_45 = arith.constant 0 : i32
      %dma_wait3A_46 = tpu.memref_slice %arg10[%mul3A_35, %dma_wait3A_45] : memref<10240x128xf32, #tpu.memory_space<vmem_shared>> -> memref<640x128xf32, #tpu.memory_space<vmem_shared>>
      tpu.wait_dma2 semaphore(%run_scoped3A : memref<!tpu.dma_semaphore, #tpu.memory_space<semaphore_mem>>) src(%dma_wait3A_46 : memref<640x128xf32, #tpu.memory_space<vmem_shared>>) dst(%dma_wait3A_44 : memref<640x128xf32, #tpu.memory_space<hbm>>)
      tpu.yield
    }) : () -> ()
    return
  }
}

#map = affine_map<(d0, d1) -> (0, 0)>
#map1 = affine_map<(d0, d1) -> (0, 0, 0)>
module attributes {stable_mosaic.version = 14 : i64} {
  func.func @k(%arg0: i32, %arg1: i32, %arg2: memref<12288x128xf32, #tpu.memory_space<hbm>>, %arg3: memref<32x3x128xi32, #tpu.memory_space<hbm>>, %arg4: memref<256x128xf32, #tpu.memory_space<hbm>>, %arg5: memref<2x256x128xf32, #tpu.memory_space<hbm>>, %arg6: memref<3x128xi32, #tpu.memory_space<vmem>>, %arg7: memref<128x128xf32, #tpu.memory_space<vmem>>, %arg8: memref<256x128xf32, #tpu.memory_space<vmem_shared>>) attributes {dimension_semantics = [#tpu.dimension_semantics<core_parallel>, #tpu.dimension_semantics<subcore_parallel>], iteration_bounds = array<i64: 2, 16>, scalar_prefetch = 0 : i64, scratch_operands = 3 : i64, tpu.core_type = #tpu.core_type<sc_vector_subcore>, window_params = [{transform_indices = #map}, {transform_indices = #map1}, {transform_indices = #map}, {transform_indices = #map1}]} {
    %mul3A = arith.constant 16 : i32
    %mul3A_0 = arith.muli %arg0, %mul3A : i32
    %add3A = arith.addi %mul3A_0, %arg1 : i32
    %mul3A_1 = arith.constant 16 : i32
    %mul3A_2 = arith.muli %arg1, %mul3A_1 : i32
    %mul3A_3 = arith.constant 16 : i32
    %mul3A_4 = arith.muli %arg1, %mul3A_3 : i32
    "tpu.region"() ({
      %run_scoped3A = tpu.sem_alloc : memref<!tpu.dma_semaphore, #tpu.memory_space<semaphore_mem>>
      %dma_start3A = arith.constant 0 : i32
      %dma_start3A_15 = tpu.memref_slice %arg8[%mul3A_4, %dma_start3A] : memref<256x128xf32, #tpu.memory_space<vmem_shared>> -> memref<16x128xf32, #tpu.memory_space<vmem_shared>>
      %dma_start3A_16 = arith.constant 0 : i32
      %dma_start3A_17 = tpu.memref_slice %arg4[%mul3A_2, %dma_start3A_16] : memref<256x128xf32, #tpu.memory_space<hbm>> -> memref<16x128xf32, #tpu.memory_space<hbm>>
      tpu.enqueue_dma source(%dma_start3A_17 : memref<16x128xf32, #tpu.memory_space<hbm>>) target(%dma_start3A_15 : memref<16x128xf32, #tpu.memory_space<vmem_shared>>) target_semaphore(%run_scoped3A : memref<!tpu.dma_semaphore, #tpu.memory_space<semaphore_mem>>)
      %dma_wait3A = arith.constant 0 : i32
      %dma_wait3A_18 = tpu.memref_slice %arg8[%mul3A_4, %dma_wait3A] : memref<256x128xf32, #tpu.memory_space<vmem_shared>> -> memref<16x128xf32, #tpu.memory_space<vmem_shared>>
      %dma_wait3A_19 = arith.constant 0 : i32
      %dma_wait3A_20 = tpu.memref_slice %arg4[%mul3A_2, %dma_wait3A_19] : memref<256x128xf32, #tpu.memory_space<hbm>> -> memref<16x128xf32, #tpu.memory_space<hbm>>
      tpu.wait_dma2 semaphore(%run_scoped3A : memref<!tpu.dma_semaphore, #tpu.memory_space<semaphore_mem>>) src(%dma_wait3A_20 : memref<16x128xf32, #tpu.memory_space<hbm>>) dst(%dma_wait3A_18 : memref<16x128xf32, #tpu.memory_space<vmem_shared>>)
      tpu.yield
    }) : () -> ()
    "tpu.region"() ({
      %run_scoped3A = tpu.sem_alloc : memref<!tpu.dma_semaphore, #tpu.memory_space<semaphore_mem>>
      %dma_start3A = arith.constant 0 : i32
      %dma_start3A_15 = arith.constant 0 : i32
      %dma_start3A_16 = tpu.memref_slice %arg3[%add3A, %dma_start3A, %dma_start3A_15] : memref<32x3x128xi32, #tpu.memory_space<hbm>> -> memref<1x3x128xi32, #tpu.memory_space<hbm>>
      %dma_start3A_17 = tpu.memref_squeeze %dma_start3A_16 : memref<1x3x128xi32, #tpu.memory_space<hbm>> -> memref<3x128xi32, #tpu.memory_space<hbm>>
      %dma_start3A_18 = arith.constant 0 : i32
      %dma_start3A_19 = arith.constant 0 : i32
      %dma_start3A_20 = tpu.memref_slice %arg3[%add3A, %dma_start3A_18, %dma_start3A_19] : memref<32x3x128xi32, #tpu.memory_space<hbm>> -> memref<1x3x128xi32, #tpu.memory_space<hbm>>
      %dma_start3A_21 = tpu.memref_squeeze %dma_start3A_20 : memref<1x3x128xi32, #tpu.memory_space<hbm>> -> memref<3x128xi32, #tpu.memory_space<hbm>>
      tpu.enqueue_dma source(%dma_start3A_21 : memref<3x128xi32, #tpu.memory_space<hbm>>) target(%arg6 : memref<3x128xi32, #tpu.memory_space<vmem>>) target_semaphore(%run_scoped3A : memref<!tpu.dma_semaphore, #tpu.memory_space<semaphore_mem>>)
      %dma_wait3A = arith.constant 0 : i32
      %dma_wait3A_22 = arith.constant 0 : i32
      %dma_wait3A_23 = tpu.memref_slice %arg3[%add3A, %dma_wait3A, %dma_wait3A_22] : memref<32x3x128xi32, #tpu.memory_space<hbm>> -> memref<1x3x128xi32, #tpu.memory_space<hbm>>
      %dma_wait3A_24 = tpu.memref_squeeze %dma_wait3A_23 : memref<1x3x128xi32, #tpu.memory_space<hbm>> -> memref<3x128xi32, #tpu.memory_space<hbm>>
      %dma_wait3A_25 = arith.constant 0 : i32
      %dma_wait3A_26 = arith.constant 0 : i32
      %dma_wait3A_27 = tpu.memref_slice %arg3[%add3A, %dma_wait3A_25, %dma_wait3A_26] : memref<32x3x128xi32, #tpu.memory_space<hbm>> -> memref<1x3x128xi32, #tpu.memory_space<hbm>>
      %dma_wait3A_28 = tpu.memref_squeeze %dma_wait3A_27 : memref<1x3x128xi32, #tpu.memory_space<hbm>> -> memref<3x128xi32, #tpu.memory_space<hbm>>
      tpu.wait_dma2 semaphore(%run_scoped3A : memref<!tpu.dma_semaphore, #tpu.memory_space<semaphore_mem>>) src(%dma_wait3A_28 : memref<3x128xi32, #tpu.memory_space<hbm>>) dst(%arg6 : memref<3x128xi32, #tpu.memory_space<vmem>>)
      tpu.yield
    }) : () -> ()
    %barrier3A = arith.constant 0 : index
    tpu.barrier barrier_id(%barrier3A)
    %scan3A = arith.constant 0 : i32
    %scan3A_5 = arith.constant 0 : i32
    %scan3A_6 = arith.constant 3 : i32
    %scan3A_7 = arith.addi %scan3A_5, %scan3A_6 : i32
    %scan3A_8 = arith.constant 1 : i32
    scf.for %scan3A_15 = %scan3A_5 to %scan3A_7 step %scan3A_8  : i32 {
      %mul3A_16 = arith.constant 384 : i32
      %mul3A_17 = arith.muli %add3A, %mul3A_16 : i32
      %mul3A_18 = arith.constant 128 : i32
      %mul3A_19 = arith.muli %scan3A_15, %mul3A_18 : i32
      %add3A_20 = arith.addi %mul3A_17, %mul3A_19 : i32
      "tpu.region"() ({
        %run_scoped3A = tpu.sem_alloc : memref<!tpu.dma_semaphore, #tpu.memory_space<semaphore_mem>>
        %dma_start3A = arith.constant 0 : i32
        %dma_start3A_21 = tpu.memref_slice %arg2[%add3A_20, %dma_start3A] : memref<12288x128xf32, #tpu.memory_space<hbm>> -> memref<128x128xf32, #tpu.memory_space<hbm>>
        %dma_start3A_22 = arith.constant 0 : i32
        %dma_start3A_23 = tpu.memref_slice %arg2[%add3A_20, %dma_start3A_22] : memref<12288x128xf32, #tpu.memory_space<hbm>> -> memref<128x128xf32, #tpu.memory_space<hbm>>
        tpu.enqueue_dma source(%dma_start3A_23 : memref<128x128xf32, #tpu.memory_space<hbm>>) target(%arg7 : memref<128x128xf32, #tpu.memory_space<vmem>>) target_semaphore(%run_scoped3A : memref<!tpu.dma_semaphore, #tpu.memory_space<semaphore_mem>>)
        %dma_wait3A = arith.constant 0 : i32
        %dma_wait3A_24 = tpu.memref_slice %arg2[%add3A_20, %dma_wait3A] : memref<12288x128xf32, #tpu.memory_space<hbm>> -> memref<128x128xf32, #tpu.memory_space<hbm>>
        %dma_wait3A_25 = arith.constant 0 : i32
        %dma_wait3A_26 = tpu.memref_slice %arg2[%add3A_20, %dma_wait3A_25] : memref<12288x128xf32, #tpu.memory_space<hbm>> -> memref<128x128xf32, #tpu.memory_space<hbm>>
        tpu.wait_dma2 semaphore(%run_scoped3A : memref<!tpu.dma_semaphore, #tpu.memory_space<semaphore_mem>>) src(%dma_wait3A_26 : memref<128x128xf32, #tpu.memory_space<hbm>>) dst(%arg7 : memref<128x128xf32, #tpu.memory_space<vmem>>)
        tpu.yield
      }) : () -> ()
      "tpu.region"() ({
        %run_scoped3A = tpu.sem_alloc : memref<!tpu.dma_semaphore, #tpu.memory_space<semaphore_mem>>
        %dma_start3A = arith.constant 0 : i32
        %dma_start3A_21 = tpu.memref_slice %arg6[%scan3A_15, %dma_start3A] : memref<3x128xi32, #tpu.memory_space<vmem>> -> memref<1x128xi32, #tpu.memory_space<vmem>>
        %dma_start3A_22 = tpu.memref_squeeze %dma_start3A_21 : memref<1x128xi32, #tpu.memory_space<vmem>> -> memref<128xi32, #tpu.memory_space<vmem>>
        %dma_start3A_23 = arith.constant 0 : i32
        %dma_start3A_24 = arith.constant 0 : i32
        %dma_start3A_25 = tpu.memref_slice %arg8[%dma_start3A_23, %dma_start3A_24] : memref<256x128xf32, #tpu.memory_space<vmem_shared>> -> memref<256x128xf32, #tpu.memory_space<vmem_shared>>
        tpu.enqueue_indirect_dma source(%arg7 : memref<128x128xf32, #tpu.memory_space<vmem>>) target(%dma_start3A_25 : memref<256x128xf32, #tpu.memory_space<vmem_shared>>) offsets(%dma_start3A_22 : memref<128xi32, #tpu.memory_space<vmem>>) semaphore(%run_scoped3A : memref<!tpu.dma_semaphore, #tpu.memory_space<semaphore_mem>>) {add = true}
        %dma_wait3A = arith.constant 0 : i32
        %dma_wait3A_26 = tpu.memref_slice %arg6[%scan3A_15, %dma_wait3A] : memref<3x128xi32, #tpu.memory_space<vmem>> -> memref<1x128xi32, #tpu.memory_space<vmem>>
        %dma_wait3A_27 = tpu.memref_squeeze %dma_wait3A_26 : memref<1x128xi32, #tpu.memory_space<vmem>> -> memref<128xi32, #tpu.memory_space<vmem>>
        %dma_wait3A_28 = arith.constant 0 : i32
        %dma_wait3A_29 = arith.constant 0 : i32
        %dma_wait3A_30 = tpu.memref_slice %arg8[%dma_wait3A_28, %dma_wait3A_29] : memref<256x128xf32, #tpu.memory_space<vmem_shared>> -> memref<256x128xf32, #tpu.memory_space<vmem_shared>>
        tpu.wait_indirect_dma semaphore(%run_scoped3A : memref<!tpu.dma_semaphore, #tpu.memory_space<semaphore_mem>>) src(%arg7 : memref<128x128xf32, #tpu.memory_space<vmem>>) dst(%dma_wait3A_30 : memref<256x128xf32, #tpu.memory_space<vmem_shared>>)
        tpu.yield
      }) : () -> ()
    }
    %scan3A_9 = arith.constant 3 : i32
    %barrier3A_10 = arith.constant 0 : index
    tpu.barrier barrier_id(%barrier3A_10)
    %mul3A_11 = arith.constant 16 : i32
    %mul3A_12 = arith.muli %arg1, %mul3A_11 : i32
    %mul3A_13 = arith.constant 16 : i32
    %mul3A_14 = arith.muli %arg1, %mul3A_13 : i32
    "tpu.region"() ({
      %run_scoped3A = tpu.sem_alloc : memref<!tpu.dma_semaphore, #tpu.memory_space<semaphore_mem>>
      %dma_start3A = arith.constant 0 : i32
      %dma_start3A_15 = tpu.memref_slice %arg5[%arg0, %mul3A_14, %dma_start3A] : memref<2x256x128xf32, #tpu.memory_space<hbm>> -> memref<1x16x128xf32, #tpu.memory_space<hbm>>
      %dma_start3A_16 = tpu.memref_squeeze %dma_start3A_15 : memref<1x16x128xf32, #tpu.memory_space<hbm>> -> memref<16x128xf32, #tpu.memory_space<hbm>>
      %dma_start3A_17 = arith.constant 0 : i32
      %dma_start3A_18 = tpu.memref_slice %arg8[%mul3A_12, %dma_start3A_17] : memref<256x128xf32, #tpu.memory_space<vmem_shared>> -> memref<16x128xf32, #tpu.memory_space<vmem_shared>>
      tpu.enqueue_dma source(%dma_start3A_18 : memref<16x128xf32, #tpu.memory_space<vmem_shared>>) target(%dma_start3A_16 : memref<16x128xf32, #tpu.memory_space<hbm>>) target_semaphore(%run_scoped3A : memref<!tpu.dma_semaphore, #tpu.memory_space<semaphore_mem>>)
      %dma_wait3A = arith.constant 0 : i32
      %dma_wait3A_19 = tpu.memref_slice %arg5[%arg0, %mul3A_14, %dma_wait3A] : memref<2x256x128xf32, #tpu.memory_space<hbm>> -> memref<1x16x128xf32, #tpu.memory_space<hbm>>
      %dma_wait3A_20 = tpu.memref_squeeze %dma_wait3A_19 : memref<1x16x128xf32, #tpu.memory_space<hbm>> -> memref<16x128xf32, #tpu.memory_space<hbm>>
      %dma_wait3A_21 = arith.constant 0 : i32
      %dma_wait3A_22 = tpu.memref_slice %arg8[%mul3A_12, %dma_wait3A_21] : memref<256x128xf32, #tpu.memory_space<vmem_shared>> -> memref<16x128xf32, #tpu.memory_space<vmem_shared>>
      tpu.wait_dma2 semaphore(%run_scoped3A : memref<!tpu.dma_semaphore, #tpu.memory_space<semaphore_mem>>) src(%dma_wait3A_22 : memref<16x128xf32, #tpu.memory_space<vmem_shared>>) dst(%dma_wait3A_20 : memref<16x128xf32, #tpu.memory_space<hbm>>)
      tpu.yield
    }) : () -> ()
    return
  }
}

#map = affine_map<(d0, d1) -> (0, 0)>
#map1 = affine_map<(d0, d1) -> (0, 0, 0)>
module attributes {stable_mosaic.version = 14 : i64} {
  func.func @k(%arg0: i32, %arg1: i32, %arg2: memref<10240x128xf32, #tpu.memory_space<hbm>>, %arg3: memref<32x80x128xi32, #tpu.memory_space<hbm>>, %arg4: memref<32x80x128xi32, #tpu.memory_space<hbm>>, %arg5: memref<10240x128xf32, #tpu.memory_space<hbm>>, %arg6: memref<2x10240x128xf32, #tpu.memory_space<hbm>>, %arg7: memref<24x128xi32, #tpu.memory_space<vmem>>, %arg8: memref<24x128xi32, #tpu.memory_space<vmem>>, %arg9: memref<2x128x128xf32, #tpu.memory_space<vmem>>, %arg10: memref<10240x128xf32, #tpu.memory_space<vmem_shared>>, %arg11: memref<!tpu.dma_semaphore, #tpu.memory_space<semaphore_mem>>, %arg12: memref<!tpu.dma_semaphore, #tpu.memory_space<semaphore_mem>>) attributes {dimension_semantics = [#tpu.dimension_semantics<core_parallel>, #tpu.dimension_semantics<subcore_parallel>], iteration_bounds = array<i64: 2, 16>, scalar_prefetch = 0 : i64, scratch_operands = 6 : i64, tpu.core_type = #tpu.core_type<sc_vector_subcore>, window_params = [{transform_indices = #map}, {transform_indices = #map1}, {transform_indices = #map1}, {transform_indices = #map}, {transform_indices = #map1}]} {
    %mul3A = arith.constant 16 : i32
    %mul3A_0 = arith.muli %arg0, %mul3A : i32
    %add3A = arith.addi %mul3A_0, %arg1 : i32
    "tpu.region"() ({
      %run_scoped3A = tpu.sem_alloc : memref<!tpu.dma_semaphore, #tpu.memory_space<semaphore_mem>>
      %dma_start3A_38 = arith.constant 0 : i32
      %dma_start3A_39 = arith.constant 0 : i32
      %dma_start3A_40 = tpu.memref_slice %arg7[%dma_start3A_38, %dma_start3A_39] : memref<24x128xi32, #tpu.memory_space<vmem>> -> memref<16x128xi32, #tpu.memory_space<vmem>>
      %dma_start3A_41 = arith.constant 0 : i32
      %dma_start3A_42 = arith.constant 0 : i32
      %dma_start3A_43 = tpu.memref_slice %arg3[%add3A, %dma_start3A_41, %dma_start3A_42] : memref<32x80x128xi32, #tpu.memory_space<hbm>> -> memref<1x16x128xi32, #tpu.memory_space<hbm>>
      %dma_start3A_44 = tpu.memref_squeeze %dma_start3A_43 : memref<1x16x128xi32, #tpu.memory_space<hbm>> -> memref<16x128xi32, #tpu.memory_space<hbm>>
      %dma_start3A_45 = arith.constant 0 : i32
      %dma_start3A_46 = arith.constant 0 : i32
      %dma_start3A_47 = tpu.memref_slice %arg7[%dma_start3A_45, %dma_start3A_46] : memref<24x128xi32, #tpu.memory_space<vmem>> -> memref<16x128xi32, #tpu.memory_space<vmem>>
      %dma_start3A_48 = arith.constant 0 : i32
      %dma_start3A_49 = arith.constant 0 : i32
      %dma_start3A_50 = tpu.memref_slice %arg3[%add3A, %dma_start3A_48, %dma_start3A_49] : memref<32x80x128xi32, #tpu.memory_space<hbm>> -> memref<1x16x128xi32, #tpu.memory_space<hbm>>
      %dma_start3A_51 = tpu.memref_squeeze %dma_start3A_50 : memref<1x16x128xi32, #tpu.memory_space<hbm>> -> memref<16x128xi32, #tpu.memory_space<hbm>>
      tpu.enqueue_dma source(%dma_start3A_51 : memref<16x128xi32, #tpu.memory_space<hbm>>) target(%dma_start3A_47 : memref<16x128xi32, #tpu.memory_space<vmem>>) target_semaphore(%run_scoped3A : memref<!tpu.dma_semaphore, #tpu.memory_space<semaphore_mem>>)
      %dma_wait3A = arith.constant 0 : i32
      %dma_wait3A_52 = arith.constant 0 : i32
      %dma_wait3A_53 = tpu.memref_slice %arg7[%dma_wait3A, %dma_wait3A_52] : memref<24x128xi32, #tpu.memory_space<vmem>> -> memref<16x128xi32, #tpu.memory_space<vmem>>
      %dma_wait3A_54 = arith.constant 0 : i32
      %dma_wait3A_55 = arith.constant 0 : i32
      %dma_wait3A_56 = tpu.memref_slice %arg3[%add3A, %dma_wait3A_54, %dma_wait3A_55] : memref<32x80x128xi32, #tpu.memory_space<hbm>> -> memref<1x16x128xi32, #tpu.memory_space<hbm>>
      %dma_wait3A_57 = tpu.memref_squeeze %dma_wait3A_56 : memref<1x16x128xi32, #tpu.memory_space<hbm>> -> memref<16x128xi32, #tpu.memory_space<hbm>>
      %dma_wait3A_58 = arith.constant 0 : i32
      %dma_wait3A_59 = arith.constant 0 : i32
      %dma_wait3A_60 = tpu.memref_slice %arg7[%dma_wait3A_58, %dma_wait3A_59] : memref<24x128xi32, #tpu.memory_space<vmem>> -> memref<16x128xi32, #tpu.memory_space<vmem>>
      %dma_wait3A_61 = arith.constant 0 : i32
      %dma_wait3A_62 = arith.constant 0 : i32
      %dma_wait3A_63 = tpu.memref_slice %arg3[%add3A, %dma_wait3A_61, %dma_wait3A_62] : memref<32x80x128xi32, #tpu.memory_space<hbm>> -> memref<1x16x128xi32, #tpu.memory_space<hbm>>
      %dma_wait3A_64 = tpu.memref_squeeze %dma_wait3A_63 : memref<1x16x128xi32, #tpu.memory_space<hbm>> -> memref<16x128xi32, #tpu.memory_space<hbm>>
      tpu.wait_dma2 semaphore(%run_scoped3A : memref<!tpu.dma_semaphore, #tpu.memory_space<semaphore_mem>>) src(%dma_wait3A_64 : memref<16x128xi32, #tpu.memory_space<hbm>>) dst(%dma_wait3A_60 : memref<16x128xi32, #tpu.memory_space<vmem>>)
      tpu.yield
    }) : () -> ()
    "tpu.region"() ({
      %run_scoped3A = tpu.sem_alloc : memref<!tpu.dma_semaphore, #tpu.memory_space<semaphore_mem>>
      %dma_start3A_38 = arith.constant 0 : i32
      %dma_start3A_39 = arith.constant 0 : i32
      %dma_start3A_40 = tpu.memref_slice %arg8[%dma_start3A_38, %dma_start3A_39] : memref<24x128xi32, #tpu.memory_space<vmem>> -> memref<16x128xi32, #tpu.memory_space<vmem>>
      %dma_start3A_41 = arith.constant 0 : i32
      %dma_start3A_42 = arith.constant 0 : i32
      %dma_start3A_43 = tpu.memref_slice %arg4[%add3A, %dma_start3A_41, %dma_start3A_42] : memref<32x80x128xi32, #tpu.memory_space<hbm>> -> memref<1x16x128xi32, #tpu.memory_space<hbm>>
      %dma_start3A_44 = tpu.memref_squeeze %dma_start3A_43 : memref<1x16x128xi32, #tpu.memory_space<hbm>> -> memref<16x128xi32, #tpu.memory_space<hbm>>
      %dma_start3A_45 = arith.constant 0 : i32
      %dma_start3A_46 = arith.constant 0 : i32
      %dma_start3A_47 = tpu.memref_slice %arg8[%dma_start3A_45, %dma_start3A_46] : memref<24x128xi32, #tpu.memory_space<vmem>> -> memref<16x128xi32, #tpu.memory_space<vmem>>
      %dma_start3A_48 = arith.constant 0 : i32
      %dma_start3A_49 = arith.constant 0 : i32
      %dma_start3A_50 = tpu.memref_slice %arg4[%add3A, %dma_start3A_48, %dma_start3A_49] : memref<32x80x128xi32, #tpu.memory_space<hbm>> -> memref<1x16x128xi32, #tpu.memory_space<hbm>>
      %dma_start3A_51 = tpu.memref_squeeze %dma_start3A_50 : memref<1x16x128xi32, #tpu.memory_space<hbm>> -> memref<16x128xi32, #tpu.memory_space<hbm>>
      tpu.enqueue_dma source(%dma_start3A_51 : memref<16x128xi32, #tpu.memory_space<hbm>>) target(%dma_start3A_47 : memref<16x128xi32, #tpu.memory_space<vmem>>) target_semaphore(%run_scoped3A : memref<!tpu.dma_semaphore, #tpu.memory_space<semaphore_mem>>)
      %dma_wait3A = arith.constant 0 : i32
      %dma_wait3A_52 = arith.constant 0 : i32
      %dma_wait3A_53 = tpu.memref_slice %arg8[%dma_wait3A, %dma_wait3A_52] : memref<24x128xi32, #tpu.memory_space<vmem>> -> memref<16x128xi32, #tpu.memory_space<vmem>>
      %dma_wait3A_54 = arith.constant 0 : i32
      %dma_wait3A_55 = arith.constant 0 : i32
      %dma_wait3A_56 = tpu.memref_slice %arg4[%add3A, %dma_wait3A_54, %dma_wait3A_55] : memref<32x80x128xi32, #tpu.memory_space<hbm>> -> memref<1x16x128xi32, #tpu.memory_space<hbm>>
      %dma_wait3A_57 = tpu.memref_squeeze %dma_wait3A_56 : memref<1x16x128xi32, #tpu.memory_space<hbm>> -> memref<16x128xi32, #tpu.memory_space<hbm>>
      %dma_wait3A_58 = arith.constant 0 : i32
      %dma_wait3A_59 = arith.constant 0 : i32
      %dma_wait3A_60 = tpu.memref_slice %arg8[%dma_wait3A_58, %dma_wait3A_59] : memref<24x128xi32, #tpu.memory_space<vmem>> -> memref<16x128xi32, #tpu.memory_space<vmem>>
      %dma_wait3A_61 = arith.constant 0 : i32
      %dma_wait3A_62 = arith.constant 0 : i32
      %dma_wait3A_63 = tpu.memref_slice %arg4[%add3A, %dma_wait3A_61, %dma_wait3A_62] : memref<32x80x128xi32, #tpu.memory_space<hbm>> -> memref<1x16x128xi32, #tpu.memory_space<hbm>>
      %dma_wait3A_64 = tpu.memref_squeeze %dma_wait3A_63 : memref<1x16x128xi32, #tpu.memory_space<hbm>> -> memref<16x128xi32, #tpu.memory_space<hbm>>
      tpu.wait_dma2 semaphore(%run_scoped3A : memref<!tpu.dma_semaphore, #tpu.memory_space<semaphore_mem>>) src(%dma_wait3A_64 : memref<16x128xi32, #tpu.memory_space<hbm>>) dst(%dma_wait3A_60 : memref<16x128xi32, #tpu.memory_space<vmem>>)
      tpu.yield
    }) : () -> ()
    %dma_start3A = arith.constant 0 : i32
    %dma_start3A_1 = arith.constant 0 : i32
    %dma_start3A_2 = arith.constant 0 : i32
    %dma_start3A_3 = arith.constant 0 : i32
    %dma_start3A_4 = tpu.memref_slice %arg9[%dma_start3A_1, %dma_start3A_2, %dma_start3A_3] : memref<2x128x128xf32, #tpu.memory_space<vmem>> -> memref<1x128x128xf32, #tpu.memory_space<vmem>>
    %dma_start3A_5 = tpu.memref_squeeze %dma_start3A_4 : memref<1x128x128xf32, #tpu.memory_space<vmem>> -> memref<128x128xf32, #tpu.memory_space<vmem>>
    %dma_start3A_6 = arith.constant 0 : i32
    %dma_start3A_7 = tpu.memref_slice %arg7[%dma_start3A, %dma_start3A_6] : memref<24x128xi32, #tpu.memory_space<vmem>> -> memref<1x128xi32, #tpu.memory_space<vmem>>
    %dma_start3A_8 = tpu.memref_squeeze %dma_start3A_7 : memref<1x128xi32, #tpu.memory_space<vmem>> -> memref<128xi32, #tpu.memory_space<vmem>>
    %dma_start3A_9 = arith.constant 0 : i32
    %dma_start3A_10 = arith.constant 0 : i32
    %dma_start3A_11 = tpu.memref_slice %arg2[%dma_start3A_9, %dma_start3A_10] : memref<10240x128xf32, #tpu.memory_space<hbm>> -> memref<10240x128xf32, #tpu.memory_space<hbm>>
    tpu.enqueue_indirect_dma source(%dma_start3A_11 : memref<10240x128xf32, #tpu.memory_space<hbm>>) target(%dma_start3A_5 : memref<128x128xf32, #tpu.memory_space<vmem>>) offsets(%dma_start3A_8 : memref<128xi32, #tpu.memory_space<vmem>>) semaphore(%arg11 : memref<!tpu.dma_semaphore, #tpu.memory_space<semaphore_mem>>)
    %dma_start3A_12 = arith.constant 1 : i32
    %dma_start3A_13 = arith.constant 1 : i32
    %dma_start3A_14 = arith.constant 0 : i32
    %dma_start3A_15 = arith.constant 0 : i32
    %dma_start3A_16 = tpu.memref_slice %arg9[%dma_start3A_13, %dma_start3A_14, %dma_start3A_15] : memref<2x128x128xf32, #tpu.memory_space<vmem>> -> memref<1x128x128xf32, #tpu.memory_space<vmem>>
    %dma_start3A_17 = tpu.memref_squeeze %dma_start3A_16 : memref<1x128x128xf32, #tpu.memory_space<vmem>> -> memref<128x128xf32, #tpu.memory_space<vmem>>
    %dma_start3A_18 = arith.constant 0 : i32
    %dma_start3A_19 = tpu.memref_slice %arg7[%dma_start3A_12, %dma_start3A_18] : memref<24x128xi32, #tpu.memory_space<vmem>> -> memref<1x128xi32, #tpu.memory_space<vmem>>
    %dma_start3A_20 = tpu.memref_squeeze %dma_start3A_19 : memref<1x128xi32, #tpu.memory_space<vmem>> -> memref<128xi32, #tpu.memory_space<vmem>>
    %dma_start3A_21 = arith.constant 0 : i32
    %dma_start3A_22 = arith.constant 0 : i32
    %dma_start3A_23 = tpu.memref_slice %arg2[%dma_start3A_21, %dma_start3A_22] : memref<10240x128xf32, #tpu.memory_space<hbm>> -> memref<10240x128xf32, #tpu.memory_space<hbm>>
    tpu.enqueue_indirect_dma source(%dma_start3A_23 : memref<10240x128xf32, #tpu.memory_space<hbm>>) target(%dma_start3A_17 : memref<128x128xf32, #tpu.memory_space<vmem>>) offsets(%dma_start3A_20 : memref<128xi32, #tpu.memory_space<vmem>>) semaphore(%arg12 : memref<!tpu.dma_semaphore, #tpu.memory_space<semaphore_mem>>)
    %mul3A_24 = arith.constant 640 : i32
    %mul3A_25 = arith.muli %arg1, %mul3A_24 : i32
    %mul3A_26 = arith.constant 640 : i32
    %mul3A_27 = arith.muli %arg1, %mul3A_26 : i32
    "tpu.region"() ({
      %run_scoped3A = tpu.sem_alloc : memref<!tpu.dma_semaphore, #tpu.memory_space<semaphore_mem>>
      %dma_start3A_38 = arith.constant 0 : i32
      %dma_start3A_39 = tpu.memref_slice %arg10[%mul3A_27, %dma_start3A_38] : memref<10240x128xf32, #tpu.memory_space<vmem_shared>> -> memref<640x128xf32, #tpu.memory_space<vmem_shared>>
      %dma_start3A_40 = arith.constant 0 : i32
      %dma_start3A_41 = tpu.memref_slice %arg5[%mul3A_25, %dma_start3A_40] : memref<10240x128xf32, #tpu.memory_space<hbm>> -> memref<640x128xf32, #tpu.memory_space<hbm>>
      tpu.enqueue_dma source(%dma_start3A_41 : memref<640x128xf32, #tpu.memory_space<hbm>>) target(%dma_start3A_39 : memref<640x128xf32, #tpu.memory_space<vmem_shared>>) target_semaphore(%run_scoped3A : memref<!tpu.dma_semaphore, #tpu.memory_space<semaphore_mem>>)
      %dma_wait3A = arith.constant 0 : i32
      %dma_wait3A_42 = tpu.memref_slice %arg10[%mul3A_27, %dma_wait3A] : memref<10240x128xf32, #tpu.memory_space<vmem_shared>> -> memref<640x128xf32, #tpu.memory_space<vmem_shared>>
      %dma_wait3A_43 = arith.constant 0 : i32
      %dma_wait3A_44 = tpu.memref_slice %arg5[%mul3A_25, %dma_wait3A_43] : memref<10240x128xf32, #tpu.memory_space<hbm>> -> memref<640x128xf32, #tpu.memory_space<hbm>>
      tpu.wait_dma2 semaphore(%run_scoped3A : memref<!tpu.dma_semaphore, #tpu.memory_space<semaphore_mem>>) src(%dma_wait3A_44 : memref<640x128xf32, #tpu.memory_space<hbm>>) dst(%dma_wait3A_42 : memref<640x128xf32, #tpu.memory_space<vmem_shared>>)
      tpu.yield
    }) : () -> ()
    %barrier3A = arith.constant 0 : index
    tpu.barrier barrier_id(%barrier3A)
    %scan3A = arith.constant 0 : i32
    %scan3A_28 = arith.constant 0 : i32
    %scan3A_29 = arith.constant 40 : i32
    %scan3A_30 = arith.addi %scan3A_28, %scan3A_29 : i32
    %scan3A_31 = arith.constant 1 : i32
    scf.for %scan3A_38 = %scan3A_28 to %scan3A_30 step %scan3A_31  : i32 {
      %mul3A_39 = arith.constant 2 : i32
      %mul3A_40 = arith.muli %mul3A_39, %scan3A_38 : i32
      %rem3A = arith.constant 8 : i32
      %rem3A_41 = arith.remsi %mul3A_40, %rem3A : i32
      %eq3A = arith.constant 0 : i32
      %eq3A_42 = arith.cmpi eq, %rem3A_41, %eq3A : i32
      %add3A_43 = arith.constant 8 : i32
      %add3A_44 = arith.addi %mul3A_40, %add3A_43 : i32
      %lt3A = arith.constant 80 : i32
      %lt3A_45 = arith.cmpi slt, %add3A_44, %lt3A : i32
      %and3A = arith.andi %eq3A_42, %lt3A_45 : i1
      %convert_element_type3A = arith.extui %and3A : i1 to i32
      %cond3A = arith.constant 0 : i32
      %cond3A_46 = arith.cmpi ne, %convert_element_type3A, %cond3A : i32
      scf.if %cond3A_46 {
        %add3A_95 = arith.constant 8 : i32
        %add3A_96 = arith.addi %mul3A_40, %add3A_95 : i32
        %multiple_of3A = tpu.assume_multiple %add3A_96, 8 : i32
        %add3A_97 = arith.constant 8 : i32
        %add3A_98 = arith.addi %mul3A_40, %add3A_97 : i32
        %rem3A_99 = arith.constant 24 : i32
        %rem3A_100 = arith.remsi %add3A_98, %rem3A_99 : i32
        %multiple_of3A_101 = tpu.assume_multiple %rem3A_100, 8 : i32
        "tpu.region"() ({
          %run_scoped3A_102 = tpu.sem_alloc : memref<!tpu.dma_semaphore, #tpu.memory_space<semaphore_mem>>
          %dma_start3A_103 = arith.constant 0 : i32
          %dma_start3A_104 = tpu.memref_slice %arg7[%multiple_of3A_101, %dma_start3A_103] : memref<24x128xi32, #tpu.memory_space<vmem>> -> memref<8x128xi32, #tpu.memory_space<vmem>>
          %dma_start3A_105 = arith.constant 0 : i32
          %dma_start3A_106 = tpu.memref_slice %arg3[%add3A, %multiple_of3A, %dma_start3A_105] : memref<32x80x128xi32, #tpu.memory_space<hbm>> -> memref<1x8x128xi32, #tpu.memory_space<hbm>>
          %dma_start3A_107 = tpu.memref_squeeze %dma_start3A_106 : memref<1x8x128xi32, #tpu.memory_space<hbm>> -> memref<8x128xi32, #tpu.memory_space<hbm>>
          %dma_start3A_108 = arith.constant 0 : i32
          %dma_start3A_109 = tpu.memref_slice %arg7[%multiple_of3A_101, %dma_start3A_108] : memref<24x128xi32, #tpu.memory_space<vmem>> -> memref<8x128xi32, #tpu.memory_space<vmem>>
          %dma_start3A_110 = arith.constant 0 : i32
          %dma_start3A_111 = tpu.memref_slice %arg3[%add3A, %multiple_of3A, %dma_start3A_110] : memref<32x80x128xi32, #tpu.memory_space<hbm>> -> memref<1x8x128xi32, #tpu.memory_space<hbm>>
          %dma_start3A_112 = tpu.memref_squeeze %dma_start3A_111 : memref<1x8x128xi32, #tpu.memory_space<hbm>> -> memref<8x128xi32, #tpu.memory_space<hbm>>
          tpu.enqueue_dma source(%dma_start3A_112 : memref<8x128xi32, #tpu.memory_space<hbm>>) target(%dma_start3A_109 : memref<8x128xi32, #tpu.memory_space<vmem>>) target_semaphore(%run_scoped3A_102 : memref<!tpu.dma_semaphore, #tpu.memory_space<semaphore_mem>>)
          %dma_wait3A_113 = arith.constant 0 : i32
          %dma_wait3A_114 = tpu.memref_slice %arg7[%multiple_of3A_101, %dma_wait3A_113] : memref<24x128xi32, #tpu.memory_space<vmem>> -> memref<8x128xi32, #tpu.memory_space<vmem>>
          %dma_wait3A_115 = arith.constant 0 : i32
          %dma_wait3A_116 = tpu.memref_slice %arg3[%add3A, %multiple_of3A, %dma_wait3A_115] : memref<32x80x128xi32, #tpu.memory_space<hbm>> -> memref<1x8x128xi32, #tpu.memory_space<hbm>>
          %dma_wait3A_117 = tpu.memref_squeeze %dma_wait3A_116 : memref<1x8x128xi32, #tpu.memory_space<hbm>> -> memref<8x128xi32, #tpu.memory_space<hbm>>
          %dma_wait3A_118 = arith.constant 0 : i32
          %dma_wait3A_119 = tpu.memref_slice %arg7[%multiple_of3A_101, %dma_wait3A_118] : memref<24x128xi32, #tpu.memory_space<vmem>> -> memref<8x128xi32, #tpu.memory_space<vmem>>
          %dma_wait3A_120 = arith.constant 0 : i32
          %dma_wait3A_121 = tpu.memref_slice %arg3[%add3A, %multiple_of3A, %dma_wait3A_120] : memref<32x80x128xi32, #tpu.memory_space<hbm>> -> memref<1x8x128xi32, #tpu.memory_space<hbm>>
          %dma_wait3A_122 = tpu.memref_squeeze %dma_wait3A_121 : memref<1x8x128xi32, #tpu.memory_space<hbm>> -> memref<8x128xi32, #tpu.memory_space<hbm>>
          tpu.wait_dma2 semaphore(%run_scoped3A_102 : memref<!tpu.dma_semaphore, #tpu.memory_space<semaphore_mem>>) src(%dma_wait3A_122 : memref<8x128xi32, #tpu.memory_space<hbm>>) dst(%dma_wait3A_119 : memref<8x128xi32, #tpu.memory_space<vmem>>)
          tpu.yield
        }) : () -> ()
        "tpu.region"() ({
          %run_scoped3A_102 = tpu.sem_alloc : memref<!tpu.dma_semaphore, #tpu.memory_space<semaphore_mem>>
          %dma_start3A_103 = arith.constant 0 : i32
          %dma_start3A_104 = tpu.memref_slice %arg8[%multiple_of3A_101, %dma_start3A_103] : memref<24x128xi32, #tpu.memory_space<vmem>> -> memref<8x128xi32, #tpu.memory_space<vmem>>
          %dma_start3A_105 = arith.constant 0 : i32
          %dma_start3A_106 = tpu.memref_slice %arg4[%add3A, %multiple_of3A, %dma_start3A_105] : memref<32x80x128xi32, #tpu.memory_space<hbm>> -> memref<1x8x128xi32, #tpu.memory_space<hbm>>
          %dma_start3A_107 = tpu.memref_squeeze %dma_start3A_106 : memref<1x8x128xi32, #tpu.memory_space<hbm>> -> memref<8x128xi32, #tpu.memory_space<hbm>>
          %dma_start3A_108 = arith.constant 0 : i32
          %dma_start3A_109 = tpu.memref_slice %arg8[%multiple_of3A_101, %dma_start3A_108] : memref<24x128xi32, #tpu.memory_space<vmem>> -> memref<8x128xi32, #tpu.memory_space<vmem>>
          %dma_start3A_110 = arith.constant 0 : i32
          %dma_start3A_111 = tpu.memref_slice %arg4[%add3A, %multiple_of3A, %dma_start3A_110] : memref<32x80x128xi32, #tpu.memory_space<hbm>> -> memref<1x8x128xi32, #tpu.memory_space<hbm>>
          %dma_start3A_112 = tpu.memref_squeeze %dma_start3A_111 : memref<1x8x128xi32, #tpu.memory_space<hbm>> -> memref<8x128xi32, #tpu.memory_space<hbm>>
          tpu.enqueue_dma source(%dma_start3A_112 : memref<8x128xi32, #tpu.memory_space<hbm>>) target(%dma_start3A_109 : memref<8x128xi32, #tpu.memory_space<vmem>>) target_semaphore(%run_scoped3A_102 : memref<!tpu.dma_semaphore, #tpu.memory_space<semaphore_mem>>)
          %dma_wait3A_113 = arith.constant 0 : i32
          %dma_wait3A_114 = tpu.memref_slice %arg8[%multiple_of3A_101, %dma_wait3A_113] : memref<24x128xi32, #tpu.memory_space<vmem>> -> memref<8x128xi32, #tpu.memory_space<vmem>>
          %dma_wait3A_115 = arith.constant 0 : i32
          %dma_wait3A_116 = tpu.memref_slice %arg4[%add3A, %multiple_of3A, %dma_wait3A_115] : memref<32x80x128xi32, #tpu.memory_space<hbm>> -> memref<1x8x128xi32, #tpu.memory_space<hbm>>
          %dma_wait3A_117 = tpu.memref_squeeze %dma_wait3A_116 : memref<1x8x128xi32, #tpu.memory_space<hbm>> -> memref<8x128xi32, #tpu.memory_space<hbm>>
          %dma_wait3A_118 = arith.constant 0 : i32
          %dma_wait3A_119 = tpu.memref_slice %arg8[%multiple_of3A_101, %dma_wait3A_118] : memref<24x128xi32, #tpu.memory_space<vmem>> -> memref<8x128xi32, #tpu.memory_space<vmem>>
          %dma_wait3A_120 = arith.constant 0 : i32
          %dma_wait3A_121 = tpu.memref_slice %arg4[%add3A, %multiple_of3A, %dma_wait3A_120] : memref<32x80x128xi32, #tpu.memory_space<hbm>> -> memref<1x8x128xi32, #tpu.memory_space<hbm>>
          %dma_wait3A_122 = tpu.memref_squeeze %dma_wait3A_121 : memref<1x8x128xi32, #tpu.memory_space<hbm>> -> memref<8x128xi32, #tpu.memory_space<hbm>>
          tpu.wait_dma2 semaphore(%run_scoped3A_102 : memref<!tpu.dma_semaphore, #tpu.memory_space<semaphore_mem>>) src(%dma_wait3A_122 : memref<8x128xi32, #tpu.memory_space<hbm>>) dst(%dma_wait3A_119 : memref<8x128xi32, #tpu.memory_space<vmem>>)
          tpu.yield
        }) : () -> ()
      } else {
      }
      %add3A_47 = arith.constant 0 : i32
      %add3A_48 = arith.addi %mul3A_40, %add3A_47 : i32
      %rem3A_49 = arith.constant 24 : i32
      %rem3A_50 = arith.remsi %add3A_48, %rem3A_49 : i32
      %dma_wait3A = arith.constant 0 : i32
      %dma_wait3A_51 = arith.constant 0 : i32
      %dma_wait3A_52 = arith.constant 0 : i32
      %dma_wait3A_53 = tpu.memref_slice %arg9[%dma_wait3A, %dma_wait3A_51, %dma_wait3A_52] : memref<2x128x128xf32, #tpu.memory_space<vmem>> -> memref<1x128x128xf32, #tpu.memory_space<vmem>>
      %dma_wait3A_54 = tpu.memref_squeeze %dma_wait3A_53 : memref<1x128x128xf32, #tpu.memory_space<vmem>> -> memref<128x128xf32, #tpu.memory_space<vmem>>
      %dma_wait3A_55 = arith.constant 0 : i32
      %dma_wait3A_56 = tpu.memref_slice %arg7[%rem3A_50, %dma_wait3A_55] : memref<24x128xi32, #tpu.memory_space<vmem>> -> memref<1x128xi32, #tpu.memory_space<vmem>>
      %dma_wait3A_57 = tpu.memref_squeeze %dma_wait3A_56 : memref<1x128xi32, #tpu.memory_space<vmem>> -> memref<128xi32, #tpu.memory_space<vmem>>
      %dma_wait3A_58 = arith.constant 0 : i32
      %dma_wait3A_59 = arith.constant 0 : i32
      %dma_wait3A_60 = tpu.memref_slice %arg2[%dma_wait3A_58, %dma_wait3A_59] : memref<10240x128xf32, #tpu.memory_space<hbm>> -> memref<10240x128xf32, #tpu.memory_space<hbm>>
      tpu.wait_indirect_dma semaphore(%arg11 : memref<!tpu.dma_semaphore, #tpu.memory_space<semaphore_mem>>) src(%dma_wait3A_60 : memref<10240x128xf32, #tpu.memory_space<hbm>>) dst(%dma_wait3A_54 : memref<128x128xf32, #tpu.memory_space<vmem>>)
      %rem3A_61 = arith.constant 24 : i32
      %rem3A_62 = arith.remsi %add3A_48, %rem3A_61 : i32
      %run_scoped3A = arith.constant 0 : i32
      "tpu.region"() ({
        %run_scoped3A_95 = tpu.sem_alloc : memref<!tpu.dma_semaphore, #tpu.memory_space<semaphore_mem>>
        %dma_start3A_96 = arith.constant 0 : i32
        %dma_start3A_97 = arith.constant 0 : i32
        %dma_start3A_98 = tpu.memref_slice %arg9[%run_scoped3A, %dma_start3A_96, %dma_start3A_97] : memref<2x128x128xf32, #tpu.memory_space<vmem>> -> memref<1x128x128xf32, #tpu.memory_space<vmem>>
        %dma_start3A_99 = tpu.memref_squeeze %dma_start3A_98 : memref<1x128x128xf32, #tpu.memory_space<vmem>> -> memref<128x128xf32, #tpu.memory_space<vmem>>
        %dma_start3A_100 = arith.constant 0 : i32
        %dma_start3A_101 = tpu.memref_slice %arg8[%rem3A_62, %dma_start3A_100] : memref<24x128xi32, #tpu.memory_space<vmem>> -> memref<1x128xi32, #tpu.memory_space<vmem>>
        %dma_start3A_102 = tpu.memref_squeeze %dma_start3A_101 : memref<1x128xi32, #tpu.memory_space<vmem>> -> memref<128xi32, #tpu.memory_space<vmem>>
        %dma_start3A_103 = arith.constant 0 : i32
        %dma_start3A_104 = arith.constant 0 : i32
        %dma_start3A_105 = tpu.memref_slice %arg10[%dma_start3A_103, %dma_start3A_104] : memref<10240x128xf32, #tpu.memory_space<vmem_shared>> -> memref<10240x128xf32, #tpu.memory_space<vmem_shared>>
        tpu.enqueue_indirect_dma source(%dma_start3A_99 : memref<128x128xf32, #tpu.memory_space<vmem>>) target(%dma_start3A_105 : memref<10240x128xf32, #tpu.memory_space<vmem_shared>>) offsets(%dma_start3A_102 : memref<128xi32, #tpu.memory_space<vmem>>) semaphore(%run_scoped3A_95 : memref<!tpu.dma_semaphore, #tpu.memory_space<semaphore_mem>>) {add = true}
        %dma_wait3A_106 = arith.constant 0 : i32
        %dma_wait3A_107 = arith.constant 0 : i32
        %dma_wait3A_108 = tpu.memref_slice %arg9[%run_scoped3A, %dma_wait3A_106, %dma_wait3A_107] : memref<2x128x128xf32, #tpu.memory_space<vmem>> -> memref<1x128x128xf32, #tpu.memory_space<vmem>>
        %dma_wait3A_109 = tpu.memref_squeeze %dma_wait3A_108 : memref<1x128x128xf32, #tpu.memory_space<vmem>> -> memref<128x128xf32, #tpu.memory_space<vmem>>
        %dma_wait3A_110 = arith.constant 0 : i32
        %dma_wait3A_111 = tpu.memref_slice %arg8[%rem3A_62, %dma_wait3A_110] : memref<24x128xi32, #tpu.memory_space<vmem>> -> memref<1x128xi32, #tpu.memory_space<vmem>>
        %dma_wait3A_112 = tpu.memref_squeeze %dma_wait3A_111 : memref<1x128xi32, #tpu.memory_space<vmem>> -> memref<128xi32, #tpu.memory_space<vmem>>
        %dma_wait3A_113 = arith.constant 0 : i32
        %dma_wait3A_114 = arith.constant 0 : i32
        %dma_wait3A_115 = tpu.memref_slice %arg10[%dma_wait3A_113, %dma_wait3A_114] : memref<10240x128xf32, #tpu.memory_space<vmem_shared>> -> memref<10240x128xf32, #tpu.memory_space<vmem_shared>>
        tpu.wait_indirect_dma semaphore(%run_scoped3A_95 : memref<!tpu.dma_semaphore, #tpu.memory_space<semaphore_mem>>) src(%dma_wait3A_109 : memref<128x128xf32, #tpu.memory_space<vmem>>) dst(%dma_wait3A_115 : memref<10240x128xf32, #tpu.memory_space<vmem_shared>>)
        tpu.yield
      }) : () -> ()
      %add3A_63 = arith.constant 2 : i32
      %add3A_64 = arith.addi %add3A_48, %add3A_63 : i32
      %lt3A_65 = arith.constant 80 : i32
      %lt3A_66 = arith.cmpi slt, %add3A_64, %lt3A_65 : i32
      %convert_element_type3A_67 = arith.extui %lt3A_66 : i1 to i32
      %cond3A_68 = arith.constant 0 : i32
      %cond3A_69 = arith.cmpi ne, %convert_element_type3A_67, %cond3A_68 : i32
      scf.if %cond3A_69 {
        %add3A_95 = arith.constant 2 : i32
        %add3A_96 = arith.addi %add3A_48, %add3A_95 : i32
        %rem3A_97 = arith.constant 24 : i32
        %rem3A_98 = arith.remsi %add3A_96, %rem3A_97 : i32
        %dma_start3A_99 = arith.constant 0 : i32
        %dma_start3A_100 = arith.constant 0 : i32
        %dma_start3A_101 = arith.constant 0 : i32
        %dma_start3A_102 = tpu.memref_slice %arg9[%dma_start3A_99, %dma_start3A_100, %dma_start3A_101] : memref<2x128x128xf32, #tpu.memory_space<vmem>> -> memref<1x128x128xf32, #tpu.memory_space<vmem>>
        %dma_start3A_103 = tpu.memref_squeeze %dma_start3A_102 : memref<1x128x128xf32, #tpu.memory_space<vmem>> -> memref<128x128xf32, #tpu.memory_space<vmem>>
        %dma_start3A_104 = arith.constant 0 : i32
        %dma_start3A_105 = tpu.memref_slice %arg7[%rem3A_98, %dma_start3A_104] : memref<24x128xi32, #tpu.memory_space<vmem>> -> memref<1x128xi32, #tpu.memory_space<vmem>>
        %dma_start3A_106 = tpu.memref_squeeze %dma_start3A_105 : memref<1x128xi32, #tpu.memory_space<vmem>> -> memref<128xi32, #tpu.memory_space<vmem>>
        %dma_start3A_107 = arith.constant 0 : i32
        %dma_start3A_108 = arith.constant 0 : i32
        %dma_start3A_109 = tpu.memref_slice %arg2[%dma_start3A_107, %dma_start3A_108] : memref<10240x128xf32, #tpu.memory_space<hbm>> -> memref<10240x128xf32, #tpu.memory_space<hbm>>
        tpu.enqueue_indirect_dma source(%dma_start3A_109 : memref<10240x128xf32, #tpu.memory_space<hbm>>) target(%dma_start3A_103 : memref<128x128xf32, #tpu.memory_space<vmem>>) offsets(%dma_start3A_106 : memref<128xi32, #tpu.memory_space<vmem>>) semaphore(%arg11 : memref<!tpu.dma_semaphore, #tpu.memory_space<semaphore_mem>>)
      } else {
      }
      %add3A_70 = arith.constant 1 : i32
      %add3A_71 = arith.addi %mul3A_40, %add3A_70 : i32
      %rem3A_72 = arith.constant 24 : i32
      %rem3A_73 = arith.remsi %add3A_71, %rem3A_72 : i32
      %dma_wait3A_74 = arith.constant 1 : i32
      %dma_wait3A_75 = arith.constant 0 : i32
      %dma_wait3A_76 = arith.constant 0 : i32
      %dma_wait3A_77 = tpu.memref_slice %arg9[%dma_wait3A_74, %dma_wait3A_75, %dma_wait3A_76] : memref<2x128x128xf32, #tpu.memory_space<vmem>> -> memref<1x128x128xf32, #tpu.memory_space<vmem>>
      %dma_wait3A_78 = tpu.memref_squeeze %dma_wait3A_77 : memref<1x128x128xf32, #tpu.memory_space<vmem>> -> memref<128x128xf32, #tpu.memory_space<vmem>>
      %dma_wait3A_79 = arith.constant 0 : i32
      %dma_wait3A_80 = tpu.memref_slice %arg7[%rem3A_73, %dma_wait3A_79] : memref<24x128xi32, #tpu.memory_space<vmem>> -> memref<1x128xi32, #tpu.memory_space<vmem>>
      %dma_wait3A_81 = tpu.memref_squeeze %dma_wait3A_80 : memref<1x128xi32, #tpu.memory_space<vmem>> -> memref<128xi32, #tpu.memory_space<vmem>>
      %dma_wait3A_82 = arith.constant 0 : i32
      %dma_wait3A_83 = arith.constant 0 : i32
      %dma_wait3A_84 = tpu.memref_slice %arg2[%dma_wait3A_82, %dma_wait3A_83] : memref<10240x128xf32, #tpu.memory_space<hbm>> -> memref<10240x128xf32, #tpu.memory_space<hbm>>
      tpu.wait_indirect_dma semaphore(%arg12 : memref<!tpu.dma_semaphore, #tpu.memory_space<semaphore_mem>>) src(%dma_wait3A_84 : memref<10240x128xf32, #tpu.memory_space<hbm>>) dst(%dma_wait3A_78 : memref<128x128xf32, #tpu.memory_space<vmem>>)
      %rem3A_85 = arith.constant 24 : i32
      %rem3A_86 = arith.remsi %add3A_71, %rem3A_85 : i32
      %run_scoped3A_87 = arith.constant 1 : i32
      "tpu.region"() ({
        %run_scoped3A_95 = tpu.sem_alloc : memref<!tpu.dma_semaphore, #tpu.memory_space<semaphore_mem>>
        %dma_start3A_96 = arith.constant 0 : i32
        %dma_start3A_97 = arith.constant 0 : i32
        %dma_start3A_98 = tpu.memref_slice %arg9[%run_scoped3A_87, %dma_start3A_96, %dma_start3A_97] : memref<2x128x128xf32, #tpu.memory_space<vmem>> -> memref<1x128x128xf32, #tpu.memory_space<vmem>>
        %dma_start3A_99 = tpu.memref_squeeze %dma_start3A_98 : memref<1x128x128xf32, #tpu.memory_space<vmem>> -> memref<128x128xf32, #tpu.memory_space<vmem>>
        %dma_start3A_100 = arith.constant 0 : i32
        %dma_start3A_101 = tpu.memref_slice %arg8[%rem3A_86, %dma_start3A_100] : memref<24x128xi32, #tpu.memory_space<vmem>> -> memref<1x128xi32, #tpu.memory_space<vmem>>
        %dma_start3A_102 = tpu.memref_squeeze %dma_start3A_101 : memref<1x128xi32, #tpu.memory_space<vmem>> -> memref<128xi32, #tpu.memory_space<vmem>>
        %dma_start3A_103 = arith.constant 0 : i32
        %dma_start3A_104 = arith.constant 0 : i32
        %dma_start3A_105 = tpu.memref_slice %arg10[%dma_start3A_103, %dma_start3A_104] : memref<10240x128xf32, #tpu.memory_space<vmem_shared>> -> memref<10240x128xf32, #tpu.memory_space<vmem_shared>>
        tpu.enqueue_indirect_dma source(%dma_start3A_99 : memref<128x128xf32, #tpu.memory_space<vmem>>) target(%dma_start3A_105 : memref<10240x128xf32, #tpu.memory_space<vmem_shared>>) offsets(%dma_start3A_102 : memref<128xi32, #tpu.memory_space<vmem>>) semaphore(%run_scoped3A_95 : memref<!tpu.dma_semaphore, #tpu.memory_space<semaphore_mem>>) {add = true}
        %dma_wait3A_106 = arith.constant 0 : i32
        %dma_wait3A_107 = arith.constant 0 : i32
        %dma_wait3A_108 = tpu.memref_slice %arg9[%run_scoped3A_87, %dma_wait3A_106, %dma_wait3A_107] : memref<2x128x128xf32, #tpu.memory_space<vmem>> -> memref<1x128x128xf32, #tpu.memory_space<vmem>>
        %dma_wait3A_109 = tpu.memref_squeeze %dma_wait3A_108 : memref<1x128x128xf32, #tpu.memory_space<vmem>> -> memref<128x128xf32, #tpu.memory_space<vmem>>
        %dma_wait3A_110 = arith.constant 0 : i32
        %dma_wait3A_111 = tpu.memref_slice %arg8[%rem3A_86, %dma_wait3A_110] : memref<24x128xi32, #tpu.memory_space<vmem>> -> memref<1x128xi32, #tpu.memory_space<vmem>>
        %dma_wait3A_112 = tpu.memref_squeeze %dma_wait3A_111 : memref<1x128xi32, #tpu.memory_space<vmem>> -> memref<128xi32, #tpu.memory_space<vmem>>
        %dma_wait3A_113 = arith.constant 0 : i32
        %dma_wait3A_114 = arith.constant 0 : i32
        %dma_wait3A_115 = tpu.memref_slice %arg10[%dma_wait3A_113, %dma_wait3A_114] : memref<10240x128xf32, #tpu.memory_space<vmem_shared>> -> memref<10240x128xf32, #tpu.memory_space<vmem_shared>>
        tpu.wait_indirect_dma semaphore(%run_scoped3A_95 : memref<!tpu.dma_semaphore, #tpu.memory_space<semaphore_mem>>) src(%dma_wait3A_109 : memref<128x128xf32, #tpu.memory_space<vmem>>) dst(%dma_wait3A_115 : memref<10240x128xf32, #tpu.memory_space<vmem_shared>>)
        tpu.yield
      }) : () -> ()
      %add3A_88 = arith.constant 2 : i32
      %add3A_89 = arith.addi %add3A_71, %add3A_88 : i32
      %lt3A_90 = arith.constant 80 : i32
      %lt3A_91 = arith.cmpi slt, %add3A_89, %lt3A_90 : i32
      %convert_element_type3A_92 = arith.extui %lt3A_91 : i1 to i32
      %cond3A_93 = arith.constant 0 : i32
      %cond3A_94 = arith.cmpi ne, %convert_element_type3A_92, %cond3A_93 : i32
      scf.if %cond3A_94 {
        %add3A_95 = arith.constant 2 : i32
        %add3A_96 = arith.addi %add3A_71, %add3A_95 : i32
        %rem3A_97 = arith.constant 24 : i32
        %rem3A_98 = arith.remsi %add3A_96, %rem3A_97 : i32
        %dma_start3A_99 = arith.constant 1 : i32
        %dma_start3A_100 = arith.constant 0 : i32
        %dma_start3A_101 = arith.constant 0 : i32
        %dma_start3A_102 = tpu.memref_slice %arg9[%dma_start3A_99, %dma_start3A_100, %dma_start3A_101] : memref<2x128x128xf32, #tpu.memory_space<vmem>> -> memref<1x128x128xf32, #tpu.memory_space<vmem>>
        %dma_start3A_103 = tpu.memref_squeeze %dma_start3A_102 : memref<1x128x128xf32, #tpu.memory_space<vmem>> -> memref<128x128xf32, #tpu.memory_space<vmem>>
        %dma_start3A_104 = arith.constant 0 : i32
        %dma_start3A_105 = tpu.memref_slice %arg7[%rem3A_98, %dma_start3A_104] : memref<24x128xi32, #tpu.memory_space<vmem>> -> memref<1x128xi32, #tpu.memory_space<vmem>>
        %dma_start3A_106 = tpu.memref_squeeze %dma_start3A_105 : memref<1x128xi32, #tpu.memory_space<vmem>> -> memref<128xi32, #tpu.memory_space<vmem>>
        %dma_start3A_107 = arith.constant 0 : i32
        %dma_start3A_108 = arith.constant 0 : i32
        %dma_start3A_109 = tpu.memref_slice %arg2[%dma_start3A_107, %dma_start3A_108] : memref<10240x128xf32, #tpu.memory_space<hbm>> -> memref<10240x128xf32, #tpu.memory_space<hbm>>
        tpu.enqueue_indirect_dma source(%dma_start3A_109 : memref<10240x128xf32, #tpu.memory_space<hbm>>) target(%dma_start3A_103 : memref<128x128xf32, #tpu.memory_space<vmem>>) offsets(%dma_start3A_106 : memref<128xi32, #tpu.memory_space<vmem>>) semaphore(%arg12 : memref<!tpu.dma_semaphore, #tpu.memory_space<semaphore_mem>>)
      } else {
      }
    }
    %scan3A_32 = arith.constant 40 : i32
    %barrier3A_33 = arith.constant 0 : index
    tpu.barrier barrier_id(%barrier3A_33)
    %mul3A_34 = arith.constant 640 : i32
    %mul3A_35 = arith.muli %arg1, %mul3A_34 : i32
    %mul3A_36 = arith.constant 640 : i32
    %mul3A_37 = arith.muli %arg1, %mul3A_36 : i32
    "tpu.region"() ({
      %run_scoped3A = tpu.sem_alloc : memref<!tpu.dma_semaphore, #tpu.memory_space<semaphore_mem>>
      %dma_start3A_38 = arith.constant 0 : i32
      %dma_start3A_39 = tpu.memref_slice %arg6[%arg0, %mul3A_37, %dma_start3A_38] : memref<2x10240x128xf32, #tpu.memory_space<hbm>> -> memref<1x640x128xf32, #tpu.memory_space<hbm>>
      %dma_start3A_40 = tpu.memref_squeeze %dma_start3A_39 : memref<1x640x128xf32, #tpu.memory_space<hbm>> -> memref<640x128xf32, #tpu.memory_space<hbm>>
      %dma_start3A_41 = arith.constant 0 : i32
      %dma_start3A_42 = tpu.memref_slice %arg10[%mul3A_35, %dma_start3A_41] : memref<10240x128xf32, #tpu.memory_space<vmem_shared>> -> memref<640x128xf32, #tpu.memory_space<vmem_shared>>
      tpu.enqueue_dma source(%dma_start3A_42 : memref<640x128xf32, #tpu.memory_space<vmem_shared>>) target(%dma_start3A_40 : memref<640x128xf32, #tpu.memory_space<hbm>>) target_semaphore(%run_scoped3A : memref<!tpu.dma_semaphore, #tpu.memory_space<semaphore_mem>>)
      %dma_wait3A = arith.constant 0 : i32
      %dma_wait3A_43 = tpu.memref_slice %arg6[%arg0, %mul3A_37, %dma_wait3A] : memref<2x10240x128xf32, #tpu.memory_space<hbm>> -> memref<1x640x128xf32, #tpu.memory_space<hbm>>
      %dma_wait3A_44 = tpu.memref_squeeze %dma_wait3A_43 : memref<1x640x128xf32, #tpu.memory_space<hbm>> -> memref<640x128xf32, #tpu.memory_space<hbm>>
      %dma_wait3A_45 = arith.constant 0 : i32
      %dma_wait3A_46 = tpu.memref_slice %arg10[%mul3A_35, %dma_wait3A_45] : memref<10240x128xf32, #tpu.memory_space<vmem_shared>> -> memref<640x128xf32, #tpu.memory_space<vmem_shared>>
      tpu.wait_dma2 semaphore(%run_scoped3A : memref<!tpu.dma_semaphore, #tpu.memory_space<semaphore_mem>>) src(%dma_wait3A_46 : memref<640x128xf32, #tpu.memory_space<vmem_shared>>) dst(%dma_wait3A_44 : memref<640x128xf32, #tpu.memory_space<hbm>>)
      tpu.yield
    }) : () -> ()
    return
  }
}

module attributes {stable_mosaic.version = 14 : i64} {
  func.func @_gin_dense_body(%arg0: memref<10240x128xf32, #tpu.memory_space<vmem>>, %arg1: memref<2x10240x128xf32, #tpu.memory_space<vmem>>, %arg2: memref<128x128xf32, #tpu.memory_space<vmem>>, %arg3: memref<1x128xf32, #tpu.memory_space<vmem>>, %arg4: memref<1x128xf32, #tpu.memory_space<vmem>>, %arg5: memref<1x128xf32, #tpu.memory_space<vmem>>, %arg6: memref<128x128xf32, #tpu.memory_space<vmem>>, %arg7: memref<1x128xf32, #tpu.memory_space<vmem>>, %arg8: memref<10240x128xf32, #tpu.memory_space<vmem>>) attributes {dimension_semantics = [], scalar_prefetch = 0 : i64, scratch_operands = 0 : i64, tpu.core_type = #tpu.core_type<tc>} {
    %iota3A = tpu.iota {dimensions = array<i32: 0>} : vector<10240x1xi32>
    %lt3A = arith.constant 10000 : i32
    %lt3A_0 = vector.broadcast %lt3A : i32 to vector<10240x1xi32>
    %lt3A_1 = arith.cmpi slt, %iota3A, %lt3A_0 : vector<10240x1xi32>
    %convert_element_type3A = arith.extui %lt3A_1 : vector<10240x1xi1> to vector<10240x1xi32>
    %convert_element_type3A_2 = arith.sitofp %convert_element_type3A : vector<10240x1xi32> to vector<10240x1xf32>
    %get3A = arith.constant 0 : index
    %get3A_3 = arith.constant 0 : index
    %get3A_4 = vector.load %arg0[%get3A, %get3A_3] : memref<10240x128xf32, #tpu.memory_space<vmem>>, vector<10240x128xf32>
    %get3A_5 = arith.constant 0 : index
    %get3A_6 = arith.constant 0 : index
    %get3A_7 = arith.constant 0 : index
    %get3A_8 = vector.load %arg1[%get3A_5, %get3A_6, %get3A_7] : memref<2x10240x128xf32, #tpu.memory_space<vmem>>, vector<1x10240x128xf32>
    %get3A_9 = vector.shape_cast %get3A_8 : vector<1x10240x128xf32> to vector<10240x128xf32>
    %get3A_10 = arith.constant 1 : index
    %get3A_11 = arith.constant 0 : index
    %get3A_12 = arith.constant 0 : index
    %get3A_13 = vector.load %arg1[%get3A_10, %get3A_11, %get3A_12] : memref<2x10240x128xf32, #tpu.memory_space<vmem>>, vector<1x10240x128xf32>
    %get3A_14 = vector.shape_cast %get3A_13 : vector<1x10240x128xf32> to vector<10240x128xf32>
    %add3A = arith.addf %get3A_9, %get3A_14 : vector<10240x128xf32>
    %add3A_15 = arith.addf %get3A_4, %add3A : vector<10240x128xf32>
    %get3A_16 = arith.constant 0 : index
    %get3A_17 = arith.constant 0 : index
    %get3A_18 = vector.load %arg2[%get3A_16, %get3A_17] : memref<128x128xf32, #tpu.memory_space<vmem>>, vector<128x128xf32>
    %dot_general3A = arith.constant dense<0.000000e+00> : vector<10240x128xf32>
    %dot_general3A_19 = tpu.matmul %add3A_15, %get3A_18, %dot_general3A {dimension_numbers = #tpu.dot_dimension_numbers<[1], [0], [0], [1], [0, 0, 1, 1], [], []>, transpose_lhs_hint = false} : vector<10240x128xf32>, vector<128x128xf32>, vector<10240x128xf32> -> vector<10240x128xf32>
    %get3A_20 = arith.constant 0 : index
    %get3A_21 = arith.constant 0 : index
    %get3A_22 = vector.load %arg3[%get3A_20, %get3A_21] : memref<1x128xf32, #tpu.memory_space<vmem>>, vector<1x128xf32>
    %add3A_23 = vector.broadcast %get3A_22 : vector<1x128xf32> to vector<10240x128xf32>
    %add3A_24 = arith.addf %dot_general3A_19, %add3A_23 : vector<10240x128xf32>
    %mul3A = vector.broadcast %convert_element_type3A_2 : vector<10240x1xf32> to vector<10240x128xf32>
    %mul3A_25 = arith.mulf %add3A_24, %mul3A : vector<10240x128xf32>
    %reduce_sum3A = arith.constant dense<0.000000e+00> : vector<128xf32>
    %reduce_sum3A_26 = vector.multi_reduction <add>, %mul3A_25, %reduce_sum3A [0] : vector<10240x128xf32> to vector<128xf32>
    %broadcast_in_dim3A = vector.shape_cast %reduce_sum3A_26 : vector<128xf32> to vector<1x128xf32>
    %mul3A_27 = arith.constant 9.99999974E-5 : f32
    %mul3A_28 = vector.broadcast %mul3A_27 : f32 to vector<1x128xf32>
    %mul3A_29 = arith.mulf %broadcast_in_dim3A, %mul3A_28 : vector<1x128xf32>
    %sub3A = vector.broadcast %mul3A_29 : vector<1x128xf32> to vector<10240x128xf32>
    %sub3A_30 = arith.subf %add3A_24, %sub3A : vector<10240x128xf32>
    %mul3A_31 = vector.broadcast %convert_element_type3A_2 : vector<10240x1xf32> to vector<10240x128xf32>
    %mul3A_32 = arith.mulf %sub3A_30, %mul3A_31 : vector<10240x128xf32>
    %mul3A_33 = arith.mulf %mul3A_32, %mul3A_32 : vector<10240x128xf32>
    %reduce_sum3A_34 = arith.constant dense<0.000000e+00> : vector<128xf32>
    %reduce_sum3A_35 = vector.multi_reduction <add>, %mul3A_33, %reduce_sum3A_34 [0] : vector<10240x128xf32> to vector<128xf32>
    %broadcast_in_dim3A_36 = vector.shape_cast %reduce_sum3A_35 : vector<128xf32> to vector<1x128xf32>
    %mul3A_37 = arith.constant 9.99999974E-5 : f32
    %mul3A_38 = vector.broadcast %mul3A_37 : f32 to vector<1x128xf32>
    %mul3A_39 = arith.mulf %broadcast_in_dim3A_36, %mul3A_38 : vector<1x128xf32>
    %sub3A_40 = vector.broadcast %mul3A_29 : vector<1x128xf32> to vector<10240x128xf32>
    %sub3A_41 = arith.subf %add3A_24, %sub3A_40 : vector<10240x128xf32>
    %add3A_42 = arith.constant 9.99999974E-6 : f32
    %add3A_43 = vector.broadcast %add3A_42 : f32 to vector<1x128xf32>
    %add3A_44 = arith.addf %mul3A_39, %add3A_43 : vector<1x128xf32>
    %sqrt3A = math.sqrt %add3A_44 : vector<1x128xf32>
    %div3A = vector.broadcast %sqrt3A : vector<1x128xf32> to vector<10240x128xf32>
    %div3A_45 = arith.divf %sub3A_41, %div3A : vector<10240x128xf32>
    %get3A_46 = arith.constant 0 : index
    %get3A_47 = arith.constant 0 : index
    %get3A_48 = vector.load %arg4[%get3A_46, %get3A_47] : memref<1x128xf32, #tpu.memory_space<vmem>>, vector<1x128xf32>
    %mul3A_49 = vector.broadcast %get3A_48 : vector<1x128xf32> to vector<10240x128xf32>
    %mul3A_50 = arith.mulf %div3A_45, %mul3A_49 : vector<10240x128xf32>
    %get3A_51 = arith.constant 0 : index
    %get3A_52 = arith.constant 0 : index
    %get3A_53 = vector.load %arg5[%get3A_51, %get3A_52] : memref<1x128xf32, #tpu.memory_space<vmem>>, vector<1x128xf32>
    %add3A_54 = vector.broadcast %get3A_53 : vector<1x128xf32> to vector<10240x128xf32>
    %add3A_55 = arith.addf %mul3A_50, %add3A_54 : vector<10240x128xf32>
    %max3A = arith.constant 0.000000e+00 : f32
    %max3A_56 = vector.broadcast %max3A : f32 to vector<10240x128xf32>
    %max3A_57 = arith.maximumf %add3A_55, %max3A_56 : vector<10240x128xf32>
    %get3A_58 = arith.constant 0 : index
    %get3A_59 = arith.constant 0 : index
    %get3A_60 = vector.load %arg6[%get3A_58, %get3A_59] : memref<128x128xf32, #tpu.memory_space<vmem>>, vector<128x128xf32>
    %dot_general3A_61 = arith.constant dense<0.000000e+00> : vector<10240x128xf32>
    %dot_general3A_62 = tpu.matmul %max3A_57, %get3A_60, %dot_general3A_61 {dimension_numbers = #tpu.dot_dimension_numbers<[1], [0], [0], [1], [0, 0, 1, 1], [], []>, transpose_lhs_hint = false} : vector<10240x128xf32>, vector<128x128xf32>, vector<10240x128xf32> -> vector<10240x128xf32>
    %get3A_63 = arith.constant 0 : index
    %get3A_64 = arith.constant 0 : index
    %get3A_65 = vector.load %arg7[%get3A_63, %get3A_64] : memref<1x128xf32, #tpu.memory_space<vmem>>, vector<1x128xf32>
    %add3A_66 = vector.broadcast %get3A_65 : vector<1x128xf32> to vector<10240x128xf32>
    %add3A_67 = arith.addf %dot_general3A_62, %add3A_66 : vector<10240x128xf32>
    %max3A_68 = arith.constant 0.000000e+00 : f32
    %max3A_69 = vector.broadcast %max3A_68 : f32 to vector<10240x128xf32>
    %max3A_70 = arith.maximumf %add3A_67, %max3A_69 : vector<10240x128xf32>
    %mul3A_71 = vector.broadcast %convert_element_type3A_2 : vector<10240x1xf32> to vector<10240x128xf32>
    %mul3A_72 = arith.mulf %max3A_70, %mul3A_71 : vector<10240x128xf32>
    %swap3A = arith.constant 0 : index
    %swap3A_73 = arith.constant 0 : index
    %swap3A_74 = vector.load %arg8[%swap3A, %swap3A_73] : memref<10240x128xf32, #tpu.memory_space<vmem>>, vector<10240x128xf32>
    tpu.vector_store %arg8[%swap3A, %swap3A_73], %mul3A_72 {strides = array<i32>} : memref<10240x128xf32, #tpu.memory_space<vmem>>, vector<10240x128xf32>,
    return
  }
}

module attributes {stable_mosaic.version = 14 : i64} {
  func.func @_head_body(%arg0: memref<2x256x128xf32, #tpu.memory_space<vmem>>, %arg1: memref<256x480xf32, #tpu.memory_space<vmem>>, %arg2: memref<480x128xf32, #tpu.memory_space<vmem>>, %arg3: memref<1x128xf32, #tpu.memory_space<vmem>>, %arg4: memref<1x128xf32, #tpu.memory_space<vmem>>, %arg5: memref<1x128xf32, #tpu.memory_space<vmem>>, %arg6: memref<256x128xf32, #tpu.memory_space<vmem>>, %arg7: memref<1x128xf32, #tpu.memory_space<vmem>>, %arg8: memref<1x128xf32, #tpu.memory_space<vmem>>, %arg9: memref<1x128xf32, #tpu.memory_space<vmem>>, %arg10: memref<128x64xf32, #tpu.memory_space<vmem>>, %arg11: memref<1x64xf32, #tpu.memory_space<vmem>>, %arg12: memref<64x1xf32, #tpu.memory_space<vmem>>, %arg13: memref<1x1xf32, #tpu.memory_space<vmem>>, %arg14: memref<256x1xf32, #tpu.memory_space<vmem>>) attributes {dimension_semantics = [], scalar_prefetch = 0 : i64, scratch_operands = 0 : i64, tpu.core_type = #tpu.core_type<tc>} {
    %get3A = arith.constant 0 : index
    %get3A_0 = arith.constant 0 : index
    %get3A_1 = arith.constant 0 : index
    %get3A_2 = vector.load %arg0[%get3A, %get3A_0, %get3A_1] : memref<2x256x128xf32, #tpu.memory_space<vmem>>, vector<1x256x128xf32>
    %get3A_3 = vector.shape_cast %get3A_2 : vector<1x256x128xf32> to vector<256x128xf32>
    %get3A_4 = arith.constant 1 : index
    %get3A_5 = arith.constant 0 : index
    %get3A_6 = arith.constant 0 : index
    %get3A_7 = vector.load %arg0[%get3A_4, %get3A_5, %get3A_6] : memref<2x256x128xf32, #tpu.memory_space<vmem>>, vector<1x256x128xf32>
    %get3A_8 = vector.shape_cast %get3A_7 : vector<1x256x128xf32> to vector<256x128xf32>
    %add3A = arith.addf %get3A_3, %get3A_8 : vector<256x128xf32>
    %get3A_9 = arith.constant 0 : index
    %get3A_10 = arith.constant 0 : index
    %get3A_11 = vector.load %arg1[%get3A_9, %get3A_10] : memref<256x480xf32, #tpu.memory_space<vmem>>, vector<256x480xf32>
    %get3A_12 = arith.constant 0 : index
    %get3A_13 = arith.constant 0 : index
    %get3A_14 = vector.load %arg2[%get3A_12, %get3A_13] : memref<480x128xf32, #tpu.memory_space<vmem>>, vector<480x128xf32>
    %dot_general3A = arith.constant dense<0.000000e+00> : vector<256x128xf32>
    %dot_general3A_15 = tpu.matmul %get3A_11, %get3A_14, %dot_general3A {dimension_numbers = #tpu.dot_dimension_numbers<[1], [0], [0], [1], [0, 0, 1, 1], [], []>, transpose_lhs_hint = false} : vector<256x480xf32>, vector<480x128xf32>, vector<256x128xf32> -> vector<256x128xf32>
    %get3A_16 = arith.constant 0 : index
    %get3A_17 = arith.constant 0 : index
    %get3A_18 = vector.load %arg3[%get3A_16, %get3A_17] : memref<1x128xf32, #tpu.memory_space<vmem>>, vector<1x128xf32>
    %add3A_19 = vector.broadcast %get3A_18 : vector<1x128xf32> to vector<256x128xf32>
    %add3A_20 = arith.addf %dot_general3A_15, %add3A_19 : vector<256x128xf32>
    %reduce_sum3A = arith.constant dense<0.000000e+00> : vector<256xf32>
    %reduce_sum3A_21 = vector.multi_reduction <add>, %add3A_20, %reduce_sum3A [1] : vector<256x128xf32> to vector<256xf32>
    %broadcast_in_dim3A = vector.shape_cast %reduce_sum3A_21 : vector<256xf32> to vector<256x1xf32>
    %div3A = arith.constant 1.280000e+02 : f32
    %div3A_22 = vector.broadcast %div3A : f32 to vector<256x1xf32>
    %div3A_23 = arith.divf %broadcast_in_dim3A, %div3A_22 : vector<256x1xf32>
    %sub3A = vector.broadcast %div3A_23 : vector<256x1xf32> to vector<256x128xf32>
    %sub3A_24 = arith.subf %add3A_20, %sub3A : vector<256x128xf32>
    %mul3A = arith.mulf %sub3A_24, %sub3A_24 : vector<256x128xf32>
    %reduce_sum3A_25 = arith.constant dense<0.000000e+00> : vector<256xf32>
    %reduce_sum3A_26 = vector.multi_reduction <add>, %mul3A, %reduce_sum3A_25 [1] : vector<256x128xf32> to vector<256xf32>
    %broadcast_in_dim3A_27 = vector.shape_cast %reduce_sum3A_26 : vector<256xf32> to vector<256x1xf32>
    %div3A_28 = arith.constant 1.280000e+02 : f32
    %div3A_29 = vector.broadcast %div3A_28 : f32 to vector<256x1xf32>
    %div3A_30 = arith.divf %broadcast_in_dim3A_27, %div3A_29 : vector<256x1xf32>
    %sub3A_31 = vector.broadcast %div3A_23 : vector<256x1xf32> to vector<256x128xf32>
    %sub3A_32 = arith.subf %add3A_20, %sub3A_31 : vector<256x128xf32>
    %add3A_33 = arith.constant 9.99999974E-6 : f32
    %add3A_34 = vector.broadcast %add3A_33 : f32 to vector<256x1xf32>
    %add3A_35 = arith.addf %div3A_30, %add3A_34 : vector<256x1xf32>
    %sqrt3A = math.sqrt %add3A_35 : vector<256x1xf32>
    %div3A_36 = vector.broadcast %sqrt3A : vector<256x1xf32> to vector<256x128xf32>
    %div3A_37 = arith.divf %sub3A_32, %div3A_36 : vector<256x128xf32>
    %get3A_38 = arith.constant 0 : index
    %get3A_39 = arith.constant 0 : index
    %get3A_40 = vector.load %arg4[%get3A_38, %get3A_39] : memref<1x128xf32, #tpu.memory_space<vmem>>, vector<1x128xf32>
    %mul3A_41 = vector.broadcast %get3A_40 : vector<1x128xf32> to vector<256x128xf32>
    %mul3A_42 = arith.mulf %div3A_37, %mul3A_41 : vector<256x128xf32>
    %get3A_43 = arith.constant 0 : index
    %get3A_44 = arith.constant 0 : index
    %get3A_45 = vector.load %arg5[%get3A_43, %get3A_44] : memref<1x128xf32, #tpu.memory_space<vmem>>, vector<1x128xf32>
    %add3A_46 = vector.broadcast %get3A_45 : vector<1x128xf32> to vector<256x128xf32>
    %add3A_47 = arith.addf %mul3A_42, %add3A_46 : vector<256x128xf32>
    %mul3A_48 = arith.constant 5.000000e-01 : f32
    %mul3A_49 = vector.broadcast %mul3A_48 : f32 to vector<256x128xf32>
    %mul3A_50 = arith.mulf %mul3A_49, %add3A_47 : vector<256x128xf32>
    %div3A_51 = arith.constant 1.41421354 : f32
    %div3A_52 = vector.broadcast %div3A_51 : f32 to vector<256x128xf32>
    %div3A_53 = arith.divf %add3A_47, %div3A_52 : vector<256x128xf32>
    %erf3A = math.erf %div3A_53 : vector<256x128xf32>
    %add3A_54 = arith.constant 1.000000e+00 : f32
    %add3A_55 = vector.broadcast %add3A_54 : f32 to vector<256x128xf32>
    %add3A_56 = arith.addf %add3A_55, %erf3A : vector<256x128xf32>
    %mul3A_57 = arith.mulf %mul3A_50, %add3A_56 : vector<256x128xf32>
    %concatenate3A = tpu.concatenate %add3A, %mul3A_57 in 1 : vector<256x128xf32>, vector<256x128xf32> -> vector<256x256xf32>
    %get3A_58 = arith.constant 0 : index
    %get3A_59 = arith.constant 0 : index
    %get3A_60 = vector.load %arg6[%get3A_58, %get3A_59] : memref<256x128xf32, #tpu.memory_space<vmem>>, vector<256x128xf32>
    %dot_general3A_61 = arith.constant dense<0.000000e+00> : vector<256x128xf32>
    %dot_general3A_62 = tpu.matmul %concatenate3A, %get3A_60, %dot_general3A_61 {dimension_numbers = #tpu.dot_dimension_numbers<[1], [0], [0], [1], [0, 0, 1, 1], [], []>, transpose_lhs_hint = false} : vector<256x256xf32>, vector<256x128xf32>, vector<256x128xf32> -> vector<256x128xf32>
    %get3A_63 = arith.constant 0 : index
    %get3A_64 = arith.constant 0 : index
    %get3A_65 = vector.load %arg7[%get3A_63, %get3A_64] : memref<1x128xf32, #tpu.memory_space<vmem>>, vector<1x128xf32>
    %add3A_66 = vector.broadcast %get3A_65 : vector<1x128xf32> to vector<256x128xf32>
    %add3A_67 = arith.addf %dot_general3A_62, %add3A_66 : vector<256x128xf32>
    %reduce_sum3A_68 = arith.constant dense<0.000000e+00> : vector<128xf32>
    %reduce_sum3A_69 = vector.multi_reduction <add>, %add3A_67, %reduce_sum3A_68 [0] : vector<256x128xf32> to vector<128xf32>
    %broadcast_in_dim3A_70 = vector.shape_cast %reduce_sum3A_69 : vector<128xf32> to vector<1x128xf32>
    %div3A_71 = arith.constant 2.560000e+02 : f32
    %div3A_72 = vector.broadcast %div3A_71 : f32 to vector<1x128xf32>
    %div3A_73 = arith.divf %broadcast_in_dim3A_70, %div3A_72 : vector<1x128xf32>
    %sub3A_74 = vector.broadcast %div3A_73 : vector<1x128xf32> to vector<256x128xf32>
    %sub3A_75 = arith.subf %add3A_67, %sub3A_74 : vector<256x128xf32>
    %mul3A_76 = arith.mulf %sub3A_75, %sub3A_75 : vector<256x128xf32>
    %reduce_sum3A_77 = arith.constant dense<0.000000e+00> : vector<128xf32>
    %reduce_sum3A_78 = vector.multi_reduction <add>, %mul3A_76, %reduce_sum3A_77 [0] : vector<256x128xf32> to vector<128xf32>
    %broadcast_in_dim3A_79 = vector.shape_cast %reduce_sum3A_78 : vector<128xf32> to vector<1x128xf32>
    %div3A_80 = arith.constant 2.560000e+02 : f32
    %div3A_81 = vector.broadcast %div3A_80 : f32 to vector<1x128xf32>
    %div3A_82 = arith.divf %broadcast_in_dim3A_79, %div3A_81 : vector<1x128xf32>
    %sub3A_83 = vector.broadcast %div3A_73 : vector<1x128xf32> to vector<256x128xf32>
    %sub3A_84 = arith.subf %add3A_67, %sub3A_83 : vector<256x128xf32>
    %add3A_85 = arith.constant 9.99999974E-6 : f32
    %add3A_86 = vector.broadcast %add3A_85 : f32 to vector<1x128xf32>
    %add3A_87 = arith.addf %div3A_82, %add3A_86 : vector<1x128xf32>
    %sqrt3A_88 = math.sqrt %add3A_87 : vector<1x128xf32>
    %div3A_89 = vector.broadcast %sqrt3A_88 : vector<1x128xf32> to vector<256x128xf32>
    %div3A_90 = arith.divf %sub3A_84, %div3A_89 : vector<256x128xf32>
    %get3A_91 = arith.constant 0 : index
    %get3A_92 = arith.constant 0 : index
    %get3A_93 = vector.load %arg8[%get3A_91, %get3A_92] : memref<1x128xf32, #tpu.memory_space<vmem>>, vector<1x128xf32>
    %mul3A_94 = vector.broadcast %get3A_93 : vector<1x128xf32> to vector<256x128xf32>
    %mul3A_95 = arith.mulf %div3A_90, %mul3A_94 : vector<256x128xf32>
    %get3A_96 = arith.constant 0 : index
    %get3A_97 = arith.constant 0 : index
    %get3A_98 = vector.load %arg9[%get3A_96, %get3A_97] : memref<1x128xf32, #tpu.memory_space<vmem>>, vector<1x128xf32>
    %add3A_99 = vector.broadcast %get3A_98 : vector<1x128xf32> to vector<256x128xf32>
    %add3A_100 = arith.addf %mul3A_95, %add3A_99 : vector<256x128xf32>
    %max3A = arith.constant 0.000000e+00 : f32
    %max3A_101 = vector.broadcast %max3A : f32 to vector<256x128xf32>
    %max3A_102 = arith.maximumf %add3A_100, %max3A_101 : vector<256x128xf32>
    %get3A_103 = arith.constant 0 : index
    %get3A_104 = arith.constant 0 : index
    %get3A_105 = vector.load %arg10[%get3A_103, %get3A_104] : memref<128x64xf32, #tpu.memory_space<vmem>>, vector<128x64xf32>
    %dot_general3A_106 = arith.constant dense<0.000000e+00> : vector<256x64xf32>
    %dot_general3A_107 = tpu.matmul %max3A_102, %get3A_105, %dot_general3A_106 {dimension_numbers = #tpu.dot_dimension_numbers<[1], [0], [0], [1], [0, 0, 1, 1], [], []>, transpose_lhs_hint = false} : vector<256x128xf32>, vector<128x64xf32>, vector<256x64xf32> -> vector<256x64xf32>
    %get3A_108 = arith.constant 0 : index
    %get3A_109 = arith.constant 0 : index
    %get3A_110 = vector.load %arg11[%get3A_108, %get3A_109] : memref<1x64xf32, #tpu.memory_space<vmem>>, vector<1x64xf32>
    %add3A_111 = vector.broadcast %get3A_110 : vector<1x64xf32> to vector<256x64xf32>
    %add3A_112 = arith.addf %dot_general3A_107, %add3A_111 : vector<256x64xf32>
    %max3A_113 = arith.constant 0.000000e+00 : f32
    %max3A_114 = vector.broadcast %max3A_113 : f32 to vector<256x64xf32>
    %max3A_115 = arith.maximumf %add3A_112, %max3A_114 : vector<256x64xf32>
    %get3A_116 = arith.constant 0 : index
    %get3A_117 = arith.constant 0 : index
    %get3A_118 = vector.load %arg12[%get3A_116, %get3A_117] : memref<64x1xf32, #tpu.memory_space<vmem>>, vector<64x1xf32>
    %dot_general3A_119 = arith.constant dense<0.000000e+00> : vector<256x1xf32>
    %dot_general3A_120 = tpu.matmul %max3A_115, %get3A_118, %dot_general3A_119 {dimension_numbers = #tpu.dot_dimension_numbers<[1], [0], [0], [1], [0, 0, 1, 1], [], []>, transpose_lhs_hint = false} : vector<256x64xf32>, vector<64x1xf32>, vector<256x1xf32> -> vector<256x1xf32>
    %get3A_121 = arith.constant 0 : index
    %get3A_122 = arith.constant 0 : index
    %get3A_123 = vector.load %arg13[%get3A_121, %get3A_122] : memref<1x1xf32, #tpu.memory_space<vmem>>, vector<1x1xf32>
    %add3A_124 = vector.broadcast %get3A_123 : vector<1x1xf32> to vector<256x1xf32>
    %add3A_125 = arith.addf %dot_general3A_120, %add3A_124 : vector<256x1xf32>
    %swap3A = arith.constant 0 : index
    %swap3A_126 = arith.constant 0 : index
    %swap3A_127 = vector.load %arg14[%swap3A, %swap3A_126] : memref<256x1xf32, #tpu.memory_space<vmem>>, vector<256x1xf32>
    tpu.vector_store %arg14[%swap3A, %swap3A_126], %add3A_125 {strides = array<i32>} : memref<256x1xf32, #tpu.memory_space<vmem>>, vector<256x1xf32>,
    return
  }
}

</mosaic_0001>

<sc_bundles>
// kernel: kernel.10.cloned.1.call-start
scs
__scs_entry_jumppad:
0x0: {  	(pc) =	sbr.rel $0x88, $3  }
0x1: {  	(tag) =	ssettag $0x0;
	lr =	simm.s32 $0x1  }
0x2: {  	[smem:$0x3F7F] =	sst lr;
	_ =	strace $0xD0000000  }
0x3: {  	_ = 	snop  }
0x4: {  	_ = 	snop  }
0x5: {  	_ = 	snop  }
0x6: {  	_ = 	snop  }
0x7: {  	_ = 	snop  }
__scs_overlays_trampoline_lowered:
0x8: {  	[smem:$0x3F8E] =	sst s0  }
0x9: {  	[smem:$0x3F8F] =	sst s1  }
0xa: {  	[smem:$0x3F90] =	sst s2  }
0xb: {  	[smem:$0x3F91] =	sst s3  }
0xc: {  	[smem:$0x3F92] =	sst s4  }
0xd: {  	[smem:$0x3F93] =	sst s5  }
0xe: {  	[smem:$0x3F94] =	sst s6  }
0xf: {  	[smem:$0x3F95] =	sst s7  }
0x10: {  	[smem:$0x3F96] =	sst s8  }
0x11: {  	[smem:$0x3F97] =	sst s9;
	s0 =	simm.s32 @!p0 $0x0  }
0x12: {  	s1 =	sld [smem:$0x3F7D];
	s0 =	simm.s32 @p0 $0x1  }
0x13: {  	[smem:$0x3F98] =	sst s0;
	s0 =	simm.s32 @!p1 $0x0  }
0x14: {  	s2 =	sld [smem:$0x3F7C];
	s0 =	simm.s32 @p1 $0x1  }
0x15: {  	[smem:$0x3F99] =	sst s0;
	s0 =	simm.s32 @!p2 $0x0  }
0x16: {  	s3 =	sld [smem:$0x3FDB];
	s0 =	simm.s32 @p2 $0x1  }
0x17: {  	s4 =	simm.s32 $0x1BF5;
	[smem:$0x3F9B] =	sst s0  }
0x18: {  	s0 =	sld [smem:$0x3F7E];
	_ =	swait.ge [sflag:s4], $0x0  }
0x19: {  	s7 =	sld [smem:$0x3F7F]  }
0x1a: {  	s8 =	sadd.s32 $0xFFFFE003, lr  }
0x1b: {  	s9 =	sadd.s32 $0xFFFFFEF7, lr;
	s5 =	simm.s32 $0xFFFFFFFF;
	p2 =	slt.u32 s8, $0xFFFFF086  }
0x1c: {  	p1 =	slt.u32 s9, $0xF7A;
	s5 =	simm.s32 @!p2 $0x0  }
0x1d: {  	s5 =	simm.s32 @p1 $0x1;
	p0 =	seq.s32 s7, s2  }
0x1e: {  	s7 =	smul.u32 @!p0 $0xF7A, s2;
	p2 =	seq.s32 @!p0 s5, $0x0  }
0x1f: {  	s9 =	smul.u32 $0xF7A, s1;
	s8 =	simm.s32 @!p0 $0x1BF5;
	p2 =	por !p2, p0  }
0x20: {  	[sflag:s8] =	ssyncset.s32 @!p0 $0xFFFFF086;
	s6 =	sadd.s32 @!p0 s3, s7;
	s7 =	simm.s32 @!p0 $0x108  }
0x21: {  	s3 =	sadd.s32 s3, s9;
	s6 =	sadd.s32 @!p0 $0x88, s6;
	s7 =	simm.s32 @p2 $0x1082  }
0x22: {  	[simem:s7], [sflag:s8] =	dma.local @!p0 [hbm:s6], $0xF7A  }
0x23: {  	s9 =	sor.u32 $0xD0000000, s2;
	s6 =	simm.s32 $0x108;
	_ =	swait.ge @!p0 [sflag:s8], $0x0  }
0x24: {  	s3 =	sadd.s32 $0x88, s3;
	s6 =	simm.s32 @!p1 $0x1082;
	[sflag:s4] =	ssyncset.s32 $0xFFFFF086  }
0x25: {  	[simem:s6], [sflag:s4] =	dma.local [hbm:s3], $0xF7A  }
0x26: {  	[smem:$0x3F7F] =	sst s1;
	(tag) =	ssettag s2;
	_ =	strace s9  }
0x27: {  	s1 =	sld [smem:$0x3F8F]  }
0x28: {  	s2 =	sld [smem:$0x3F90]  }
0x29: {  	s4 =	sld [smem:$0x3F92]  }
0x2a: {  	p0 =	seq.s32 s5, $0x0;
	s5 =	sld [smem:$0x3F93]  }
0x2b: {  	s6 =	sld [smem:$0x3F94]  }
0x2c: {  	s7 =	sld [smem:$0x3F95]  }
0x2d: {  	s3 =	simm.s32 $0x108;
	s8 =	sld [smem:$0x3F96]  }
0x2e: {  	s3 =	simm.s32 @!p0 $0x1082;
	s9 =	sld [smem:$0x3F97]  }
0x2f: {  	lr =	sadd.s32 s0, s3;
	s0 =	sld [smem:$0x3F8E]  }
0x30: {  	s3 =	sld [smem:$0x3F91]  }
0x31: {  	[smem:$0x3F9A] =	sst s10  }
0x32: {  	s10 =	sld [smem:$0x3F98];
	_ =	sdelay $0x3  }
0x33: {  	p0 =	seq.s32 s10, $0x1;
	s10 =	sld [smem:$0x3F9A];
	_ =	sdelay $0x3  }
0x34: {  	[smem:$0x3F9A] =	sst s10  }
0x35: {  	s10 =	sld [smem:$0x3F99];
	_ =	sdelay $0x3  }
0x36: {  	p1 =	seq.s32 s10, $0x1;
	s10 =	sld [smem:$0x3F9A];
	_ =	sdelay $0x3  }
0x37: {  	[smem:$0x3F9A] =	sst s10  }
0x38: {  	s10 =	sld [smem:$0x3F9B]  }
0x39: {  	_ = 	snop;
	(pc) =	sbr.ind lr, $3  }
0x3a: {  	_ = 	snop  }
0x3b: {  	_ = 	snop  }
0x3c: {  	p2 =	seq.s32 s10, $0x1;
	s10 =	sld [smem:$0x3F9A]  }
0x3d: {  	_ =	shalt  }
0x3e: {  	_ =	shalt  }
0x3f: {  	_ =	shalt  }
0x40: {  	_ =	shalt  }
0x41: {  	_ =	shalt  }
0x42: {  	_ =	shalt  }
0x43: {  	_ =	shalt  }
0x44: {  	_ =	shalt  }
0x45: {  	_ =	shalt  }
0x46: {  	_ =	shalt  }
0x47: {  	_ =	shalt  }
0x48: {  	_ =	shalt  }
0x49: {  	_ =	shalt  }
0x4a: {  	_ =	shalt  }
0x4b: {  	_ =	shalt  }
0x4c: {  	_ =	shalt  }
0x4d: {  	_ =	shalt  }
0x4e: {  	_ =	shalt  }
0x4f: {  	_ =	shalt  }
0x50: {  	_ =	shalt  }
0x51: {  	_ =	shalt  }
0x52: {  	_ =	shalt  }
0x53: {  	_ =	shalt  }
0x54: {  	_ =	shalt  }
0x55: {  	_ =	shalt  }
0x56: {  	_ =	shalt  }
0x57: {  	_ =	shalt  }
0x58: {  	_ =	shalt  }
0x59: {  	_ =	shalt  }
0x5a: {  	_ =	shalt  }
0x5b: {  	_ =	shalt  }
0x5c: {  	_ =	shalt  }
0x5d: {  	_ =	shalt  }
0x5e: {  	_ =	shalt  }
0x5f: {  	_ =	shalt  }
0x60: {  	_ =	shalt  }
0x61: {  	_ =	shalt  }
0x62: {  	_ =	shalt  }
0x63: {  	_ =	shalt  }
0x64: {  	_ =	shalt  }
0x65: {  	_ =	shalt  }
0x66: {  	_ =	shalt  }
0x67: {  	_ =	shalt  }
0x68: {  	_ =	shalt  }
0x69: {  	_ =	shalt  }
0x6a: {  	_ =	shalt  }
0x6b: {  	_ =	shalt  }
0x6c: {  	_ =	shalt  }
0x6d: {  	_ =	shalt  }
0x6e: {  	_ =	shalt  }
0x6f: {  	_ =	shalt  }
0x70: {  	_ =	shalt  }
0x71: {  	_ =	shalt  }
0x72: {  	_ =	shalt  }
0x73: {  	_ =	shalt  }
0x74: {  	_ =	shalt  }
0x75: {  	_ =	shalt  }
0x76: {  	_ =	shalt  }
0x77: {  	_ =	shalt  }
0x78: {  	_ =	shalt  }
0x79: {  	_ =	shalt  }
0x7a: {  	_ =	shalt  }
0x7b: {  	_ =	shalt  }
0x7c: {  	_ =	shalt  }
0x7d: {  	_ =	shalt  }
0x7e: {  	_ =	shalt  }
0x7f: {  	_ =	shalt  }
0x80: {  	_ =	shalt  }
0x81: {  	_ =	shalt  }
0x82: {  	_ =	shalt  }
0x83: {  	_ =	shalt  }
0x84: {  	_ =	shalt  }
0x85: {  	_ =	shalt  }
0x86: {  	_ =	shalt  }
0x87: {  	_ =	shalt  }
.Lfunc_end0:
.L_simem_size_0:
called_computation_lowered:
.L_overlay_start_0:
0x88: {  	s2 =	sld [smem:$0x3FD9]  }
0x89: {  	s3 =	sld [smem:$0x3FFE];
	_ =	sdelay $0x1  }
0x8a: {  	s1 =	srdreg.scid  }
0x8b: {  	s0 =	sand.u32 $0x1, s1  }
0x8c: {  	s16 =	sshll.u32 s0, $0xA;
	s2 =	sadd.s32 s3, s2  }
0x8d: {  	s2 =	sadd.s32 s2, s16  }
0x8e: {  	[smem:$0x3FA6] =	sst s2  }
0x8f: {  	_ = 	snop  }
0x90: {  	(tm) =	ssettm $0x1  }
0x91: {  	s17 =	sld [smem:$0x3FFB];
	_ =	sdelay $0x3  }
0x92: {  	_ =	strace s17  }
0x93: {  	s2 =	sld [smem:$0x3FFC];
	_ =	sdelay $0x3  }
0x94: {  	_ =	strace s2  }
0x95: {  	s2 =	sld [smem:$0x3FFD];
	_ =	sdelay $0x3  }
0x96: {  	_ =	strace s2  }
0x97: {  	_ =	strace $0x8FFFFFFF  }
0x98: {  	s18 =	sld [smem:$0x3FDB];
	_ =	sdelay $0x1  }
0x99: {  	s19 =	simm.s32 $_scs_section_size  }
0x9a: {  	s4 =	simm.s32 $_size__tile_overlayer_lowered;
	s5 =	simm.s32 $_tile_overlayer_lowered  }
0x9b: {  	s22 =	simm.s32 $0x1BFF;
	s21 =	sshll.u32 s5, $0x1;
	s2 =	sadd.s32 s19, s18  }
0x9c: {  	s6 =	simm.s32 $0x0;
	s20 =	sshll.u32 s4, $0x1;
	s4 =	sadd.s32 s21, s2  }
0x9d: {  	[timem:s6], [sflag:s22] =	dma.local [hbm:s4], s20  }
0x9e: {  	_ =	swait.ge [sflag:s22], s20  }
0x9f: {  	s3 =	ssub.s32 $0x0, s20;
	[sflag:s22] =	ssyncset.done $0x0  }
0xa0: {  	[sflag:s22] =	ssyncadd.s32 s3;
	_ =	sdelay $0x1  }
0xa1: {  	s23 =	simm.s32 $0x1B8B  }
0xa2: {  	_ =	swait.ge [sflag:s23], $0x1  }
0xa3: {  	[sflag:s23] =	ssyncset.done $0x0  }
0xa4: {  	s25 =	simm.s32 $0x1B8E;
	s24 =	sld [smem:$0x3FFE];
	[sflag:s23] =	ssyncadd.s32 $0xFFFFFFFF  }
0xa5: {  	s26 =	simm.s32 $execute0_lowered;
	[smem:$0x3FD2] =	sst s25  }
0xa6: {  	s4 =	sshll.u32 s26, $0x1;
	_ =	strace $0x80000046;
	[dreg:$0x1] =	wrdreg $0xFFFFFFFF  }
0xa7: {  	s28 =	simm.s32 $_size_execute0_lowered;
	s2 =	sadd.s32 s2, s4;
	[dreg:$0x0] =	wrdreg $0x0  }
0xa8: {  	s4 =	sshll.u32 s28, $0x1;
	[dreg:$0x2] =	wrdreg s2  }
0xa9: {  	[dreg:$0x3] =	wrdreg s4  }
0xaa: {  	[dreg:$0x4] =	wrdreg $0xC0  }
0xab: {  	_ =	task [dreg:s6], $0x5FFFF  }
0xac: {  	[dreg:$0x1] =	wrdreg $0xFFFFFFFF  }
0xad: {  	[dreg:$0x0] =	wrdreg $0x60  }
0xae: {  	[dreg:$0x2] =	wrdreg s24  }
0xaf: {  	[dreg:$0x3] =	wrdreg $0x98000  }
0xb0: {  	[dreg:$0x4] =	wrdreg $0x9  }
0xb1: {  	_ =	task.clear_ibuf [dreg:s6], $0x5FFFF;
	_ =	strace $0x90000046  }
0xb2: {  	s29 =	simm.s32 $0x9;
	_ =	strace $0x80000048  }
0xb3: {  	_ =	swait.ge [sflag:s29], $0x1  }
0xb4: {  	[sflag:s29] =	ssyncadd.s32 $0xFFFFFFFF  }
0xb5: {  	_ =	strace $0x90000048  }
0xb6: {  	_ =	sfence  }
0xb7: {  	s30 =	sld [smem:$0x0];
	_ =	sdelay $0x2  }
0xb8: {  	s31 =	sshll.u32 s1, $0xD;
	s1 =	sshrl.u32 s1, $0x2  }
0xb9: {  	s3 =	sand.u32 $0x4000, s31;
	s1 =	sadd.s32 s1, s30  }
0xba: {  	s0 =	sor.u32 s3, s0;
	s1 =	sshll.u32 s1, $0x11  }
0xbb: {  	s0 =	sor.u32 s1, s0  }
0xbc: {  	s0 =	sadd.s32 $0x8F2B, s0  }
0xbd: {  	[sflag:s0] =	ssyncadd.remote.s32 $0x1  }
0xbe: {  	_ =	sfence.sel $0xFFFF  }
0xbf: {  	[dreg:$0x0] =	wrdreg $0xFFFFFFFF;
	(pc) =	sbr.abs _section_cstart, $3  }
0xc0: {  	[dreg:$0x1] =	wrdreg $0xFFFFFFFF  }
0xc1: {  	_ =	task.clear_ibuf [dreg:s6], $0x2FFFF;
	_ =	strace $0x9FFFFFFF  }
0xc2: {  	(tm) =	ssettm $0x7FFFFFFF  }
0xc3: {  	_ =	shalt  }
tec
execute0_lowered:
.L_overlay_start_1:
0x0: {  	(tag) =	ssettag $0x1  }
0x1: {  	s5 =	rddreg [dreg:$0x0]  }
0x2: {  	s2 =	rddreg [dreg:$0x1]  }
0x3: {  	s0 =	rddreg [dreg:$0x2];
	s3 =	simm.s32 $0x0;
	s1 =	stileid.u32  }
0x4: {  	s4 =	srdreg.scid;
	s16 =	simm.s32 $0x5800;
	s19 =	simm.s32 $0x1  }
0x5: {  	s20 =	simm.s32 $0x2;
	s21 =	simm.s32 $0x0;
	s6 =	smul.u32 $0x14000, s1  }
0x6: {  	[smem:$0x7FF] =	sst s3;
	s7 =	sand.u32 $0x1, s4;
	s29 =	smul.u32 $0x2800, s1  }
0x7: {  	s4 =	sadd.s32 $0x5C00, s5;
	s11 =	sadd.s32 $0x37C00, s5;
	s14 =	smul.u32 $0x50000, s1  }
0x8: {  	s10 =	sadd.s32 $0x2DC00, s5;
	s17 =	sshll.u32 s1, $0x6;
	s8 =	smul.u32 $0x140000, s7  }
0x9: {  	_ =	strace $0x80000047;
	s9 =	sshll.u32 s7, $0x4;
	s26 =	smul.u32 $0x28000, s7  }
0xa: {  	s28 =	ssub.s32 $0x2, s7;
	s17 =	sor.u32 $0x1C03, s17;
	s9 =	sor.u32 s1, s9  }
0xb: {  	s12 =	sshrl.u32 s6, $0x3;
	s7 =	sshrl.u32 s28, $0x1;
	s31 =	sshrl.u32 s14, $0x2  }
0xc: {  	s14 =	simm.s32 $0x80;
	s6 =	sadd.s32 s6, s8;
	s24 =	smul.u32 $0x2800, s9  }
0xd: {  	s25 =	sadd.s32 s12, s5;
	s15 =	ssub.s32 s28, s7;
	s30 =	sadd.s32 s29, s26  }
0xe: {  	s18 =	sadd.s32 s31, s2;
	s6 =	sshrl.u32 s6, $0x3;
	s12 =	sor.u32 $0x400, s30  }
.Ltmp0:
0xf: {  	s7 =	sadd.s32 $0x41C00, s25;
	s9 =	smax.u32 s15, $0x1;
	(pc) =	sbr.rel .LBB2_1-.Ltmp0, $4  }
0x10: {  	s15 =	simm.s32 $0x1800;
	s18 =	sshrl.u32 s18, $0x3;
	s8 =	sshrl.u32 s24, $0x3  }
0x11: {  	s13 =	sadd.s32 s6, s5;
	s12 =	sshrl.u32 s12, $0x3;
	s5 =	sadd.s32 s11, s8  }
0x12: {  	s6 =	sadd.s32 s10, s8;
	s8 =	sadd.s32 $0x69C00, s13;
	s10 =	sadd.s32 s12, s10  }
0x13: {  	s11 =	sadd.s32 s12, s11;
	s12 =	simm.s32 $0x3;
	s13 =	simm.s32 $0xC00  }
.LBB2_4:
0x14: {  	s21 =	sadd.s32 $0x1, s21  }
0x15: {  	p0 =	sne.s32 s21, s9  }
.Ltmp1:
0x16: {  	[bflag:$0x0] =	sbarrier.arrive $0xFFFF;
	(pc) =	sbr.rel @!p0 .LBB2_5-.Ltmp1, $4  }
0x17: {  	[hbm:s8], [sflag:s17] =	dma.local [spmem:s18], $0x2800  }
0x18: {  	_ =	swait.ge [sflag:s12], $0x2800  }
0x19: {  	[sflag:s12] =	ssyncset.done $0x0  }
0x1a: {  	[sflag:s12] =	ssyncadd.s32 $0xFFFFD800  }
.LBB2_1:
0x1b: {  	[tilespmem:s3], [sflag:$0x3] =	stream.linear.gather [hbm4b:s5+s3], $0x800, $0x38;
	[tilespmem:$0x1D800] =	vst v63  }
0x1c: {  	_ =	swait.ge [sflag:s12], $0x800  }
0x1d: {  	[sflag:s12] =	ssyncset.done $0x0  }
0x1e: {  	[sflag:s12] =	ssyncadd.s32 $0xFFFFF800  }
0x1f: {  	[tilespmem:s13], [sflag:$0x3] =	stream.linear.gather [hbm4b:s6+s3], $0x800, $0x38;
	[tilespmem:$0x1D800] =	vst v63  }
0x20: {  	_ =	swait.ge [sflag:s12], $0x800  }
0x21: {  	[sflag:s12] =	ssyncset.done $0x0  }
0x22: {  	[sflag:s12] =	ssyncadd.s32 $0xFFFFF800  }
0x23: {  	[tilespmem:s15], [sflag:$0x1] =	stream.indirect.gather [hbm4b:s4+s14], $0x80, s3, s14, $0xb8;
	[tilespmem:$0x1D800] =	vst v63  }
0x24: {  	_ = 	snop  }
0x25: {  	[tilespmem:s16], [sflag:$0x2] =	stream.indirect.gather [hbm4b:s4+s14], $0x80, s14, s14, $0xb8;
	[tilespmem:$0x1D800] =	vst v63  }
0x26: {  	[spmem:s18], [sflag:s17] =	dma.local [hbm:s7], $0x2800  }
0x27: {  	_ =	swait.ge [sflag:s12], $0x2800  }
0x28: {  	[sflag:s12] =	ssyncset.done $0x0  }
0x29: {  	s22 =	smov.u32 s11;
	s23 =	smov.u32 s10;
	[sflag:s12] =	ssyncadd.s32 $0xFFFFD800  }
0x2a: {  	s24 =	simm.s32 $0x0;
	s25 =	simm.s32 $0x0;
	[bflag:$0x0] =	sbarrier.arrive $0xFFFF  }
.LBB2_2:
0x2b: {  	s26 =	sand.u32 $0x3, s25;
	p0 =	sgt.u32 s25, $0x23  }
0x2c: {  	p1 =	sne.s32 @!p0 s26, $0x0  }
0x2d: {  	p0 =	por p1, p0  }
0x2e: {  	s26 =	sadd.s32 @!p0 $0x8, s24  }
0x2f: {  	s28 =	smul.u32 @!p0 $0xAB, s26;
	_ =	sdelay $0x1  }
0x30: {  	s28 =	sshrl.u32 @!p0 s28, $0xC  }
0x31: {  	s28 =	sand.u32 @!p0 $0xF, s28  }
0x32: {  	s28 =	smul.u32 @!p0 $0x18, s28;
	_ =	sdelay $0x1  }
0x33: {  	s26 =	ssub.s32 @!p0 s26, s28  }
0x34: {  	s26 =	sand.u32 @!p0 $0xFF, s26  }
0x35: {  	s29 =	simm.s32 @!p0 $0x3;
	s28 =	simm.s32 @!p0 $0x0;
	s26 =	sshll.u32 @!p0 s26, $0x7  }
0x36: {  	[tilespmem:s26], [sflag:$0x3] =	stream.linear.gather @!p0 [hbm4b:s22+s28], $0x400, $0x38;
	[tilespmem:$0x1D800] =	vst v63  }
0x37: {  	s30 =	smul.u32 $0xAB, s24;
	_ =	swait.ge @!p0 [sflag:s29], $0x400  }
0x38: {  	[sflag:s29] =	ssyncset.done @!p0 $0x0  }
0x39: {  	s30 =	sshrl.u32 s30, $0xC;
	s26 =	sadd.s32 @!p0 $0xC00, s26;
	[sflag:s29] =	ssyncadd.s32 @!p0 $0xFFFFFC00  }
0x3a: {  	[tilespmem:s26], [sflag:$0x3] =	stream.linear.gather @!p0 [hbm4b:s23+s28], $0x400, $0x38;
	[tilespmem:$0x1D800] =	vst v63  }
0x3b: {  	s26 =	sand.u32 $0xF, s30  }
0x3c: {  	_ =	swait.ge @!p0 [sflag:s29], $0x400;
	s26 =	smul.u32 $0x18, s26  }
0x3d: {  	[sflag:s29] =	ssyncset.done @!p0 $0x0  }
0x3e: {  	[sflag:s29] =	ssyncadd.s32 @!p0 $0xFFFFFC00;
	s26 =	ssub.s32 s24, s26;
	p0 =	seq.s32 s25, $0x27  }
0x3f: {  	_ =	swait.ge [sflag:s19], $0x4000;
	s26 =	sand.u32 $0xFF, s26;
	s28 =	sadd.s32 @!p0 $0x2, s24  }
0x40: {  	[sflag:s19] =	ssyncset.done $0x0;
	s26 =	sshll.u32 s26, $0x7;
	s29 =	sand.u32 @!p0 $0xFF, s28  }
0x41: {  	[sflag:s19] =	ssyncadd.s32 $0xFFFFC000;
	s26 =	sadd.s32 $0xC00, s26;
	s29 =	smul.u32 @!p0 $0xAB, s29  }
0x42: {  	[spmem:s2] =	stream.indirect.scatter.add.f32 [tilespmem:s15], [sflag:$0x3], $0x80, s26, s14, $0xb8;
	[tilespmem:$0x1D800] =	vst v63  }
0x43: {  	s26 =	sshrl.u32 @!p0 s29, $0xC;
	s29 =	sor.u32 $0x1, s24  }
0x44: {  	_ =	swait.ge [sflag:s12], $0x4000;
	s26 =	smul.u32 @!p0 $0x18, s26;
	s31 =	sand.u32 $0xFF, s29  }
0x45: {  	[sflag:s12] =	ssyncset.done $0x0;
	s30 =	smul.u32 $0xAB, s31  }
0x46: {  	[sflag:s12] =	ssyncadd.s32 $0xFFFFC000;
	s26 =	ssub.s32 @!p0 s28, s26  }
0x47: {  	s31 =	simm.s32 @!p0 $0x1800;
	s26 =	sand.u32 @!p0 $0xFF, s26;
	s28 =	sshrl.u32 s30, $0xC  }
0x48: {  	s30 =	simm.s32 @!p0 $0x80;
	s26 =	sshll.u32 @!p0 s26, $0x7;
	s28 =	smul.u32 $0x18, s28  }
0x49: {  	[tilespmem:s31], [sflag:$0x1] =	stream.indirect.gather @!p0 [hbm4b:s4+s30], $0x80, s26, s30, $0xb8;
	[tilespmem:$0x1D800] =	vst v63  }
0x4a: {  	s31 =	ssub.s32 s29, s28  }
0x4b: {  	_ =	swait.ge [sflag:s20], $0x4000;
	s26 =	sand.u32 $0xFF, s31  }
0x4c: {  	[sflag:s20] =	ssyncset.done $0x0;
	s26 =	sshll.u32 s26, $0x7  }
.Ltmp2:
0x4d: {  	[sflag:s20] =	ssyncadd.s32 $0xFFFFC000;
	s26 =	sadd.s32 $0xC00, s26;
	(pc) =	sbr.rel @p0 .LBB2_4-.Ltmp2, $4  }
0x4e: {  	[spmem:s2] =	stream.indirect.scatter.add.f32 [tilespmem:s16], [sflag:$0x3], $0x80, s26, s14, $0xb8;
	[tilespmem:$0x1D800] =	vst v63  }
0x4f: {  	_ =	swait.ge [sflag:s12], $0x4000  }
0x50: {  	[sflag:s12] =	ssyncset.done $0x0  }
0x51: {  	[sflag:s12] =	ssyncadd.s32 $0xFFFFC000  }
0x52: {  	s26 =	sadd.s32 $0x3, s24  }
0x53: {  	s28 =	sand.u32 $0xFF, s26  }
0x54: {  	s28 =	smul.u32 $0xAB, s28;
	_ =	sdelay $0x1  }
0x55: {  	s28 =	sshrl.u32 s28, $0xC  }
0x56: {  	s28 =	smul.u32 $0x18, s28  }
.Ltmp3:
0x57: {  	_ = 	snop;
	(pc) =	sbr.rel .LBB2_2-.Ltmp3, $4  }
0x58: {  	s26 =	ssub.s32 s26, s28  }
0x59: {  	s25 =	sadd.s32 $0x1, s25;
	s24 =	sadd.s32 $0x2, s24;
	s26 =	sand.u32 $0xFF, s26  }
0x5a: {  	s23 =	sadd.s32 $0x20, s23;
	s22 =	sadd.s32 $0x20, s22;
	s26 =	sshll.u32 s26, $0x7  }
0x5b: {  	[tilespmem:s16], [sflag:$0x2] =	stream.indirect.gather [hbm4b:s4+s14], $0x80, s26, s14, $0xb8;
	[tilespmem:$0x1D800] =	vst v63  }
.LBB2_5:
0x5c: {  	_ =	sfence.sel $0x180000  }
0x5d: {  	[bflag:$0x0] =	sbarrier.arrive $0xFFFF  }
0x5e: {  	p0 =	sne.s32 s1, $0x0;
	_ =	strace $0x90000047  }
0x5f: {  	s0 =	sadd.s32 @!p0 $0x100000, s0;
	[bflag:$0x2] =	sbarrier.arrive $0xFFFF  }
0x60: {  	[sflag:s0] =	ssyncadd.tile.s32 @!p0 $0x1;
	_ =	shalt  }
.Lfunc_end2:
_tile_overlayer_lowered:
.L_overlay_start_2:
0x61: {  	(tag) =	ssettag $0x2  }
0x62: {  	s0 =	rddreg [dreg:$0x0];
	s2 =	stileid.u32  }
0x63: {  	s1 =	rddreg [dreg:$0x1];
	p0 =	sne.s32 s2, $0x0  }
0x64: {  	s3 =	rddreg [dreg:$0x2];
	[bflag:$0x3] =	sbarrier.arrive $0xFFFF;
	s2 =	simm.s32 @!p0 $0x1C03  }
0x65: {  	[timem:s3], [sflag:s2] =	dma.local @!p0 [hbm:s0], s1  }
0x66: {  	s0 =	simm.s32 @!p0 $0x3  }
0x67: {  	_ =	swait.ge @!p0 [sflag:s0], s1  }
0x68: {  	s1 =	ssub.s32 @!p0 $0x0, s1;
	[sflag:s0] =	ssyncset.done @!p0 $0x0  }
0x69: {  	[sflag:s0] =	ssyncadd.s32 @!p0 s1  }
0x6a: {  	[bflag:$0x3] =	sbarrier.arrive $0xFFFF  }
0x6b: {  	_ =	shalt  }

// kernel: kernel.13.cloned.1.call-start
scs
__scs_entry_jumppad:
0x0: {  	(pc) =	sbr.rel $0x88, $3  }
0x1: {  	(tag) =	ssettag $0x0;
	lr =	simm.s32 $0x1  }
0x2: {  	[smem:$0x3F7F] =	sst lr;
	_ =	strace $0xD0000000  }
0x3: {  	_ = 	snop  }
0x4: {  	_ = 	snop  }
0x5: {  	_ = 	snop  }
0x6: {  	_ = 	snop  }
0x7: {  	_ = 	snop  }
__scs_overlays_trampoline_lowered:
0x8: {  	[smem:$0x3F8E] =	sst s0  }
0x9: {  	[smem:$0x3F8F] =	sst s1  }
0xa: {  	[smem:$0x3F90] =	sst s2  }
0xb: {  	[smem:$0x3F91] =	sst s3  }
0xc: {  	[smem:$0x3F92] =	sst s4  }
0xd: {  	[smem:$0x3F93] =	sst s5  }
0xe: {  	[smem:$0x3F94] =	sst s6  }
0xf: {  	[smem:$0x3F95] =	sst s7  }
0x10: {  	[smem:$0x3F96] =	sst s8  }
0x11: {  	[smem:$0x3F97] =	sst s9;
	s0 =	simm.s32 @!p0 $0x0  }
0x12: {  	s1 =	sld [smem:$0x3F7D];
	s0 =	simm.s32 @p0 $0x1  }
0x13: {  	[smem:$0x3F98] =	sst s0;
	s0 =	simm.s32 @!p1 $0x0  }
0x14: {  	s2 =	sld [smem:$0x3F7C];
	s0 =	simm.s32 @p1 $0x1  }
0x15: {  	[smem:$0x3F99] =	sst s0;
	s0 =	simm.s32 @!p2 $0x0  }
0x16: {  	s3 =	sld [smem:$0x3FDB];
	s0 =	simm.s32 @p2 $0x1  }
0x17: {  	s4 =	simm.s32 $0x1BF5;
	[smem:$0x3F9B] =	sst s0  }
0x18: {  	s0 =	sld [smem:$0x3F7E];
	_ =	swait.ge [sflag:s4], $0x0  }
0x19: {  	s7 =	sld [smem:$0x3F7F]  }
0x1a: {  	s8 =	sadd.s32 $0xFFFFE003, lr  }
0x1b: {  	s9 =	sadd.s32 $0xFFFFFEF7, lr;
	s5 =	simm.s32 $0xFFFFFFFF;
	p2 =	slt.u32 s8, $0xFFFFF086  }
0x1c: {  	p1 =	slt.u32 s9, $0xF7A;
	s5 =	simm.s32 @!p2 $0x0  }
0x1d: {  	s5 =	simm.s32 @p1 $0x1;
	p0 =	seq.s32 s7, s2  }
0x1e: {  	s7 =	smul.u32 @!p0 $0xF7A, s2;
	p2 =	seq.s32 @!p0 s5, $0x0  }
0x1f: {  	s9 =	smul.u32 $0xF7A, s1;
	s8 =	simm.s32 @!p0 $0x1BF5;
	p2 =	por !p2, p0  }
0x20: {  	[sflag:s8] =	ssyncset.s32 @!p0 $0xFFFFF086;
	s6 =	sadd.s32 @!p0 s3, s7;
	s7 =	simm.s32 @!p0 $0x108  }
0x21: {  	s3 =	sadd.s32 s3, s9;
	s6 =	sadd.s32 @!p0 $0x88, s6;
	s7 =	simm.s32 @p2 $0x1082  }
0x22: {  	[simem:s7], [sflag:s8] =	dma.local @!p0 [hbm:s6], $0xF7A  }
0x23: {  	s9 =	sor.u32 $0xD0000000, s2;
	s6 =	simm.s32 $0x108;
	_ =	swait.ge @!p0 [sflag:s8], $0x0  }
0x24: {  	s3 =	sadd.s32 $0x88, s3;
	s6 =	simm.s32 @!p1 $0x1082;
	[sflag:s4] =	ssyncset.s32 $0xFFFFF086  }
0x25: {  	[simem:s6], [sflag:s4] =	dma.local [hbm:s3], $0xF7A  }
0x26: {  	[smem:$0x3F7F] =	sst s1;
	(tag) =	ssettag s2;
	_ =	strace s9  }
0x27: {  	s1 =	sld [smem:$0x3F8F]  }
0x28: {  	s2 =	sld [smem:$0x3F90]  }
0x29: {  	s4 =	sld [smem:$0x3F92]  }
0x2a: {  	p0 =	seq.s32 s5, $0x0;
	s5 =	sld [smem:$0x3F93]  }
0x2b: {  	s6 =	sld [smem:$0x3F94]  }
0x2c: {  	s7 =	sld [smem:$0x3F95]  }
0x2d: {  	s3 =	simm.s32 $0x108;
	s8 =	sld [smem:$0x3F96]  }
0x2e: {  	s3 =	simm.s32 @!p0 $0x1082;
	s9 =	sld [smem:$0x3F97]  }
0x2f: {  	lr =	sadd.s32 s0, s3;
	s0 =	sld [smem:$0x3F8E]  }
0x30: {  	s3 =	sld [smem:$0x3F91]  }
0x31: {  	[smem:$0x3F9A] =	sst s10  }
0x32: {  	s10 =	sld [smem:$0x3F98];
	_ =	sdelay $0x3  }
0x33: {  	p0 =	seq.s32 s10, $0x1;
	s10 =	sld [smem:$0x3F9A];
	_ =	sdelay $0x3  }
0x34: {  	[smem:$0x3F9A] =	sst s10  }
0x35: {  	s10 =	sld [smem:$0x3F99];
	_ =	sdelay $0x3  }
0x36: {  	p1 =	seq.s32 s10, $0x1;
	s10 =	sld [smem:$0x3F9A];
	_ =	sdelay $0x3  }
0x37: {  	[smem:$0x3F9A] =	sst s10  }
0x38: {  	s10 =	sld [smem:$0x3F9B]  }
0x39: {  	_ = 	snop;
	(pc) =	sbr.ind lr, $3  }
0x3a: {  	_ = 	snop  }
0x3b: {  	_ = 	snop  }
0x3c: {  	p2 =	seq.s32 s10, $0x1;
	s10 =	sld [smem:$0x3F9A]  }
0x3d: {  	_ =	shalt  }
0x3e: {  	_ =	shalt  }
0x3f: {  	_ =	shalt  }
0x40: {  	_ =	shalt  }
0x41: {  	_ =	shalt  }
0x42: {  	_ =	shalt  }
0x43: {  	_ =	shalt  }
0x44: {  	_ =	shalt  }
0x45: {  	_ =	shalt  }
0x46: {  	_ =	shalt  }
0x47: {  	_ =	shalt  }
0x48: {  	_ =	shalt  }
0x49: {  	_ =	shalt  }
0x4a: {  	_ =	shalt  }
0x4b: {  	_ =	shalt  }
0x4c: {  	_ =	shalt  }
0x4d: {  	_ =	shalt  }
0x4e: {  	_ =	shalt  }
0x4f: {  	_ =	shalt  }
0x50: {  	_ =	shalt  }
0x51: {  	_ =	shalt  }
0x52: {  	_ =	shalt  }
0x53: {  	_ =	shalt  }
0x54: {  	_ =	shalt  }
0x55: {  	_ =	shalt  }
0x56: {  	_ =	shalt  }
0x57: {  	_ =	shalt  }
0x58: {  	_ =	shalt  }
0x59: {  	_ =	shalt  }
0x5a: {  	_ =	shalt  }
0x5b: {  	_ =	shalt  }
0x5c: {  	_ =	shalt  }
0x5d: {  	_ =	shalt  }
0x5e: {  	_ =	shalt  }
0x5f: {  	_ =	shalt  }
0x60: {  	_ =	shalt  }
0x61: {  	_ =	shalt  }
0x62: {  	_ =	shalt  }
0x63: {  	_ =	shalt  }
0x64: {  	_ =	shalt  }
0x65: {  	_ =	shalt  }
0x66: {  	_ =	shalt  }
0x67: {  	_ =	shalt  }
0x68: {  	_ =	shalt  }
0x69: {  	_ =	shalt  }
0x6a: {  	_ =	shalt  }
0x6b: {  	_ =	shalt  }
0x6c: {  	_ =	shalt  }
0x6d: {  	_ =	shalt  }
0x6e: {  	_ =	shalt  }
0x6f: {  	_ =	shalt  }
0x70: {  	_ =	shalt  }
0x71: {  	_ =	shalt  }
0x72: {  	_ =	shalt  }
0x73: {  	_ =	shalt  }
0x74: {  	_ =	shalt  }
0x75: {  	_ =	shalt  }
0x76: {  	_ =	shalt  }
0x77: {  	_ =	shalt  }
0x78: {  	_ =	shalt  }
0x79: {  	_ =	shalt  }
0x7a: {  	_ =	shalt  }
0x7b: {  	_ =	shalt  }
0x7c: {  	_ =	shalt  }
0x7d: {  	_ =	shalt  }
0x7e: {  	_ =	shalt  }
0x7f: {  	_ =	shalt  }
0x80: {  	_ =	shalt  }
0x81: {  	_ =	shalt  }
0x82: {  	_ =	shalt  }
0x83: {  	_ =	shalt  }
0x84: {  	_ =	shalt  }
0x85: {  	_ =	shalt  }
0x86: {  	_ =	shalt  }
0x87: {  	_ =	shalt  }
.Lfunc_end0:
.L_simem_size_0:
called_computation.1_lowered:
.L_overlay_start_0:
0x88: {  	s2 =	sld [smem:$0x3FD9]  }
0x89: {  	s3 =	sld [smem:$0x3FFE];
	_ =	sdelay $0x1  }
0x8a: {  	s1 =	srdreg.scid  }
0x8b: {  	s0 =	sand.u32 $0x1, s1  }
0x8c: {  	s16 =	sshll.u32 s0, $0xA;
	s2 =	sadd.s32 s3, s2  }
0x8d: {  	s2 =	sadd.s32 s2, s16  }
0x8e: {  	[smem:$0x3FA6] =	sst s2  }
0x8f: {  	_ = 	snop  }
0x90: {  	(tm) =	ssettm $0x1  }
0x91: {  	s17 =	sld [smem:$0x3FFB];
	_ =	sdelay $0x3  }
0x92: {  	_ =	strace s17  }
0x93: {  	s2 =	sld [smem:$0x3FFC];
	_ =	sdelay $0x3  }
0x94: {  	_ =	strace s2  }
0x95: {  	s2 =	sld [smem:$0x3FFD];
	_ =	sdelay $0x3  }
0x96: {  	_ =	strace s2  }
0x97: {  	_ =	strace $0x8FFFFFFF  }
0x98: {  	s18 =	sld [smem:$0x3FDB];
	_ =	sdelay $0x1  }
0x99: {  	s19 =	simm.s32 $_scs_section_size  }
0x9a: {  	s4 =	simm.s32 $_size__tile_overlayer_lowered;
	s5 =	simm.s32 $_tile_overlayer_lowered  }
0x9b: {  	s22 =	simm.s32 $0x1BFF;
	s21 =	sshll.u32 s5, $0x1;
	s2 =	sadd.s32 s19, s18  }
0x9c: {  	s6 =	simm.s32 $0x0;
	s20 =	sshll.u32 s4, $0x1;
	s4 =	sadd.s32 s21, s2  }
0x9d: {  	[timem:s6], [sflag:s22] =	dma.local [hbm:s4], s20  }
0x9e: {  	_ =	swait.ge [sflag:s22], s20  }
0x9f: {  	s3 =	ssub.s32 $0x0, s20;
	[sflag:s22] =	ssyncset.done $0x0  }
0xa0: {  	[sflag:s22] =	ssyncadd.s32 s3;
	_ =	sdelay $0x1  }
0xa1: {  	s23 =	simm.s32 $0x1B8B  }
0xa2: {  	_ =	swait.ge [sflag:s23], $0x1  }
0xa3: {  	[sflag:s23] =	ssyncset.done $0x0  }
0xa4: {  	s25 =	simm.s32 $0x1B8E;
	s24 =	sld [smem:$0x3FFE];
	[sflag:s23] =	ssyncadd.s32 $0xFFFFFFFF  }
0xa5: {  	s26 =	simm.s32 $execute0_lowered;
	[smem:$0x3FD2] =	sst s25  }
0xa6: {  	s4 =	sshll.u32 s26, $0x1;
	_ =	strace $0x80000049;
	[dreg:$0x1] =	wrdreg $0xFFFFFFFF  }
0xa7: {  	s28 =	simm.s32 $_size_execute0_lowered;
	s2 =	sadd.s32 s2, s4;
	[dreg:$0x0] =	wrdreg $0x0  }
0xa8: {  	s4 =	sshll.u32 s28, $0x1;
	[dreg:$0x2] =	wrdreg s2  }
0xa9: {  	[dreg:$0x3] =	wrdreg s4  }
0xaa: {  	[dreg:$0x4] =	wrdreg $0xC0  }
0xab: {  	_ =	task [dreg:s6], $0x5FFFF  }
0xac: {  	[dreg:$0x1] =	wrdreg $0xFFFFFFFF  }
0xad: {  	[dreg:$0x0] =	wrdreg $0x60  }
0xae: {  	[dreg:$0x2] =	wrdreg s24  }
0xaf: {  	[dreg:$0x3] =	wrdreg $0x98000  }
0xb0: {  	[dreg:$0x4] =	wrdreg $0x9  }
0xb1: {  	_ =	task.clear_ibuf [dreg:s6], $0x5FFFF;
	_ =	strace $0x90000049  }
0xb2: {  	s29 =	simm.s32 $0x9;
	_ =	strace $0x8000004B  }
0xb3: {  	_ =	swait.ge [sflag:s29], $0x1  }
0xb4: {  	[sflag:s29] =	ssyncadd.s32 $0xFFFFFFFF  }
0xb5: {  	_ =	strace $0x9000004B  }
0xb6: {  	_ =	sfence  }
0xb7: {  	s30 =	sld [smem:$0x0];
	_ =	sdelay $0x2  }
0xb8: {  	s31 =	sshll.u32 s1, $0xD;
	s1 =	sshrl.u32 s1, $0x2  }
0xb9: {  	s3 =	sand.u32 $0x4000, s31;
	s1 =	sadd.s32 s1, s30  }
0xba: {  	s0 =	sor.u32 s3, s0;
	s1 =	sshll.u32 s1, $0x11  }
0xbb: {  	s0 =	sor.u32 s1, s0  }
0xbc: {  	s0 =	sadd.s32 $0x8F2B, s0  }
0xbd: {  	[sflag:s0] =	ssyncadd.remote.s32 $0x1  }
0xbe: {  	_ =	sfence.sel $0xFFFF  }
0xbf: {  	[dreg:$0x0] =	wrdreg $0xFFFFFFFF;
	(pc) =	sbr.abs _section_cstart, $3  }
0xc0: {  	[dreg:$0x1] =	wrdreg $0xFFFFFFFF  }
0xc1: {  	_ =	task.clear_ibuf [dreg:s6], $0x2FFFF;
	_ =	strace $0x9FFFFFFF  }
0xc2: {  	(tm) =	ssettm $0x7FFFFFFF  }
0xc3: {  	_ =	shalt  }
tec
execute0_lowered:
.L_overlay_start_1:
0x0: {  	(tag) =	ssettag $0x1  }
0x1: {  	s5 =	rddreg [dreg:$0x0]  }
0x2: {  	s2 =	rddreg [dreg:$0x1]  }
0x3: {  	s0 =	rddreg [dreg:$0x2];
	s3 =	simm.s32 $0x0;
	s1 =	stileid.u32  }
0x4: {  	s4 =	srdreg.scid;
	s16 =	simm.s32 $0x5800;
	s19 =	simm.s32 $0x1  }
0x5: {  	s20 =	simm.s32 $0x2;
	s21 =	simm.s32 $0x0;
	s6 =	smul.u32 $0x14000, s1  }
0x6: {  	[smem:$0x7FF] =	sst s3;
	s7 =	sand.u32 $0x1, s4;
	s29 =	smul.u32 $0x2800, s1  }
0x7: {  	s4 =	sadd.s32 $0x5C00, s5;
	s11 =	sadd.s32 $0x37C00, s5;
	s14 =	smul.u32 $0x50000, s1  }
0x8: {  	s10 =	sadd.s32 $0x2DC00, s5;
	s17 =	sshll.u32 s1, $0x6;
	s8 =	smul.u32 $0x140000, s7  }
0x9: {  	_ =	strace $0x8000004A;
	s9 =	sshll.u32 s7, $0x4;
	s26 =	smul.u32 $0x28000, s7  }
0xa: {  	s28 =	ssub.s32 $0x2, s7;
	s17 =	sor.u32 $0x1C03, s17;
	s9 =	sor.u32 s1, s9  }
0xb: {  	s12 =	sshrl.u32 s6, $0x3;
	s7 =	sshrl.u32 s28, $0x1;
	s31 =	sshrl.u32 s14, $0x2  }
0xc: {  	s14 =	simm.s32 $0x80;
	s6 =	sadd.s32 s6, s8;
	s24 =	smul.u32 $0x2800, s9  }
0xd: {  	s25 =	sadd.s32 s12, s5;
	s15 =	ssub.s32 s28, s7;
	s30 =	sadd.s32 s29, s26  }
0xe: {  	s18 =	sadd.s32 s31, s2;
	s6 =	sshrl.u32 s6, $0x3;
	s12 =	sor.u32 $0x400, s30  }
.Ltmp0:
0xf: {  	s7 =	sadd.s32 $0x41C00, s25;
	s9 =	smax.u32 s15, $0x1;
	(pc) =	sbr.rel .LBB2_1-.Ltmp0, $4  }
0x10: {  	s15 =	simm.s32 $0x1800;
	s18 =	sshrl.u32 s18, $0x3;
	s8 =	sshrl.u32 s24, $0x3  }
0x11: {  	s13 =	sadd.s32 s6, s5;
	s12 =	sshrl.u32 s12, $0x3;
	s5 =	sadd.s32 s11, s8  }
0x12: {  	s6 =	sadd.s32 s10, s8;
	s8 =	sadd.s32 $0x69C00, s13;
	s10 =	sadd.s32 s12, s10  }
0x13: {  	s11 =	sadd.s32 s12, s11;
	s12 =	simm.s32 $0x3;
	s13 =	simm.s32 $0xC00  }
.LBB2_4:
0x14: {  	s21 =	sadd.s32 $0x1, s21  }
0x15: {  	p0 =	sne.s32 s21, s9  }
.Ltmp1:
0x16: {  	[bflag:$0x0] =	sbarrier.arrive $0xFFFF;
	(pc) =	sbr.rel @!p0 .LBB2_5-.Ltmp1, $4  }
0x17: {  	[hbm:s8], [sflag:s17] =	dma.local [spmem:s18], $0x2800  }
0x18: {  	_ =	swait.ge [sflag:s12], $0x2800  }
0x19: {  	[sflag:s12] =	ssyncset.done $0x0  }
0x1a: {  	[sflag:s12] =	ssyncadd.s32 $0xFFFFD800  }
.LBB2_1:
0x1b: {  	[tilespmem:s3], [sflag:$0x3] =	stream.linear.gather [hbm4b:s5+s3], $0x800, $0x38;
	[tilespmem:$0x1D800] =	vst v63  }
0x1c: {  	_ =	swait.ge [sflag:s12], $0x800  }
0x1d: {  	[sflag:s12] =	ssyncset.done $0x0  }
0x1e: {  	[sflag:s12] =	ssyncadd.s32 $0xFFFFF800  }
0x1f: {  	[tilespmem:s13], [sflag:$0x3] =	stream.linear.gather [hbm4b:s6+s3], $0x800, $0x38;
	[tilespmem:$0x1D800] =	vst v63  }
0x20: {  	_ =	swait.ge [sflag:s12], $0x800  }
0x21: {  	[sflag:s12] =	ssyncset.done $0x0  }
0x22: {  	[sflag:s12] =	ssyncadd.s32 $0xFFFFF800  }
0x23: {  	[tilespmem:s15], [sflag:$0x1] =	stream.indirect.gather [hbm4b:s4+s14], $0x80, s3, s14, $0xb8;
	[tilespmem:$0x1D800] =	vst v63  }
0x24: {  	_ = 	snop  }
0x25: {  	[tilespmem:s16], [sflag:$0x2] =	stream.indirect.gather [hbm4b:s4+s14], $0x80, s14, s14, $0xb8;
	[tilespmem:$0x1D800] =	vst v63  }
0x26: {  	[spmem:s18], [sflag:s17] =	dma.local [hbm:s7], $0x2800  }
0x27: {  	_ =	swait.ge [sflag:s12], $0x2800  }
0x28: {  	[sflag:s12] =	ssyncset.done $0x0  }
0x29: {  	s22 =	smov.u32 s11;
	s23 =	smov.u32 s10;
	[sflag:s12] =	ssyncadd.s32 $0xFFFFD800  }
0x2a: {  	s24 =	simm.s32 $0x0;
	s25 =	simm.s32 $0x0;
	[bflag:$0x0] =	sbarrier.arrive $0xFFFF  }
.LBB2_2:
0x2b: {  	s26 =	sand.u32 $0x3, s25;
	p0 =	sgt.u32 s25, $0x23  }
0x2c: {  	p1 =	sne.s32 @!p0 s26, $0x0  }
0x2d: {  	p0 =	por p1, p0  }
0x2e: {  	s26 =	sadd.s32 @!p0 $0x8, s24  }
0x2f: {  	s28 =	smul.u32 @!p0 $0xAB, s26;
	_ =	sdelay $0x1  }
0x30: {  	s28 =	sshrl.u32 @!p0 s28, $0xC  }
0x31: {  	s28 =	sand.u32 @!p0 $0xF, s28  }
0x32: {  	s28 =	smul.u32 @!p0 $0x18, s28;
	_ =	sdelay $0x1  }
0x33: {  	s26 =	ssub.s32 @!p0 s26, s28  }
0x34: {  	s26 =	sand.u32 @!p0 $0xFF, s26  }
0x35: {  	s29 =	simm.s32 @!p0 $0x3;
	s28 =	simm.s32 @!p0 $0x0;
	s26 =	sshll.u32 @!p0 s26, $0x7  }
0x36: {  	[tilespmem:s26], [sflag:$0x3] =	stream.linear.gather @!p0 [hbm4b:s22+s28], $0x400, $0x38;
	[tilespmem:$0x1D800] =	vst v63  }
0x37: {  	s30 =	smul.u32 $0xAB, s24;
	_ =	swait.ge @!p0 [sflag:s29], $0x400  }
0x38: {  	[sflag:s29] =	ssyncset.done @!p0 $0x0  }
0x39: {  	s30 =	sshrl.u32 s30, $0xC;
	s26 =	sadd.s32 @!p0 $0xC00, s26;
	[sflag:s29] =	ssyncadd.s32 @!p0 $0xFFFFFC00  }
0x3a: {  	[tilespmem:s26], [sflag:$0x3] =	stream.linear.gather @!p0 [hbm4b:s23+s28], $0x400, $0x38;
	[tilespmem:$0x1D800] =	vst v63  }
0x3b: {  	s26 =	sand.u32 $0xF, s30  }
0x3c: {  	_ =	swait.ge @!p0 [sflag:s29], $0x400;
	s26 =	smul.u32 $0x18, s26  }
0x3d: {  	[sflag:s29] =	ssyncset.done @!p0 $0x0  }
0x3e: {  	[sflag:s29] =	ssyncadd.s32 @!p0 $0xFFFFFC00;
	s26 =	ssub.s32 s24, s26;
	p0 =	seq.s32 s25, $0x27  }
0x3f: {  	_ =	swait.ge [sflag:s19], $0x4000;
	s26 =	sand.u32 $0xFF, s26;
	s28 =	sadd.s32 @!p0 $0x2, s24  }
0x40: {  	[sflag:s19] =	ssyncset.done $0x0;
	s26 =	sshll.u32 s26, $0x7;
	s29 =	sand.u32 @!p0 $0xFF, s28  }
0x41: {  	[sflag:s19] =	ssyncadd.s32 $0xFFFFC000;
	s26 =	sadd.s32 $0xC00, s26;
	s29 =	smul.u32 @!p0 $0xAB, s29  }
0x42: {  	[spmem:s2] =	stream.indirect.scatter.add.f32 [tilespmem:s15], [sflag:$0x3], $0x80, s26, s14, $0xb8;
	[tilespmem:$0x1D800] =	vst v63  }
0x43: {  	s26 =	sshrl.u32 @!p0 s29, $0xC;
	s29 =	sor.u32 $0x1, s24  }
0x44: {  	_ =	swait.ge [sflag:s12], $0x4000;
	s26 =	smul.u32 @!p0 $0x18, s26;
	s31 =	sand.u32 $0xFF, s29  }
0x45: {  	[sflag:s12] =	ssyncset.done $0x0;
	s30 =	smul.u32 $0xAB, s31  }
0x46: {  	[sflag:s12] =	ssyncadd.s32 $0xFFFFC000;
	s26 =	ssub.s32 @!p0 s28, s26  }
0x47: {  	s31 =	simm.s32 @!p0 $0x1800;
	s26 =	sand.u32 @!p0 $0xFF, s26;
	s28 =	sshrl.u32 s30, $0xC  }
0x48: {  	s30 =	simm.s32 @!p0 $0x80;
	s26 =	sshll.u32 @!p0 s26, $0x7;
	s28 =	smul.u32 $0x18, s28  }
0x49: {  	[tilespmem:s31], [sflag:$0x1] =	stream.indirect.gather @!p0 [hbm4b:s4+s30], $0x80, s26, s30, $0xb8;
	[tilespmem:$0x1D800] =	vst v63  }
0x4a: {  	s31 =	ssub.s32 s29, s28  }
0x4b: {  	_ =	swait.ge [sflag:s20], $0x4000;
	s26 =	sand.u32 $0xFF, s31  }
0x4c: {  	[sflag:s20] =	ssyncset.done $0x0;
	s26 =	sshll.u32 s26, $0x7  }
.Ltmp2:
0x4d: {  	[sflag:s20] =	ssyncadd.s32 $0xFFFFC000;
	s26 =	sadd.s32 $0xC00, s26;
	(pc) =	sbr.rel @p0 .LBB2_4-.Ltmp2, $4  }
0x4e: {  	[spmem:s2] =	stream.indirect.scatter.add.f32 [tilespmem:s16], [sflag:$0x3], $0x80, s26, s14, $0xb8;
	[tilespmem:$0x1D800] =	vst v63  }
0x4f: {  	_ =	swait.ge [sflag:s12], $0x4000  }
0x50: {  	[sflag:s12] =	ssyncset.done $0x0  }
0x51: {  	[sflag:s12] =	ssyncadd.s32 $0xFFFFC000  }
0x52: {  	s26 =	sadd.s32 $0x3, s24  }
0x53: {  	s28 =	sand.u32 $0xFF, s26  }
0x54: {  	s28 =	smul.u32 $0xAB, s28;
	_ =	sdelay $0x1  }
0x55: {  	s28 =	sshrl.u32 s28, $0xC  }
0x56: {  	s28 =	smul.u32 $0x18, s28  }
.Ltmp3:
0x57: {  	_ = 	snop;
	(pc) =	sbr.rel .LBB2_2-.Ltmp3, $4  }
0x58: {  	s26 =	ssub.s32 s26, s28  }
0x59: {  	s25 =	sadd.s32 $0x1, s25;
	s24 =	sadd.s32 $0x2, s24;
	s26 =	sand.u32 $0xFF, s26  }
0x5a: {  	s23 =	sadd.s32 $0x20, s23;
	s22 =	sadd.s32 $0x20, s22;
	s26 =	sshll.u32 s26, $0x7  }
0x5b: {  	[tilespmem:s16], [sflag:$0x2] =	stream.indirect.gather [hbm4b:s4+s14], $0x80, s26, s14, $0xb8;
	[tilespmem:$0x1D800] =	vst v63  }
.LBB2_5:
0x5c: {  	_ =	sfence.sel $0x180000  }
0x5d: {  	[bflag:$0x0] =	sbarrier.arrive $0xFFFF  }
0x5e: {  	p0 =	sne.s32 s1, $0x0;
	_ =	strace $0x9000004A  }
0x5f: {  	s0 =	sadd.s32 @!p0 $0x100000, s0;
	[bflag:$0x2] =	sbarrier.arrive $0xFFFF  }
0x60: {  	[sflag:s0] =	ssyncadd.tile.s32 @!p0 $0x1;
	_ =	shalt  }
.Lfunc_end2:
_tile_overlayer_lowered:
.L_overlay_start_2:
0x61: {  	(tag) =	ssettag $0x2  }
0x62: {  	s0 =	rddreg [dreg:$0x0];
	s2 =	stileid.u32  }
0x63: {  	s1 =	rddreg [dreg:$0x1];
	p0 =	sne.s32 s2, $0x0  }
0x64: {  	s3 =	rddreg [dreg:$0x2];
	[bflag:$0x3] =	sbarrier.arrive $0xFFFF;
	s2 =	simm.s32 @!p0 $0x1C03  }
0x65: {  	[timem:s3], [sflag:s2] =	dma.local @!p0 [hbm:s0], s1  }
0x66: {  	s0 =	simm.s32 @!p0 $0x3  }
0x67: {  	_ =	swait.ge @!p0 [sflag:s0], s1  }
0x68: {  	s1 =	ssub.s32 @!p0 $0x0, s1;
	[sflag:s0] =	ssyncset.done @!p0 $0x0  }
0x69: {  	[sflag:s0] =	ssyncadd.s32 @!p0 s1  }
0x6a: {  	[bflag:$0x3] =	sbarrier.arrive $0xFFFF  }
0x6b: {  	_ =	shalt  }

// kernel: kernel.16.cloned.1.call-start
scs
__scs_entry_jumppad:
0x0: {  	(pc) =	sbr.rel $0x88, $3  }
0x1: {  	(tag) =	ssettag $0x0;
	lr =	simm.s32 $0x1  }
0x2: {  	[smem:$0x3F7F] =	sst lr;
	_ =	strace $0xD0000000  }
0x3: {  	_ = 	snop  }
0x4: {  	_ = 	snop  }
0x5: {  	_ = 	snop  }
0x6: {  	_ = 	snop  }
0x7: {  	_ = 	snop  }
__scs_overlays_trampoline_lowered:
0x8: {  	[smem:$0x3F8E] =	sst s0  }
0x9: {  	[smem:$0x3F8F] =	sst s1  }
0xa: {  	[smem:$0x3F90] =	sst s2  }
0xb: {  	[smem:$0x3F91] =	sst s3  }
0xc: {  	[smem:$0x3F92] =	sst s4  }
0xd: {  	[smem:$0x3F93] =	sst s5  }
0xe: {  	[smem:$0x3F94] =	sst s6  }
0xf: {  	[smem:$0x3F95] =	sst s7  }
0x10: {  	[smem:$0x3F96] =	sst s8  }
0x11: {  	[smem:$0x3F97] =	sst s9;
	s0 =	simm.s32 @!p0 $0x0  }
0x12: {  	s1 =	sld [smem:$0x3F7D];
	s0 =	simm.s32 @p0 $0x1  }
0x13: {  	[smem:$0x3F98] =	sst s0;
	s0 =	simm.s32 @!p1 $0x0  }
0x14: {  	s2 =	sld [smem:$0x3F7C];
	s0 =	simm.s32 @p1 $0x1  }
0x15: {  	[smem:$0x3F99] =	sst s0;
	s0 =	simm.s32 @!p2 $0x0  }
0x16: {  	s3 =	sld [smem:$0x3FDB];
	s0 =	simm.s32 @p2 $0x1  }
0x17: {  	s4 =	simm.s32 $0x1BF5;
	[smem:$0x3F9B] =	sst s0  }
0x18: {  	s0 =	sld [smem:$0x3F7E];
	_ =	swait.ge [sflag:s4], $0x0  }
0x19: {  	s7 =	sld [smem:$0x3F7F]  }
0x1a: {  	s8 =	sadd.s32 $0xFFFFE003, lr  }
0x1b: {  	s9 =	sadd.s32 $0xFFFFFEF7, lr;
	s5 =	simm.s32 $0xFFFFFFFF;
	p2 =	slt.u32 s8, $0xFFFFF086  }
0x1c: {  	p1 =	slt.u32 s9, $0xF7A;
	s5 =	simm.s32 @!p2 $0x0  }
0x1d: {  	s5 =	simm.s32 @p1 $0x1;
	p0 =	seq.s32 s7, s2  }
0x1e: {  	s7 =	smul.u32 @!p0 $0xF7A, s2;
	p2 =	seq.s32 @!p0 s5, $0x0  }
0x1f: {  	s9 =	smul.u32 $0xF7A, s1;
	s8 =	simm.s32 @!p0 $0x1BF5;
	p2 =	por !p2, p0  }
0x20: {  	[sflag:s8] =	ssyncset.s32 @!p0 $0xFFFFF086;
	s6 =	sadd.s32 @!p0 s3, s7;
	s7 =	simm.s32 @!p0 $0x108  }
0x21: {  	s3 =	sadd.s32 s3, s9;
	s6 =	sadd.s32 @!p0 $0x88, s6;
	s7 =	simm.s32 @p2 $0x1082  }
0x22: {  	[simem:s7], [sflag:s8] =	dma.local @!p0 [hbm:s6], $0xF7A  }
0x23: {  	s9 =	sor.u32 $0xD0000000, s2;
	s6 =	simm.s32 $0x108;
	_ =	swait.ge @!p0 [sflag:s8], $0x0  }
0x24: {  	s3 =	sadd.s32 $0x88, s3;
	s6 =	simm.s32 @!p1 $0x1082;
	[sflag:s4] =	ssyncset.s32 $0xFFFFF086  }
0x25: {  	[simem:s6], [sflag:s4] =	dma.local [hbm:s3], $0xF7A  }
0x26: {  	[smem:$0x3F7F] =	sst s1;
	(tag) =	ssettag s2;
	_ =	strace s9  }
0x27: {  	s1 =	sld [smem:$0x3F8F]  }
0x28: {  	s2 =	sld [smem:$0x3F90]  }
0x29: {  	s4 =	sld [smem:$0x3F92]  }
0x2a: {  	p0 =	seq.s32 s5, $0x0;
	s5 =	sld [smem:$0x3F93]  }
0x2b: {  	s6 =	sld [smem:$0x3F94]  }
0x2c: {  	s7 =	sld [smem:$0x3F95]  }
0x2d: {  	s3 =	simm.s32 $0x108;
	s8 =	sld [smem:$0x3F96]  }
0x2e: {  	s3 =	simm.s32 @!p0 $0x1082;
	s9 =	sld [smem:$0x3F97]  }
0x2f: {  	lr =	sadd.s32 s0, s3;
	s0 =	sld [smem:$0x3F8E]  }
0x30: {  	s3 =	sld [smem:$0x3F91]  }
0x31: {  	[smem:$0x3F9A] =	sst s10  }
0x32: {  	s10 =	sld [smem:$0x3F98];
	_ =	sdelay $0x3  }
0x33: {  	p0 =	seq.s32 s10, $0x1;
	s10 =	sld [smem:$0x3F9A];
	_ =	sdelay $0x3  }
0x34: {  	[smem:$0x3F9A] =	sst s10  }
0x35: {  	s10 =	sld [smem:$0x3F99];
	_ =	sdelay $0x3  }
0x36: {  	p1 =	seq.s32 s10, $0x1;
	s10 =	sld [smem:$0x3F9A];
	_ =	sdelay $0x3  }
0x37: {  	[smem:$0x3F9A] =	sst s10  }
0x38: {  	s10 =	sld [smem:$0x3F9B]  }
0x39: {  	_ = 	snop;
	(pc) =	sbr.ind lr, $3  }
0x3a: {  	_ = 	snop  }
0x3b: {  	_ = 	snop  }
0x3c: {  	p2 =	seq.s32 s10, $0x1;
	s10 =	sld [smem:$0x3F9A]  }
0x3d: {  	_ =	shalt  }
0x3e: {  	_ =	shalt  }
0x3f: {  	_ =	shalt  }
0x40: {  	_ =	shalt  }
0x41: {  	_ =	shalt  }
0x42: {  	_ =	shalt  }
0x43: {  	_ =	shalt  }
0x44: {  	_ =	shalt  }
0x45: {  	_ =	shalt  }
0x46: {  	_ =	shalt  }
0x47: {  	_ =	shalt  }
0x48: {  	_ =	shalt  }
0x49: {  	_ =	shalt  }
0x4a: {  	_ =	shalt  }
0x4b: {  	_ =	shalt  }
0x4c: {  	_ =	shalt  }
0x4d: {  	_ =	shalt  }
0x4e: {  	_ =	shalt  }
0x4f: {  	_ =	shalt  }
0x50: {  	_ =	shalt  }
0x51: {  	_ =	shalt  }
0x52: {  	_ =	shalt  }
0x53: {  	_ =	shalt  }
0x54: {  	_ =	shalt  }
0x55: {  	_ =	shalt  }
0x56: {  	_ =	shalt  }
0x57: {  	_ =	shalt  }
0x58: {  	_ =	shalt  }
0x59: {  	_ =	shalt  }
0x5a: {  	_ =	shalt  }
0x5b: {  	_ =	shalt  }
0x5c: {  	_ =	shalt  }
0x5d: {  	_ =	shalt  }
0x5e: {  	_ =	shalt  }
0x5f: {  	_ =	shalt  }
0x60: {  	_ =	shalt  }
0x61: {  	_ =	shalt  }
0x62: {  	_ =	shalt  }
0x63: {  	_ =	shalt  }
0x64: {  	_ =	shalt  }
0x65: {  	_ =	shalt  }
0x66: {  	_ =	shalt  }
0x67: {  	_ =	shalt  }
0x68: {  	_ =	shalt  }
0x69: {  	_ =	shalt  }
0x6a: {  	_ =	shalt  }
0x6b: {  	_ =	shalt  }
0x6c: {  	_ =	shalt  }
0x6d: {  	_ =	shalt  }
0x6e: {  	_ =	shalt  }
0x6f: {  	_ =	shalt  }
0x70: {  	_ =	shalt  }
0x71: {  	_ =	shalt  }
0x72: {  	_ =	shalt  }
0x73: {  	_ =	shalt  }
0x74: {  	_ =	shalt  }
0x75: {  	_ =	shalt  }
0x76: {  	_ =	shalt  }
0x77: {  	_ =	shalt  }
0x78: {  	_ =	shalt  }
0x79: {  	_ =	shalt  }
0x7a: {  	_ =	shalt  }
0x7b: {  	_ =	shalt  }
0x7c: {  	_ =	shalt  }
0x7d: {  	_ =	shalt  }
0x7e: {  	_ =	shalt  }
0x7f: {  	_ =	shalt  }
0x80: {  	_ =	shalt  }
0x81: {  	_ =	shalt  }
0x82: {  	_ =	shalt  }
0x83: {  	_ =	shalt  }
0x84: {  	_ =	shalt  }
0x85: {  	_ =	shalt  }
0x86: {  	_ =	shalt  }
0x87: {  	_ =	shalt  }
.Lfunc_end0:
.L_simem_size_0:
called_computation.2_lowered:
.L_overlay_start_0:
0x88: {  	s2 =	sld [smem:$0x3FD9]  }
0x89: {  	s3 =	sld [smem:$0x3FFE];
	_ =	sdelay $0x1  }
0x8a: {  	s1 =	srdreg.scid  }
0x8b: {  	s0 =	sand.u32 $0x1, s1  }
0x8c: {  	s16 =	sshll.u32 s0, $0xA;
	s2 =	sadd.s32 s3, s2  }
0x8d: {  	s2 =	sadd.s32 s2, s16  }
0x8e: {  	[smem:$0x3FA6] =	sst s2  }
0x8f: {  	_ = 	snop  }
0x90: {  	(tm) =	ssettm $0x1  }
0x91: {  	s17 =	sld [smem:$0x3FFB];
	_ =	sdelay $0x3  }
0x92: {  	_ =	strace s17  }
0x93: {  	s2 =	sld [smem:$0x3FFC];
	_ =	sdelay $0x3  }
0x94: {  	_ =	strace s2  }
0x95: {  	s2 =	sld [smem:$0x3FFD];
	_ =	sdelay $0x3  }
0x96: {  	_ =	strace s2  }
0x97: {  	_ =	strace $0x8FFFFFFF  }
0x98: {  	s18 =	sld [smem:$0x3FDB];
	_ =	sdelay $0x1  }
0x99: {  	s19 =	simm.s32 $_scs_section_size  }
0x9a: {  	s4 =	simm.s32 $_size__tile_overlayer_lowered;
	s5 =	simm.s32 $_tile_overlayer_lowered  }
0x9b: {  	s22 =	simm.s32 $0x1BFF;
	s21 =	sshll.u32 s5, $0x1;
	s2 =	sadd.s32 s19, s18  }
0x9c: {  	s6 =	simm.s32 $0x0;
	s20 =	sshll.u32 s4, $0x1;
	s4 =	sadd.s32 s21, s2  }
0x9d: {  	[timem:s6], [sflag:s22] =	dma.local [hbm:s4], s20  }
0x9e: {  	_ =	swait.ge [sflag:s22], s20  }
0x9f: {  	s3 =	ssub.s32 $0x0, s20;
	[sflag:s22] =	ssyncset.done $0x0  }
0xa0: {  	[sflag:s22] =	ssyncadd.s32 s3;
	_ =	sdelay $0x1  }
0xa1: {  	s23 =	simm.s32 $0x1B8B  }
0xa2: {  	_ =	swait.ge [sflag:s23], $0x1  }
0xa3: {  	[sflag:s23] =	ssyncset.done $0x0  }
0xa4: {  	s25 =	simm.s32 $0x1B8E;
	s24 =	sld [smem:$0x3FFE];
	[sflag:s23] =	ssyncadd.s32 $0xFFFFFFFF  }
0xa5: {  	s26 =	simm.s32 $execute0_lowered;
	[smem:$0x3FD2] =	sst s25  }
0xa6: {  	s4 =	sshll.u32 s26, $0x1;
	_ =	strace $0x8000004C;
	[dreg:$0x1] =	wrdreg $0xFFFFFFFF  }
0xa7: {  	s28 =	simm.s32 $_size_execute0_lowered;
	s2 =	sadd.s32 s2, s4;
	[dreg:$0x0] =	wrdreg $0x0  }
0xa8: {  	s4 =	sshll.u32 s28, $0x1;
	[dreg:$0x2] =	wrdreg s2  }
0xa9: {  	[dreg:$0x3] =	wrdreg s4  }
0xaa: {  	[dreg:$0x4] =	wrdreg $0xC0  }
0xab: {  	_ =	task [dreg:s6], $0x5FFFF  }
0xac: {  	[dreg:$0x1] =	wrdreg $0xFFFFFFFF  }
0xad: {  	[dreg:$0x0] =	wrdreg $0x60  }
0xae: {  	[dreg:$0x2] =	wrdreg s24  }
0xaf: {  	[dreg:$0x3] =	wrdreg $0x98000  }
0xb0: {  	[dreg:$0x4] =	wrdreg $0x9  }
0xb1: {  	_ =	task.clear_ibuf [dreg:s6], $0x5FFFF;
	_ =	strace $0x9000004C  }
0xb2: {  	s29 =	simm.s32 $0x9;
	_ =	strace $0x8000004E  }
0xb3: {  	_ =	swait.ge [sflag:s29], $0x1  }
0xb4: {  	[sflag:s29] =	ssyncadd.s32 $0xFFFFFFFF  }
0xb5: {  	_ =	strace $0x9000004E  }
0xb6: {  	_ =	sfence  }
0xb7: {  	s30 =	sld [smem:$0x0];
	_ =	sdelay $0x2  }
0xb8: {  	s31 =	sshll.u32 s1, $0xD;
	s1 =	sshrl.u32 s1, $0x2  }
0xb9: {  	s3 =	sand.u32 $0x4000, s31;
	s1 =	sadd.s32 s1, s30  }
0xba: {  	s0 =	sor.u32 s3, s0;
	s1 =	sshll.u32 s1, $0x11  }
0xbb: {  	s0 =	sor.u32 s1, s0  }
0xbc: {  	s0 =	sadd.s32 $0x8F2B, s0  }
0xbd: {  	[sflag:s0] =	ssyncadd.remote.s32 $0x1  }
0xbe: {  	_ =	sfence.sel $0xFFFF  }
0xbf: {  	[dreg:$0x0] =	wrdreg $0xFFFFFFFF;
	(pc) =	sbr.abs _section_cstart, $3  }
0xc0: {  	[dreg:$0x1] =	wrdreg $0xFFFFFFFF  }
0xc1: {  	_ =	task.clear_ibuf [dreg:s6], $0x2FFFF;
	_ =	strace $0x9FFFFFFF  }
0xc2: {  	(tm) =	ssettm $0x7FFFFFFF  }
0xc3: {  	_ =	shalt  }
tec
execute0_lowered:
.L_overlay_start_1:
0x0: {  	(tag) =	ssettag $0x1  }
0x1: {  	s5 =	rddreg [dreg:$0x0]  }
0x2: {  	s2 =	rddreg [dreg:$0x1]  }
0x3: {  	s0 =	rddreg [dreg:$0x2];
	s3 =	simm.s32 $0x0;
	s1 =	stileid.u32  }
0x4: {  	s4 =	srdreg.scid;
	s16 =	simm.s32 $0x5800;
	s19 =	simm.s32 $0x1  }
0x5: {  	s20 =	simm.s32 $0x2;
	s21 =	simm.s32 $0x0;
	s6 =	smul.u32 $0x14000, s1  }
0x6: {  	[smem:$0x7FF] =	sst s3;
	s7 =	sand.u32 $0x1, s4;
	s29 =	smul.u32 $0x2800, s1  }
0x7: {  	s4 =	sadd.s32 $0x5C00, s5;
	s11 =	sadd.s32 $0x37C00, s5;
	s14 =	smul.u32 $0x50000, s1  }
0x8: {  	s10 =	sadd.s32 $0x2DC00, s5;
	s17 =	sshll.u32 s1, $0x6;
	s8 =	smul.u32 $0x140000, s7  }
0x9: {  	_ =	strace $0x8000004D;
	s9 =	sshll.u32 s7, $0x4;
	s26 =	smul.u32 $0x28000, s7  }
0xa: {  	s28 =	ssub.s32 $0x2, s7;
	s17 =	sor.u32 $0x1C03, s17;
	s9 =	sor.u32 s1, s9  }
0xb: {  	s12 =	sshrl.u32 s6, $0x3;
	s7 =	sshrl.u32 s28, $0x1;
	s31 =	sshrl.u32 s14, $0x2  }
0xc: {  	s14 =	simm.s32 $0x80;
	s6 =	sadd.s32 s6, s8;
	s24 =	smul.u32 $0x2800, s9  }
0xd: {  	s25 =	sadd.s32 s12, s5;
	s15 =	ssub.s32 s28, s7;
	s30 =	sadd.s32 s29, s26  }
0xe: {  	s18 =	sadd.s32 s31, s2;
	s6 =	sshrl.u32 s6, $0x3;
	s12 =	sor.u32 $0x400, s30  }
.Ltmp0:
0xf: {  	s7 =	sadd.s32 $0x41C00, s25;
	s9 =	smax.u32 s15, $0x1;
	(pc) =	sbr.rel .LBB2_1-.Ltmp0, $4  }
0x10: {  	s15 =	simm.s32 $0x1800;
	s18 =	sshrl.u32 s18, $0x3;
	s8 =	sshrl.u32 s24, $0x3  }
0x11: {  	s13 =	sadd.s32 s6, s5;
	s12 =	sshrl.u32 s12, $0x3;
	s5 =	sadd.s32 s11, s8  }
0x12: {  	s6 =	sadd.s32 s10, s8;
	s8 =	sadd.s32 $0x69C00, s13;
	s10 =	sadd.s32 s12, s10  }
0x13: {  	s11 =	sadd.s32 s12, s11;
	s12 =	simm.s32 $0x3;
	s13 =	simm.s32 $0xC00  }
.LBB2_4:
0x14: {  	s21 =	sadd.s32 $0x1, s21  }
0x15: {  	p0 =	sne.s32 s21, s9  }
.Ltmp1:
0x16: {  	[bflag:$0x0] =	sbarrier.arrive $0xFFFF;
	(pc) =	sbr.rel @!p0 .LBB2_5-.Ltmp1, $4  }
0x17: {  	[hbm:s8], [sflag:s17] =	dma.local [spmem:s18], $0x2800  }
0x18: {  	_ =	swait.ge [sflag:s12], $0x2800  }
0x19: {  	[sflag:s12] =	ssyncset.done $0x0  }
0x1a: {  	[sflag:s12] =	ssyncadd.s32 $0xFFFFD800  }
.LBB2_1:
0x1b: {  	[tilespmem:s3], [sflag:$0x3] =	stream.linear.gather [hbm4b:s5+s3], $0x800, $0x38;
	[tilespmem:$0x1D800] =	vst v63  }
0x1c: {  	_ =	swait.ge [sflag:s12], $0x800  }
0x1d: {  	[sflag:s12] =	ssyncset.done $0x0  }
0x1e: {  	[sflag:s12] =	ssyncadd.s32 $0xFFFFF800  }
0x1f: {  	[tilespmem:s13], [sflag:$0x3] =	stream.linear.gather [hbm4b:s6+s3], $0x800, $0x38;
	[tilespmem:$0x1D800] =	vst v63  }
0x20: {  	_ =	swait.ge [sflag:s12], $0x800  }
0x21: {  	[sflag:s12] =	ssyncset.done $0x0  }
0x22: {  	[sflag:s12] =	ssyncadd.s32 $0xFFFFF800  }
0x23: {  	[tilespmem:s15], [sflag:$0x1] =	stream.indirect.gather [hbm4b:s4+s14], $0x80, s3, s14, $0xb8;
	[tilespmem:$0x1D800] =	vst v63  }
0x24: {  	_ = 	snop  }
0x25: {  	[tilespmem:s16], [sflag:$0x2] =	stream.indirect.gather [hbm4b:s4+s14], $0x80, s14, s14, $0xb8;
	[tilespmem:$0x1D800] =	vst v63  }
0x26: {  	[spmem:s18], [sflag:s17] =	dma.local [hbm:s7], $0x2800  }
0x27: {  	_ =	swait.ge [sflag:s12], $0x2800  }
0x28: {  	[sflag:s12] =	ssyncset.done $0x0  }
0x29: {  	s22 =	smov.u32 s11;
	s23 =	smov.u32 s10;
	[sflag:s12] =	ssyncadd.s32 $0xFFFFD800  }
0x2a: {  	s24 =	simm.s32 $0x0;
	s25 =	simm.s32 $0x0;
	[bflag:$0x0] =	sbarrier.arrive $0xFFFF  }
.LBB2_2:
0x2b: {  	s26 =	sand.u32 $0x3, s25;
	p0 =	sgt.u32 s25, $0x23  }
0x2c: {  	p1 =	sne.s32 @!p0 s26, $0x0  }
0x2d: {  	p0 =	por p1, p0  }
0x2e: {  	s26 =	sadd.s32 @!p0 $0x8, s24  }
0x2f: {  	s28 =	smul.u32 @!p0 $0xAB, s26;
	_ =	sdelay $0x1  }
0x30: {  	s28 =	sshrl.u32 @!p0 s28, $0xC  }
0x31: {  	s28 =	sand.u32 @!p0 $0xF, s28  }
0x32: {  	s28 =	smul.u32 @!p0 $0x18, s28;
	_ =	sdelay $0x1  }
0x33: {  	s26 =	ssub.s32 @!p0 s26, s28  }
0x34: {  	s26 =	sand.u32 @!p0 $0xFF, s26  }
0x35: {  	s29 =	simm.s32 @!p0 $0x3;
	s28 =	simm.s32 @!p0 $0x0;
	s26 =	sshll.u32 @!p0 s26, $0x7  }
0x36: {  	[tilespmem:s26], [sflag:$0x3] =	stream.linear.gather @!p0 [hbm4b:s22+s28], $0x400, $0x38;
	[tilespmem:$0x1D800] =	vst v63  }
0x37: {  	s30 =	smul.u32 $0xAB, s24;
	_ =	swait.ge @!p0 [sflag:s29], $0x400  }
0x38: {  	[sflag:s29] =	ssyncset.done @!p0 $0x0  }
0x39: {  	s30 =	sshrl.u32 s30, $0xC;
	s26 =	sadd.s32 @!p0 $0xC00, s26;
	[sflag:s29] =	ssyncadd.s32 @!p0 $0xFFFFFC00  }
0x3a: {  	[tilespmem:s26], [sflag:$0x3] =	stream.linear.gather @!p0 [hbm4b:s23+s28], $0x400, $0x38;
	[tilespmem:$0x1D800] =	vst v63  }
0x3b: {  	s26 =	sand.u32 $0xF, s30  }
0x3c: {  	_ =	swait.ge @!p0 [sflag:s29], $0x400;
	s26 =	smul.u32 $0x18, s26  }
0x3d: {  	[sflag:s29] =	ssyncset.done @!p0 $0x0  }
0x3e: {  	[sflag:s29] =	ssyncadd.s32 @!p0 $0xFFFFFC00;
	s26 =	ssub.s32 s24, s26;
	p0 =	seq.s32 s25, $0x27  }
0x3f: {  	_ =	swait.ge [sflag:s19], $0x4000;
	s26 =	sand.u32 $0xFF, s26;
	s28 =	sadd.s32 @!p0 $0x2, s24  }
0x40: {  	[sflag:s19] =	ssyncset.done $0x0;
	s26 =	sshll.u32 s26, $0x7;
	s29 =	sand.u32 @!p0 $0xFF, s28  }
0x41: {  	[sflag:s19] =	ssyncadd.s32 $0xFFFFC000;
	s26 =	sadd.s32 $0xC00, s26;
	s29 =	smul.u32 @!p0 $0xAB, s29  }
0x42: {  	[spmem:s2] =	stream.indirect.scatter.add.f32 [tilespmem:s15], [sflag:$0x3], $0x80, s26, s14, $0xb8;
	[tilespmem:$0x1D800] =	vst v63  }
0x43: {  	s26 =	sshrl.u32 @!p0 s29, $0xC;
	s29 =	sor.u32 $0x1, s24  }
0x44: {  	_ =	swait.ge [sflag:s12], $0x4000;
	s26 =	smul.u32 @!p0 $0x18, s26;
	s31 =	sand.u32 $0xFF, s29  }
0x45: {  	[sflag:s12] =	ssyncset.done $0x0;
	s30 =	smul.u32 $0xAB, s31  }
0x46: {  	[sflag:s12] =	ssyncadd.s32 $0xFFFFC000;
	s26 =	ssub.s32 @!p0 s28, s26  }
0x47: {  	s31 =	simm.s32 @!p0 $0x1800;
	s26 =	sand.u32 @!p0 $0xFF, s26;
	s28 =	sshrl.u32 s30, $0xC  }
0x48: {  	s30 =	simm.s32 @!p0 $0x80;
	s26 =	sshll.u32 @!p0 s26, $0x7;
	s28 =	smul.u32 $0x18, s28  }
0x49: {  	[tilespmem:s31], [sflag:$0x1] =	stream.indirect.gather @!p0 [hbm4b:s4+s30], $0x80, s26, s30, $0xb8;
	[tilespmem:$0x1D800] =	vst v63  }
0x4a: {  	s31 =	ssub.s32 s29, s28  }
0x4b: {  	_ =	swait.ge [sflag:s20], $0x4000;
	s26 =	sand.u32 $0xFF, s31  }
0x4c: {  	[sflag:s20] =	ssyncset.done $0x0;
	s26 =	sshll.u32 s26, $0x7  }
.Ltmp2:
0x4d: {  	[sflag:s20] =	ssyncadd.s32 $0xFFFFC000;
	s26 =	sadd.s32 $0xC00, s26;
	(pc) =	sbr.rel @p0 .LBB2_4-.Ltmp2, $4  }
0x4e: {  	[spmem:s2] =	stream.indirect.scatter.add.f32 [tilespmem:s16], [sflag:$0x3], $0x80, s26, s14, $0xb8;
	[tilespmem:$0x1D800] =	vst v63  }
0x4f: {  	_ =	swait.ge [sflag:s12], $0x4000  }
0x50: {  	[sflag:s12] =	ssyncset.done $0x0  }
0x51: {  	[sflag:s12] =	ssyncadd.s32 $0xFFFFC000  }
0x52: {  	s26 =	sadd.s32 $0x3, s24  }
0x53: {  	s28 =	sand.u32 $0xFF, s26  }
0x54: {  	s28 =	smul.u32 $0xAB, s28;
	_ =	sdelay $0x1  }
0x55: {  	s28 =	sshrl.u32 s28, $0xC  }
0x56: {  	s28 =	smul.u32 $0x18, s28  }
.Ltmp3:
0x57: {  	_ = 	snop;
	(pc) =	sbr.rel .LBB2_2-.Ltmp3, $4  }
0x58: {  	s26 =	ssub.s32 s26, s28  }
0x59: {  	s25 =	sadd.s32 $0x1, s25;
	s24 =	sadd.s32 $0x2, s24;
	s26 =	sand.u32 $0xFF, s26  }
0x5a: {  	s23 =	sadd.s32 $0x20, s23;
	s22 =	sadd.s32 $0x20, s22;
	s26 =	sshll.u32 s26, $0x7  }
0x5b: {  	[tilespmem:s16], [sflag:$0x2] =	stream.indirect.gather [hbm4b:s4+s14], $0x80, s26, s14, $0xb8;
	[tilespmem:$0x1D800] =	vst v63  }
.LBB2_5:
0x5c: {  	_ =	sfence.sel $0x180000  }
0x5d: {  	[bflag:$0x0] =	sbarrier.arrive $0xFFFF  }
0x5e: {  	p0 =	sne.s32 s1, $0x0;
	_ =	strace $0x9000004D  }
0x5f: {  	s0 =	sadd.s32 @!p0 $0x100000, s0;
	[bflag:$0x2] =	sbarrier.arrive $0xFFFF  }
0x60: {  	[sflag:s0] =	ssyncadd.tile.s32 @!p0 $0x1;
	_ =	shalt  }
.Lfunc_end2:
_tile_overlayer_lowered:
.L_overlay_start_2:
0x61: {  	(tag) =	ssettag $0x2  }
0x62: {  	s0 =	rddreg [dreg:$0x0];
	s2 =	stileid.u32  }
0x63: {  	s1 =	rddreg [dreg:$0x1];
	p0 =	sne.s32 s2, $0x0  }
0x64: {  	s3 =	rddreg [dreg:$0x2];
	[bflag:$0x3] =	sbarrier.arrive $0xFFFF;
	s2 =	simm.s32 @!p0 $0x1C03  }
0x65: {  	[timem:s3], [sflag:s2] =	dma.local @!p0 [hbm:s0], s1  }
0x66: {  	s0 =	simm.s32 @!p0 $0x3  }
0x67: {  	_ =	swait.ge @!p0 [sflag:s0], s1  }
0x68: {  	s1 =	ssub.s32 @!p0 $0x0, s1;
	[sflag:s0] =	ssyncset.done @!p0 $0x0  }
0x69: {  	[sflag:s0] =	ssyncadd.s32 @!p0 s1  }
0x6a: {  	[bflag:$0x3] =	sbarrier.arrive $0xFFFF  }
0x6b: {  	_ =	shalt  }

// kernel: kernel.19.cloned.1.call-start
scs
__scs_entry_jumppad:
0x0: {  	(pc) =	sbr.rel $0x88, $3  }
0x1: {  	(tag) =	ssettag $0x0;
	lr =	simm.s32 $0x1  }
0x2: {  	[smem:$0x3F7F] =	sst lr;
	_ =	strace $0xD0000000  }
0x3: {  	_ = 	snop  }
0x4: {  	_ = 	snop  }
0x5: {  	_ = 	snop  }
0x6: {  	_ = 	snop  }
0x7: {  	_ = 	snop  }
__scs_overlays_trampoline_lowered:
0x8: {  	[smem:$0x3F8E] =	sst s0  }
0x9: {  	[smem:$0x3F8F] =	sst s1  }
0xa: {  	[smem:$0x3F90] =	sst s2  }
0xb: {  	[smem:$0x3F91] =	sst s3  }
0xc: {  	[smem:$0x3F92] =	sst s4  }
0xd: {  	[smem:$0x3F93] =	sst s5  }
0xe: {  	[smem:$0x3F94] =	sst s6  }
0xf: {  	[smem:$0x3F95] =	sst s7  }
0x10: {  	[smem:$0x3F96] =	sst s8  }
0x11: {  	[smem:$0x3F97] =	sst s9;
	s0 =	simm.s32 @!p0 $0x0  }
0x12: {  	s1 =	sld [smem:$0x3F7D];
	s0 =	simm.s32 @p0 $0x1  }
0x13: {  	[smem:$0x3F98] =	sst s0;
	s0 =	simm.s32 @!p1 $0x0  }
0x14: {  	s2 =	sld [smem:$0x3F7C];
	s0 =	simm.s32 @p1 $0x1  }
0x15: {  	[smem:$0x3F99] =	sst s0;
	s0 =	simm.s32 @!p2 $0x0  }
0x16: {  	s3 =	sld [smem:$0x3FDB];
	s0 =	simm.s32 @p2 $0x1  }
0x17: {  	s4 =	simm.s32 $0x1BF5;
	[smem:$0x3F9B] =	sst s0  }
0x18: {  	s0 =	sld [smem:$0x3F7E];
	_ =	swait.ge [sflag:s4], $0x0  }
0x19: {  	s7 =	sld [smem:$0x3F7F]  }
0x1a: {  	s8 =	sadd.s32 $0xFFFFE003, lr  }
0x1b: {  	s9 =	sadd.s32 $0xFFFFFEF7, lr;
	s5 =	simm.s32 $0xFFFFFFFF;
	p2 =	slt.u32 s8, $0xFFFFF086  }
0x1c: {  	p1 =	slt.u32 s9, $0xF7A;
	s5 =	simm.s32 @!p2 $0x0  }
0x1d: {  	s5 =	simm.s32 @p1 $0x1;
	p0 =	seq.s32 s7, s2  }
0x1e: {  	s7 =	smul.u32 @!p0 $0xF7A, s2;
	p2 =	seq.s32 @!p0 s5, $0x0  }
0x1f: {  	s9 =	smul.u32 $0xF7A, s1;
	s8 =	simm.s32 @!p0 $0x1BF5;
	p2 =	por !p2, p0  }
0x20: {  	[sflag:s8] =	ssyncset.s32 @!p0 $0xFFFFF086;
	s6 =	sadd.s32 @!p0 s3, s7;
	s7 =	simm.s32 @!p0 $0x108  }
0x21: {  	s3 =	sadd.s32 s3, s9;
	s6 =	sadd.s32 @!p0 $0x88, s6;
	s7 =	simm.s32 @p2 $0x1082  }
0x22: {  	[simem:s7], [sflag:s8] =	dma.local @!p0 [hbm:s6], $0xF7A  }
0x23: {  	s9 =	sor.u32 $0xD0000000, s2;
	s6 =	simm.s32 $0x108;
	_ =	swait.ge @!p0 [sflag:s8], $0x0  }
0x24: {  	s3 =	sadd.s32 $0x88, s3;
	s6 =	simm.s32 @!p1 $0x1082;
	[sflag:s4] =	ssyncset.s32 $0xFFFFF086  }
0x25: {  	[simem:s6], [sflag:s4] =	dma.local [hbm:s3], $0xF7A  }
0x26: {  	[smem:$0x3F7F] =	sst s1;
	(tag) =	ssettag s2;
	_ =	strace s9  }
0x27: {  	s1 =	sld [smem:$0x3F8F]  }
0x28: {  	s2 =	sld [smem:$0x3F90]  }
0x29: {  	s4 =	sld [smem:$0x3F92]  }
0x2a: {  	p0 =	seq.s32 s5, $0x0;
	s5 =	sld [smem:$0x3F93]  }
0x2b: {  	s6 =	sld [smem:$0x3F94]  }
0x2c: {  	s7 =	sld [smem:$0x3F95]  }
0x2d: {  	s3 =	simm.s32 $0x108;
	s8 =	sld [smem:$0x3F96]  }
0x2e: {  	s3 =	simm.s32 @!p0 $0x1082;
	s9 =	sld [smem:$0x3F97]  }
0x2f: {  	lr =	sadd.s32 s0, s3;
	s0 =	sld [smem:$0x3F8E]  }
0x30: {  	s3 =	sld [smem:$0x3F91]  }
0x31: {  	[smem:$0x3F9A] =	sst s10  }
0x32: {  	s10 =	sld [smem:$0x3F98];
	_ =	sdelay $0x3  }
0x33: {  	p0 =	seq.s32 s10, $0x1;
	s10 =	sld [smem:$0x3F9A];
	_ =	sdelay $0x3  }
0x34: {  	[smem:$0x3F9A] =	sst s10  }
0x35: {  	s10 =	sld [smem:$0x3F99];
	_ =	sdelay $0x3  }
0x36: {  	p1 =	seq.s32 s10, $0x1;
	s10 =	sld [smem:$0x3F9A];
	_ =	sdelay $0x3  }
0x37: {  	[smem:$0x3F9A] =	sst s10  }
0x38: {  	s10 =	sld [smem:$0x3F9B]  }
0x39: {  	_ = 	snop;
	(pc) =	sbr.ind lr, $3  }
0x3a: {  	_ = 	snop  }
0x3b: {  	_ = 	snop  }
0x3c: {  	p2 =	seq.s32 s10, $0x1;
	s10 =	sld [smem:$0x3F9A]  }
0x3d: {  	_ =	shalt  }
0x3e: {  	_ =	shalt  }
0x3f: {  	_ =	shalt  }
0x40: {  	_ =	shalt  }
0x41: {  	_ =	shalt  }
0x42: {  	_ =	shalt  }
0x43: {  	_ =	shalt  }
0x44: {  	_ =	shalt  }
0x45: {  	_ =	shalt  }
0x46: {  	_ =	shalt  }
0x47: {  	_ =	shalt  }
0x48: {  	_ =	shalt  }
0x49: {  	_ =	shalt  }
0x4a: {  	_ =	shalt  }
0x4b: {  	_ =	shalt  }
0x4c: {  	_ =	shalt  }
0x4d: {  	_ =	shalt  }
0x4e: {  	_ =	shalt  }
0x4f: {  	_ =	shalt  }
0x50: {  	_ =	shalt  }
0x51: {  	_ =	shalt  }
0x52: {  	_ =	shalt  }
0x53: {  	_ =	shalt  }
0x54: {  	_ =	shalt  }
0x55: {  	_ =	shalt  }
0x56: {  	_ =	shalt  }
0x57: {  	_ =	shalt  }
0x58: {  	_ =	shalt  }
0x59: {  	_ =	shalt  }
0x5a: {  	_ =	shalt  }
0x5b: {  	_ =	shalt  }
0x5c: {  	_ =	shalt  }
0x5d: {  	_ =	shalt  }
0x5e: {  	_ =	shalt  }
0x5f: {  	_ =	shalt  }
0x60: {  	_ =	shalt  }
0x61: {  	_ =	shalt  }
0x62: {  	_ =	shalt  }
0x63: {  	_ =	shalt  }
0x64: {  	_ =	shalt  }
0x65: {  	_ =	shalt  }
0x66: {  	_ =	shalt  }
0x67: {  	_ =	shalt  }
0x68: {  	_ =	shalt  }
0x69: {  	_ =	shalt  }
0x6a: {  	_ =	shalt  }
0x6b: {  	_ =	shalt  }
0x6c: {  	_ =	shalt  }
0x6d: {  	_ =	shalt  }
0x6e: {  	_ =	shalt  }
0x6f: {  	_ =	shalt  }
0x70: {  	_ =	shalt  }
0x71: {  	_ =	shalt  }
0x72: {  	_ =	shalt  }
0x73: {  	_ =	shalt  }
0x74: {  	_ =	shalt  }
0x75: {  	_ =	shalt  }
0x76: {  	_ =	shalt  }
0x77: {  	_ =	shalt  }
0x78: {  	_ =	shalt  }
0x79: {  	_ =	shalt  }
0x7a: {  	_ =	shalt  }
0x7b: {  	_ =	shalt  }
0x7c: {  	_ =	shalt  }
0x7d: {  	_ =	shalt  }
0x7e: {  	_ =	shalt  }
0x7f: {  	_ =	shalt  }
0x80: {  	_ =	shalt  }
0x81: {  	_ =	shalt  }
0x82: {  	_ =	shalt  }
0x83: {  	_ =	shalt  }
0x84: {  	_ =	shalt  }
0x85: {  	_ =	shalt  }
0x86: {  	_ =	shalt  }
0x87: {  	_ =	shalt  }
.Lfunc_end0:
.L_simem_size_0:
called_computation.3_lowered:
.L_overlay_start_0:
0x88: {  	s2 =	sld [smem:$0x3FD9]  }
0x89: {  	s3 =	sld [smem:$0x3FFE];
	_ =	sdelay $0x1  }
0x8a: {  	s1 =	srdreg.scid  }
0x8b: {  	s0 =	sand.u32 $0x1, s1  }
0x8c: {  	s16 =	sshll.u32 s0, $0xA;
	s2 =	sadd.s32 s3, s2  }
0x8d: {  	s2 =	sadd.s32 s2, s16  }
0x8e: {  	[smem:$0x3FA6] =	sst s2  }
0x8f: {  	_ = 	snop  }
0x90: {  	(tm) =	ssettm $0x1  }
0x91: {  	s17 =	sld [smem:$0x3FFB];
	_ =	sdelay $0x3  }
0x92: {  	_ =	strace s17  }
0x93: {  	s2 =	sld [smem:$0x3FFC];
	_ =	sdelay $0x3  }
0x94: {  	_ =	strace s2  }
0x95: {  	s2 =	sld [smem:$0x3FFD];
	_ =	sdelay $0x3  }
0x96: {  	_ =	strace s2  }
0x97: {  	_ =	strace $0x8FFFFFFF  }
0x98: {  	s18 =	sld [smem:$0x3FDB];
	_ =	sdelay $0x1  }
0x99: {  	s19 =	simm.s32 $_scs_section_size  }
0x9a: {  	s4 =	simm.s32 $_size__tile_overlayer_lowered;
	s5 =	simm.s32 $_tile_overlayer_lowered  }
0x9b: {  	s22 =	simm.s32 $0x1BFF;
	s21 =	sshll.u32 s5, $0x1;
	s2 =	sadd.s32 s19, s18  }
0x9c: {  	s6 =	simm.s32 $0x0;
	s20 =	sshll.u32 s4, $0x1;
	s4 =	sadd.s32 s21, s2  }
0x9d: {  	[timem:s6], [sflag:s22] =	dma.local [hbm:s4], s20  }
0x9e: {  	_ =	swait.ge [sflag:s22], s20  }
0x9f: {  	s3 =	ssub.s32 $0x0, s20;
	[sflag:s22] =	ssyncset.done $0x0  }
0xa0: {  	[sflag:s22] =	ssyncadd.s32 s3;
	_ =	sdelay $0x1  }
0xa1: {  	s23 =	simm.s32 $0x1B8B  }
0xa2: {  	_ =	swait.ge [sflag:s23], $0x1  }
0xa3: {  	[sflag:s23] =	ssyncset.done $0x0  }
0xa4: {  	s25 =	simm.s32 $0x1B8E;
	s24 =	sld [smem:$0x3FFE];
	[sflag:s23] =	ssyncadd.s32 $0xFFFFFFFF  }
0xa5: {  	s26 =	simm.s32 $execute0_lowered;
	[smem:$0x3FD2] =	sst s25  }
0xa6: {  	s4 =	sshll.u32 s26, $0x1;
	_ =	strace $0x8000004F;
	[dreg:$0x1] =	wrdreg $0xFFFFFFFF  }
0xa7: {  	s28 =	simm.s32 $_size_execute0_lowered;
	s2 =	sadd.s32 s2, s4;
	[dreg:$0x0] =	wrdreg $0x0  }
0xa8: {  	s4 =	sshll.u32 s28, $0x1;
	[dreg:$0x2] =	wrdreg s2  }
0xa9: {  	[dreg:$0x3] =	wrdreg s4  }
0xaa: {  	[dreg:$0x4] =	wrdreg $0xC0  }
0xab: {  	_ =	task [dreg:s6], $0x5FFFF  }
0xac: {  	[dreg:$0x1] =	wrdreg $0xFFFFFFFF  }
0xad: {  	[dreg:$0x0] =	wrdreg $0x60  }
0xae: {  	[dreg:$0x2] =	wrdreg s24  }
0xaf: {  	[dreg:$0x3] =	wrdreg $0x42000  }
0xb0: {  	[dreg:$0x4] =	wrdreg $0x9  }
0xb1: {  	_ =	task.clear_ibuf [dreg:s6], $0x5FFFF;
	_ =	strace $0x9000004F  }
0xb2: {  	s29 =	simm.s32 $0x9;
	_ =	strace $0x80000051  }
0xb3: {  	_ =	swait.ge [sflag:s29], $0x1  }
0xb4: {  	[sflag:s29] =	ssyncadd.s32 $0xFFFFFFFF  }
0xb5: {  	_ =	strace $0x90000051  }
0xb6: {  	_ =	sfence  }
0xb7: {  	s30 =	sld [smem:$0x0];
	_ =	sdelay $0x2  }
0xb8: {  	s31 =	sshll.u32 s1, $0xD;
	s1 =	sshrl.u32 s1, $0x2  }
0xb9: {  	s3 =	sand.u32 $0x4000, s31;
	s1 =	sadd.s32 s1, s30  }
0xba: {  	s0 =	sor.u32 s3, s0;
	s1 =	sshll.u32 s1, $0x11  }
0xbb: {  	s0 =	sor.u32 s1, s0  }
0xbc: {  	s0 =	sadd.s32 $0x8F2B, s0  }
0xbd: {  	[sflag:s0] =	ssyncadd.remote.s32 $0x1  }
0xbe: {  	_ =	sfence.sel $0xFFFF  }
0xbf: {  	[dreg:$0x0] =	wrdreg $0xFFFFFFFF;
	(pc) =	sbr.abs _section_cstart, $3  }
0xc0: {  	[dreg:$0x1] =	wrdreg $0xFFFFFFFF  }
0xc1: {  	_ =	task.clear_ibuf [dreg:s6], $0x2FFFF;
	_ =	strace $0x9FFFFFFF  }
0xc2: {  	(tm) =	ssettm $0x7FFFFFFF  }
0xc3: {  	_ =	shalt  }
tec
execute0_lowered:
.L_overlay_start_1:
0x0: {  	(tag) =	ssettag $0x1  }
0x1: {  	s9 =	rddreg [dreg:$0x0]  }
0x2: {  	s2 =	rddreg [dreg:$0x1]  }
0x3: {  	s0 =	rddreg [dreg:$0x2];
	s3 =	simm.s32 $0x0;
	s4 =	srdreg.scid  }
0x4: {  	s1 =	stileid.u32;
	[smem:$0x7FF] =	sst s3;
	s15 =	sand.u32 $0x1, s4  }
0x5: {  	s5 =	sshll.u32 s1, $0x8;
	s29 =	sshll.u32 s1, $0xB;
	s30 =	sshll.u32 s1, $0x6  }
0x6: {  	_ =	strace $0x80000050;
	s4 =	sshll.u32 s15, $0x4;
	s16 =	sadd.s32 s5, s9  }
0x7: {  	s6 =	sadd.s32 s29, s2;
	s5 =	sor.u32 $0x1C01, s30;
	s10 =	sor.u32 s1, s4  }
0x8: {  	s4 =	sadd.s32 $0x35C00, s16;
	s7 =	sshrl.u32 s6, $0x3;
	s6 =	simm.s32 $0x1  }
0x9: {  	[spmem:s7], [sflag:s5] =	dma.local [hbm:s4], $0x100  }
0xa: {  	s8 =	sshll.u32 s10, $0x6;
	_ =	swait.ge [sflag:s6], $0x100  }
0xb: {  	s8 =	sadd.s32 s8, s9;
	[sflag:s6] =	ssyncset.done $0x0  }
0xc: {  	s8 =	sadd.s32 $0xB9C00, s8;
	[sflag:s6] =	ssyncadd.s32 $0xFFFFFF00  }
0xd: {  	[tilespmem:s3], [sflag:$0x1] =	stream.linear.gather [hbm4b:s8+s3], $0x180, $0x38;
	[tilespmem:$0x4A00] =	vst v63  }
0xe: {  	s10 =	smul.u32 $0x1800, s10;
	_ =	swait.ge [sflag:s6], $0x180  }
0xf: {  	[sflag:s6] =	ssyncset.done $0x0  }
0x10: {  	s13 =	sadd.s32 s10, s9;
	[sflag:s6] =	ssyncadd.s32 $0xFFFFFE80  }
0x11: {  	s10 =	simm.s32 $0x200;
	s9 =	sadd.s32 $0x5C00, s13;
	[bflag:$0x0] =	sbarrier.arrive $0xFFFF  }
0x12: {  	[tilespmem:s10], [sflag:$0x1] =	stream.linear.gather [hbm4b:s9+s3], $0x4000, $0x38;
	[tilespmem:$0x4A00] =	vst v63  }
0x13: {  	_ =	swait.ge [sflag:s6], $0x4000  }
0x14: {  	[sflag:s6] =	ssyncset.done $0x0  }
0x15: {  	s11 =	simm.s32 $0x80;
	[sflag:s6] =	ssyncadd.s32 $0xFFFFC000  }
0x16: {  	[spmem:s2] =	stream.indirect.scatter.add.f32 [tilespmem:s10], [sflag:$0x1], $0x80, s3, s11, $0xb8;
	[tilespmem:$0x4A00] =	vst v63  }
0x17: {  	_ =	swait.ge [sflag:s6], $0x4000  }
0x18: {  	[sflag:s6] =	ssyncset.done $0x0  }
0x19: {  	s12 =	sadd.s32 $0x6400, s13;
	[sflag:s6] =	ssyncadd.s32 $0xFFFFC000  }
0x1a: {  	[tilespmem:s10], [sflag:$0x1] =	stream.linear.gather [hbm4b:s12+s3], $0x4000, $0x38;
	[tilespmem:$0x4A00] =	vst v63  }
0x1b: {  	_ =	swait.ge [sflag:s6], $0x4000  }
0x1c: {  	[sflag:s6] =	ssyncset.done $0x0  }
0x1d: {  	[sflag:s6] =	ssyncadd.s32 $0xFFFFC000  }
0x1e: {  	[spmem:s2] =	stream.indirect.scatter.add.f32 [tilespmem:s10], [sflag:$0x1], $0x80, s11, s11, $0xb8;
	[tilespmem:$0x4A00] =	vst v63  }
0x1f: {  	_ =	swait.ge [sflag:s6], $0x4000  }
0x20: {  	[sflag:s6] =	ssyncset.done $0x0  }
0x21: {  	s13 =	sadd.s32 $0x6C00, s13;
	[sflag:s6] =	ssyncadd.s32 $0xFFFFC000  }
0x22: {  	[tilespmem:s10], [sflag:$0x1] =	stream.linear.gather [hbm4b:s13+s3], $0x4000, $0x38;
	[tilespmem:$0x4A00] =	vst v63  }
0x23: {  	s17 =	ssub.s32 $0x2, s15;
	_ =	swait.ge [sflag:s6], $0x4000  }
0x24: {  	s18 =	sshrl.u32 s17, $0x1;
	[sflag:s6] =	ssyncset.done $0x0  }
0x25: {  	s14 =	simm.s32 $0x100;
	s17 =	ssub.s32 s17, s18;
	[sflag:s6] =	ssyncadd.s32 $0xFFFFC000  }
0x26: {  	[spmem:s2] =	stream.indirect.scatter.add.f32 [tilespmem:s10], [sflag:$0x1], $0x80, s14, s11, $0xb8;
	[tilespmem:$0x4A00] =	vst v63  }
0x27: {  	s31 =	smax.u32 s17, $0x1;
	_ =	swait.ge [sflag:s6], $0x4000  }
0x28: {  	s15 =	sshll.u32 s15, $0xC;
	p0 =	sne.s32 s31, $0x1;
	[sflag:s6] =	ssyncset.done $0x0  }
.Ltmp0:
0x29: {  	s15 =	sadd.s32 s15, s16;
	[sflag:s6] =	ssyncadd.s32 $0xFFFFC000;
	(pc) =	sbr.rel @!p0 .LBB2_2-.Ltmp0, $4  }
0x2a: {  	s15 =	sadd.s32 $0x36C00, s15;
	[bflag:$0x0] =	sbarrier.arrive $0xFFFF  }
0x2b: {  	[hbm:s15], [sflag:s5] =	dma.local [spmem:s7], $0x100  }
0x2c: {  	_ =	swait.ge [sflag:s6], $0x100  }
0x2d: {  	s16 =	sadd.s32 $0xFFFFFFFF, s31;
	[sflag:s6] =	ssyncset.done $0x0  }
.LBB2_1:
0x2e: {  	p0 =	sne.s32 s16, $0x1;
	s16 =	sadd.s32 $0xFFFFFFFF, s16;
	[sflag:s6] =	ssyncadd.s32 $0xFFFFFF00  }
0x2f: {  	[spmem:s7], [sflag:s5] =	dma.local [hbm:s4], $0x100  }
0x30: {  	_ =	swait.ge [sflag:s6], $0x100  }
0x31: {  	[sflag:s6] =	ssyncset.done $0x0  }
0x32: {  	[sflag:s6] =	ssyncadd.s32 $0xFFFFFF00  }
0x33: {  	[tilespmem:s3], [sflag:$0x1] =	stream.linear.gather [hbm4b:s8+s3], $0x180, $0x38;
	[tilespmem:$0x4A00] =	vst v63  }
0x34: {  	_ =	swait.ge [sflag:s6], $0x180  }
0x35: {  	[sflag:s6] =	ssyncset.done $0x0  }
0x36: {  	[sflag:s6] =	ssyncadd.s32 $0xFFFFFE80  }
0x37: {  	[bflag:$0x0] =	sbarrier.arrive $0xFFFF  }
0x38: {  	[tilespmem:s10], [sflag:$0x1] =	stream.linear.gather [hbm4b:s9+s3], $0x4000, $0x38;
	[tilespmem:$0x4A00] =	vst v63  }
0x39: {  	_ =	swait.ge [sflag:s6], $0x4000  }
0x3a: {  	[sflag:s6] =	ssyncset.done $0x0  }
0x3b: {  	[sflag:s6] =	ssyncadd.s32 $0xFFFFC000  }
0x3c: {  	[spmem:s2] =	stream.indirect.scatter.add.f32 [tilespmem:s10], [sflag:$0x1], $0x80, s3, s11, $0xb8;
	[tilespmem:$0x4A00] =	vst v63  }
0x3d: {  	_ =	swait.ge [sflag:s6], $0x4000  }
0x3e: {  	[sflag:s6] =	ssyncset.done $0x0  }
0x3f: {  	[sflag:s6] =	ssyncadd.s32 $0xFFFFC000  }
0x40: {  	[tilespmem:s10], [sflag:$0x1] =	stream.linear.gather [hbm4b:s12+s3], $0x4000, $0x38;
	[tilespmem:$0x4A00] =	vst v63  }
0x41: {  	_ =	swait.ge [sflag:s6], $0x4000  }
0x42: {  	[sflag:s6] =	ssyncset.done $0x0  }
0x43: {  	[sflag:s6] =	ssyncadd.s32 $0xFFFFC000  }
0x44: {  	[spmem:s2] =	stream.indirect.scatter.add.f32 [tilespmem:s10], [sflag:$0x1], $0x80, s11, s11, $0xb8;
	[tilespmem:$0x4A00] =	vst v63  }
0x45: {  	_ =	swait.ge [sflag:s6], $0x4000  }
0x46: {  	[sflag:s6] =	ssyncset.done $0x0  }
0x47: {  	[sflag:s6] =	ssyncadd.s32 $0xFFFFC000  }
0x48: {  	[tilespmem:s10], [sflag:$0x1] =	stream.linear.gather [hbm4b:s13+s3], $0x4000, $0x38;
	[tilespmem:$0x4A00] =	vst v63  }
0x49: {  	_ =	swait.ge [sflag:s6], $0x4000  }
0x4a: {  	[sflag:s6] =	ssyncset.done $0x0  }
0x4b: {  	[sflag:s6] =	ssyncadd.s32 $0xFFFFC000  }
0x4c: {  	[spmem:s2] =	stream.indirect.scatter.add.f32 [tilespmem:s10], [sflag:$0x1], $0x80, s14, s11, $0xb8;
	[tilespmem:$0x4A00] =	vst v63  }
0x4d: {  	_ =	swait.ge [sflag:s6], $0x4000  }
0x4e: {  	[sflag:s6] =	ssyncset.done $0x0  }
.Ltmp1:
0x4f: {  	[sflag:s6] =	ssyncadd.s32 $0xFFFFC000;
	(pc) =	sbr.rel @p0 .LBB2_1-.Ltmp1, $4  }
0x50: {  	[bflag:$0x0] =	sbarrier.arrive $0xFFFF  }
0x51: {  	[hbm:s15], [sflag:s5] =	dma.local [spmem:s7], $0x100  }
0x52: {  	_ =	swait.ge [sflag:s6], $0x100  }
0x53: {  	[sflag:s6] =	ssyncset.done $0x0  }
.LBB2_2:
0x54: {  	[sflag:s6] =	ssyncadd.s32 $0xFFFFFF00  }
0x55: {  	_ =	sfence.sel $0x180000  }
0x56: {  	[bflag:$0x0] =	sbarrier.arrive $0xFFFF  }
0x57: {  	p0 =	sne.s32 s1, $0x0;
	_ =	strace $0x90000050  }
0x58: {  	s0 =	sadd.s32 @!p0 $0x100000, s0;
	[bflag:$0x2] =	sbarrier.arrive $0xFFFF  }
0x59: {  	[sflag:s0] =	ssyncadd.tile.s32 @!p0 $0x1;
	_ =	shalt  }
.Lfunc_end2:
_tile_overlayer_lowered:
.L_overlay_start_2:
0x5a: {  	(tag) =	ssettag $0x2  }
0x5b: {  	s0 =	rddreg [dreg:$0x0];
	s2 =	stileid.u32  }
0x5c: {  	s1 =	rddreg [dreg:$0x1];
	p0 =	sne.s32 s2, $0x0  }
0x5d: {  	s3 =	rddreg [dreg:$0x2];
	[bflag:$0x3] =	sbarrier.arrive $0xFFFF;
	s2 =	simm.s32 @!p0 $0x1C01  }
0x5e: {  	[timem:s3], [sflag:s2] =	dma.local @!p0 [hbm:s0], s1  }
0x5f: {  	s0 =	simm.s32 @!p0 $0x1  }
0x60: {  	_ =	swait.ge @!p0 [sflag:s0], s1  }
0x61: {  	s1 =	ssub.s32 @!p0 $0x0, s1;
	[sflag:s0] =	ssyncset.done @!p0 $0x0  }
0x62: {  	[sflag:s0] =	ssyncadd.s32 @!p0 s1  }
0x63: {  	[bflag:$0x3] =	sbarrier.arrive $0xFFFF  }
0x64: {  	_ =	shalt  }

</sc_bundles>
